<compile_context>
chip_gen: v7x
topology: tpu7x:2x2x1
jax: 0.10.2.dev20260603
libtpu: 0.0.44.dev20260713+nightly
codegen_flags: <defaults>
</compile_context>

<pallas_src>
import functools

import jax
import jax.numpy as jnp
import numpy as np
from jax import lax
from jax.experimental import pallas as pl
from jax.experimental.pallas import tpu as pltpu
from jax.experimental.pallas import tpu_sc as plsc

N = 10000
NP = 10240
E = 320000
P = 100000
D = 64
NC, NS = 2, 16
NW = NC * NS
CH = 128
EC = 80
EP = NW * EC * CH
PC = 26
PP = NW * PC * CH
RPT = NP // NS



def _mm(a, b):
    return lax.dot_general(a, b, (((1,), (1,)), ((), ())),
                           preferred_element_type=jnp.float32)


def _stage_a(x_ref, wl_ref, wr_ref, y1_ref, r1_ref):
    xb = x_ref[...]
    y1_ref[...] = _mm(xb, wl_ref[...])
    r1_ref[...] = _mm(xb, wr_ref[...])


def _stage_c(acc_ref, deg_ref, r1_ref, b1_ref, w2l_ref, w2r_ref, b2_ref,
             y2_ref, p2_ref, rec_ref):
    deg = deg_ref[0, :, 0:1] + deg_ref[1, :, 0:1]
    rec = 1.0 / jnp.maximum(deg, 1.0)
    agg = (acc_ref[0] + acc_ref[1]) * rec
    h1 = jnp.maximum(agg + b1_ref[...] + r1_ref[...], 0.0)
    y2_ref[...] = _mm(h1, w2l_ref[...])
    p2_ref[...] = _mm(h1, w2r_ref[...]) + b2_ref[...]
    rec_ref[...] = jnp.broadcast_to(rec, rec_ref.shape)


def _stage_e(acc_ref, rec_ref, p2_ref, wpa_ref, wpb_ref, u_ref, v_ref):
    h2 = (acc_ref[0] + acc_ref[1]) * rec_ref[...] + p2_ref[...]
    u_ref[...] = _mm(h2, wpa_ref[...])
    v_ref[...] = _mm(h2, wpb_ref[...])


def _stage_g(gu_ref, gv_ref, bp1c_ref, wp2c_ref, bp2_ref, pr_ref):
    z = jnp.maximum(gu_ref[...] + gv_ref[...] + bp1c_ref[...], 0.0)
    part = z * wp2c_ref[...]
    l0 = jnp.sum(part[:, :D], axis=1) + bp2_ref[0, 0]
    l1 = jnp.sum(part[:, D:], axis=1) + bp2_ref[0, 0]
    pr_ref[...] = jax.nn.sigmoid(jnp.stack([l0, l1], axis=-1))



def _seg_sum_body(with_deg, y_hbm, srcv_hbm, dstv_hbm, z64_hbm, z16_hbm,
                  ones_hbm, acc_hbm, deg_hbm, idxs_v, idxd_v,
                  rb0, rb1, rb2, rb3, zb, ones_v, z16_v, acc_s, deg_s,
                  gs0, gs1, gs2, gs3, ss0, ss1, ss2, ss3):
    c = lax.axis_index("c")
    s = lax.axis_index("s")
    wid = c * NS + s
    rbs = [rb0, rb1, rb2, rb3]
    gss = [gs0, gs1, gs2, gs3]
    sss = [ss0, ss1, ss2, ss3]
    pltpu.sync_copy(z64_hbm, zb)
    if with_deg:
        pltpu.sync_copy(z16_hbm, z16_v)
        pltpu.sync_copy(ones_hbm, ones_v)

    def zbody(k, carry):
        pltpu.sync_copy(zb, acc_s.at[pl.ds(s * RPT + k * CH, CH)])
        if with_deg:
            pltpu.sync_copy(z16_v, deg_s.at[pl.ds(s * RPT + k * CH, CH)])
        return carry

    lax.fori_loop(0, RPT // CH, zbody, 0)
    pltpu.sync_copy(srcv_hbm.at[wid], idxs_v)
    pltpu.sync_copy(dstv_hbm.at[wid], idxd_v)
    plsc.subcore_barrier()

    rb_a, rb_b = rb0, rb1
    gs_a, gs_b = gs0, gs1
    pltpu.async_copy(y_hbm.at[idxs_v.at[0]], rb_a, gs_a)
    if with_deg:
        pltpu.async_copy(ones_v, deg_s.at[idxd_v.at[0]], ss0, add=True)
        pltpu.async_copy(ones_v, deg_s.at[idxd_v.at[1]], ss1, add=True)

    def body(t, carry):
        j0 = 2 * t
        j1 = j0 + 1
        j2 = j0 + 2
        j3 = j0 + 3
        pltpu.async_copy(y_hbm.at[idxs_v.at[j1]], rb_b, gs_b)
        pltpu.make_async_copy(y_hbm.at[idxs_v.at[j0]], rb_a, gs_a).wait()
        pltpu.sync_copy(rb_a, acc_s.at[idxd_v.at[j0]], add=True)
        if with_deg:
            pltpu.make_async_copy(ones_v, deg_s.at[idxd_v.at[0]],
                                  ss0).wait()
            pltpu.async_copy(ones_v, deg_s.at[idxd_v.at[j2]], ss0, add=True)
        pltpu.async_copy(y_hbm.at[idxs_v.at[j2]], rb_a, gs_a)
        pltpu.make_async_copy(y_hbm.at[idxs_v.at[j1]], rb_b, gs_b).wait()
        pltpu.sync_copy(rb_b, acc_s.at[idxd_v.at[j1]], add=True)
        if with_deg:
            pltpu.make_async_copy(ones_v, deg_s.at[idxd_v.at[0]],
                                  ss1).wait()
            pltpu.async_copy(ones_v, deg_s.at[idxd_v.at[j3]], ss1, add=True)
        return carry

    lax.fori_loop(0, EC // 2, body, 0)
    pltpu.make_async_copy(y_hbm.at[idxs_v.at[0]], rb_a, gs_a).wait()
    if with_deg:
        pltpu.make_async_copy(ones_v, deg_s.at[idxd_v.at[0]], ss0).wait()
        pltpu.make_async_copy(ones_v, deg_s.at[idxd_v.at[0]], ss1).wait()
    plsc.subcore_barrier()

    def wbody(k, carry):
        base = s * RPT + k * CH
        pltpu.sync_copy(acc_s.at[pl.ds(base, CH)], rb0)
        pltpu.sync_copy(rb0, acc_hbm.at[c, pl.ds(base, CH)])
        if with_deg:
            pltpu.sync_copy(deg_s.at[pl.ds(base, CH)], z16_v)
            pltpu.sync_copy(z16_v, deg_hbm.at[c, pl.ds(base, CH)])
        return carry

    lax.fori_loop(0, RPT // CH, wbody, 0)


def _gather_pairs_body(u_hbm, v_hbm, sidx_hbm, didx_hbm, gu_hbm, gv_hbm,
                       idxs_v, idxd_v, bu_a, bv_a, bu_b, bv_b,
                       su_a, sv_a, su_b, sv_b):
    c = lax.axis_index("c")
    s = lax.axis_index("s")
    wid = c * NS + s
    pltpu.sync_copy(sidx_hbm.at[wid], idxs_v)
    pltpu.sync_copy(didx_hbm.at[wid], idxd_v)
    pltpu.async_copy(u_hbm.at[idxs_v.at[0]], bu_a, su_a)
    pltpu.async_copy(v_hbm.at[idxd_v.at[0]], bv_a, sv_a)

    def body(t, carry):
        j0 = 2 * t
        j1 = j0 + 1
        j2 = (j0 + 2) % PC
        pltpu.async_copy(u_hbm.at[idxs_v.at[j1]], bu_b, su_b)
        pltpu.async_copy(v_hbm.at[idxd_v.at[j1]], bv_b, sv_b)
        pltpu.make_async_copy(u_hbm.at[idxs_v.at[j0]], bu_a, su_a).wait()
        pltpu.make_async_copy(v_hbm.at[idxd_v.at[j0]], bv_a, sv_a).wait()
        base0 = (wid * PC + j0) * CH
        pltpu.sync_copy(bu_a, gu_hbm.at[pl.ds(base0, CH)])
        pltpu.sync_copy(bv_a, gv_hbm.at[pl.ds(base0, CH)])
        pltpu.async_copy(u_hbm.at[idxs_v.at[j2]], bu_a, su_a)
        pltpu.async_copy(v_hbm.at[idxd_v.at[j2]], bv_a, sv_a)
        pltpu.make_async_copy(u_hbm.at[idxs_v.at[j1]], bu_b, su_b).wait()
        pltpu.make_async_copy(v_hbm.at[idxd_v.at[j1]], bv_b, sv_b).wait()
        base1 = (wid * PC + j1) * CH
        pltpu.sync_copy(bu_b, gu_hbm.at[pl.ds(base1, CH)])
        pltpu.sync_copy(bv_b, gv_hbm.at[pl.ds(base1, CH)])
        return carry

    lax.fori_loop(0, PC // 2, body, 0)
    pltpu.make_async_copy(u_hbm.at[idxs_v.at[0]], bu_a, su_a).wait()
    pltpu.make_async_copy(v_hbm.at[idxd_v.at[0]], bv_a, sv_a).wait()


_SC_MESH = plsc.VectorSubcoreMesh(core_axis_name="c", subcore_axis_name="s",
                                  num_cores=NC, num_subcores=NS)

_SEG_SCRATCH = ([pltpu.VMEM((EC + 2, CH), jnp.int32),
                 pltpu.VMEM((EC + 2, CH), jnp.int32)]
                + [pltpu.VMEM((CH, D), jnp.float32)] * 5
                + [pltpu.VMEM((CH, 16), jnp.float32),
                   pltpu.VMEM((CH, 16), jnp.float32),
                   pltpu.VMEM_SHARED((NP, D), jnp.float32),
                   pltpu.VMEM_SHARED((NP, 16), jnp.float32)]
                + [pltpu.SemaphoreType.DMA] * 8)

_seg_sum_deg = functools.partial(
    pl.kernel, functools.partial(_seg_sum_body, True),
    out_type=(jax.ShapeDtypeStruct((NC, NP, D), jnp.float32),
              jax.ShapeDtypeStruct((NC, NP, 16), jnp.float32)),
    mesh=_SC_MESH,
    compiler_params=pltpu.CompilerParams(use_tc_tiling_on_sc=False),
    scratch_types=_SEG_SCRATCH,
)()

_seg_sum_nodeg = functools.partial(
    pl.kernel, functools.partial(_seg_sum_body, False),
    out_type=(jax.ShapeDtypeStruct((NC, NP, D), jnp.float32),
              jax.ShapeDtypeStruct((NC, NP, 16), jnp.float32)),
    mesh=_SC_MESH,
    compiler_params=pltpu.CompilerParams(use_tc_tiling_on_sc=False),
    scratch_types=_SEG_SCRATCH,
)()

_gather_pairs = functools.partial(
    pl.kernel, _gather_pairs_body,
    out_type=(jax.ShapeDtypeStruct((PP, D), jnp.float32),
              jax.ShapeDtypeStruct((PP, D), jnp.float32)),
    mesh=_SC_MESH,
    compiler_params=pltpu.CompilerParams(use_tc_tiling_on_sc=False),
    scratch_types=[pltpu.VMEM((PC, CH), jnp.int32),
                   pltpu.VMEM((PC, CH), jnp.int32),
                   pltpu.VMEM((CH, D), jnp.float32),
                   pltpu.VMEM((CH, D), jnp.float32),
                   pltpu.VMEM((CH, D), jnp.float32),
                   pltpu.VMEM((CH, D), jnp.float32),
                   pltpu.SemaphoreType.DMA,
                   pltpu.SemaphoreType.DMA,
                   pltpu.SemaphoreType.DMA,
                   pltpu.SemaphoreType.DMA],
)()



def kernel(x, edge_index, edge_label_index, W1_l, b1_l, W1_r,
           W2_l, b2_l, W2_r, Wp1, bp1, Wp2, bp2):
    f32 = jnp.float32
    ei = edge_index.astype(jnp.int32)
    epad_s = jnp.asarray(np.arange(EP - E, dtype=np.int32) % N)
    epad_d = jnp.asarray(N + np.arange(EP - E, dtype=np.int32) % (NP - N))
    jnk = np.arange(NW * 2 * CH, dtype=np.int32).reshape(NW, 2, CH)
    jnk_s = jnp.asarray(jnk % N)
    jnk_d = jnp.asarray(N + jnk % (NP - N))
    srcv = jnp.concatenate(
        [jnp.concatenate([ei[0], epad_s]).reshape(NW, EC, CH), jnk_s], axis=1)
    dstv = jnp.concatenate(
        [jnp.concatenate([ei[1], epad_d]).reshape(NW, EC, CH), jnk_d], axis=1)
    eli = edge_label_index.astype(jnp.int32)
    ppad = jnp.asarray(np.arange(PP - P, dtype=np.int32) % N)
    sidx = jnp.concatenate([eli[0], ppad]).reshape(NW, PC, CH)
    didx = jnp.concatenate([eli[1], ppad]).reshape(NW, PC, CH)
    z64 = jnp.asarray(np.zeros((CH, D), np.float32))
    z16 = jnp.asarray(np.zeros((CH, 16), np.float32))
    ones16 = jnp.asarray(np.ones((CH, 16), np.float32))

    nb = pl.cdiv(N, 1024)
    row_spec = pl.BlockSpec((1024, D), lambda i: (i, 0))
    acc_spec = pl.BlockSpec((NC, 1024, D), lambda i: (0, i, 0))
    deg_spec = pl.BlockSpec((NC, 1024, 16), lambda i: (0, i, 0))
    w64_spec = pl.BlockSpec((D, D), lambda i: (0, 0))
    b_spec = pl.BlockSpec((1, D), lambda i: (0, 0))
    row_out = jax.ShapeDtypeStruct((N, D), f32)

    y1, r1 = pl.pallas_call(
        _stage_a,
        grid=(nb,),
        in_specs=[pl.BlockSpec((1024, 128), lambda i: (i, 0)),
                  pl.BlockSpec((D, 128), lambda i: (0, 0)),
                  pl.BlockSpec((D, 128), lambda i: (0, 0))],
        out_specs=[row_spec, row_spec],
        out_shape=[row_out, row_out],
    )(x, W1_l, W1_r)

    acc1, deg = _seg_sum_deg(y1, srcv, dstv, z64, z16, ones16)

    y2, p2, rec = pl.pallas_call(
        _stage_c,
        grid=(nb,),
        in_specs=[acc_spec, deg_spec, row_spec, b_spec, w64_spec, w64_spec,
                  b_spec],
        out_specs=[row_spec, row_spec, row_spec],
        out_shape=[row_out, row_out, row_out],
    )(acc1, deg, r1, b1_l.reshape(1, D), W2_l, W2_r, b2_l.reshape(1, D))

    acc2, _ = _seg_sum_nodeg(y2, srcv, dstv, z64, z16, ones16)

    u, v = pl.pallas_call(
        _stage_e,
        grid=(nb,),
        in_specs=[acc_spec, row_spec, row_spec, w64_spec, w64_spec],
        out_specs=[row_spec, row_spec],
        out_shape=[row_out, row_out],
    )(acc2, rec, p2, Wp1[:, :D], Wp1[:, D:])

    gu, gv = _gather_pairs(u, v, sidx, didx)

    PPH = PP // 2
    gu2 = gu.reshape(PPH, 2 * D)
    gv2 = gv.reshape(PPH, 2 * D)
    bp1c = jnp.concatenate([bp1, bp1]).reshape(1, 2 * D)
    wp2c = jnp.concatenate([Wp2[0], Wp2[0]]).reshape(1, 2 * D)
    GB = 4096
    pb = pl.cdiv(PPH, GB)
    pr2 = pl.pallas_call(
        _stage_g,
        grid=(pb,),
        in_specs=[pl.BlockSpec((GB, 2 * D), lambda i: (i, 0)),
                  pl.BlockSpec((GB, 2 * D), lambda i: (i, 0)),
                  pl.BlockSpec((1, 2 * D), lambda i: (0, 0)),
                  pl.BlockSpec((1, 2 * D), lambda i: (0, 0)),
                  pl.BlockSpec((1, 1), lambda i: (0, 0))],
        out_specs=pl.BlockSpec((GB, 2), lambda i: (i, 0)),
        out_shape=jax.ShapeDtypeStruct((PPH, 2), f32),
    )(gu2, gv2, bp1c, wp2c, bp2.reshape(1, 1))

    return pr2.reshape(PP)[:P]

# --- scband reference (transcript-rebuilt; emitter-appended) ---
"""Pipeline reference for scband-link-prediction-model-37907381354824 (READ-ONLY COPY).

The authoritative reference and input builder live on the scoring server;
editing this copy changes nothing except your own understanding.
"""

import jax, jax.numpy as jnp
import numpy as np

N_NODES = 10000


def sage_conv(x, src, dst, W_l, b_l, W_r):
    # PyG SAGEConv with mean aggregation:
    # out = lin_l(mean_{j in N(i)} x_j) + lin_r(x_i)
    msgs = x[src]  # gather source node features [E, d]
    agg = jax.ops.segment_sum(msgs, dst, num_segments=N_NODES)
    deg = jax.ops.segment_sum(jnp.ones((src.shape[0],), x.dtype), dst, num_segments=N_NODES)
    agg = agg / jnp.maximum(deg, 1.0)[:, None]
    return agg @ W_l.T + b_l + x @ W_r.T


def setup_inputs(seed: int = 0) -> dict:
    key = jax.random.key(seed)
    ks = jax.random.split(key, 16)
    x = jax.random.normal(ks[0], (N_NODES, 128), dtype=jnp.float32)
    edge_index = jax.random.randint(ks[1], (2, 320000), 0, N_NODES, dtype=jnp.int64)
    edge_label_index = jax.random.randint(ks[2], (2, 100000), 0, N_NODES, dtype=jnp.int64)
    # SAGEConv layer 1: 128 -> 64 (lin_l with bias, lin_r no bias)
    W1_l = jax.random.normal(ks[3], (64, 128), dtype=jnp.float32) * 0.05
    b1_l = jnp.zeros((64,), dtype=jnp.float32)
    W1_r = jax.random.normal(ks[4], (64, 128), dtype=jnp.float32) * 0.05
    # SAGEConv layer 2: 64 -> 64
    W2_l = jax.random.normal(ks[5], (64, 64), dtype=jnp.float32) * 0.05
    b2_l = jnp.zeros((64,), dtype=jnp.float32)
    W2_r = jax.random.normal(ks[6], (64, 64), dtype=jnp.float32) * 0.05
    # LinkPredictor MLP: Linear(128, 64) -> ReLU -> Linear(64, 1) -> Sigmoid
    Wp1 = jax.random.normal(ks[7], (64, 128), dtype=jnp.float32) * 0.05
    bp1 = jnp.zeros((64,), dtype=jnp.float32)
    Wp2 = jax.random.normal(ks[8], (1, 64), dtype=jnp.float32) * 0.05
    bp2 = jnp.zeros((1,), dtype=jnp.float32)
    return {"x": x, "edge_index": edge_index, "edge_label_index": edge_label_index,
            "W1_l": W1_l, "b1_l": b1_l, "W1_r": W1_r,
            "W2_l": W2_l, "b2_l": b2_l, "W2_r": W2_r,
            "Wp1": Wp1, "bp1": bp1, "Wp2": Wp2, "bp2": bp2}


def reference(x, edge_index, edge_label_index, W1_l, b1_l, W1_r, W2_l, b2_l, W2_r, Wp1, bp1, Wp2, bp2):
    src, dst = edge_index[0], edge_index[1]
    # encoder (dropout is identity in eval mode)
    h = sage_conv(x, src, dst, W1_l, b1_l, W1_r)
    h = jax.nn.relu(h)
    h = sage_conv(h, src, dst, W2_l, b2_l, W2_r)
    # link predictor
    src_emb = h[edge_label_index[0]]
    dst_emb = h[edge_label_index[1]]
    pair = jnp.concatenate([src_emb, dst_emb], axis=1)
    z = jax.nn.relu(pair @ Wp1.T + bp1)
    logits = z @ Wp2.T + bp2
    probs = jax.nn.sigmoid(logits)
    return jnp.squeeze(probs)

if __name__ == "__main__":
    import jax
    _d = setup_inputs()
    print(jax.jit(kernel)(*tuple(_d.values())))

</pallas_src>

<mosaic_0001>
#map = affine_map<(d0, d1) -> (0, 0)>
#map1 = affine_map<(d0, d1) -> (0, 0, 0)>
module attributes {stable_mosaic.version = 14 : i64} {
  func.func @_gather_pairs_body(%arg0: i32, %arg1: i32, %arg2: memref<10000x64xf32, #tpu.memory_space<hbm>>, %arg3: memref<10000x64xf32, #tpu.memory_space<hbm>>, %arg4: memref<32x26x128xi32, #tpu.memory_space<hbm>>, %arg5: memref<32x26x128xi32, #tpu.memory_space<hbm>>, %arg6: memref<106496x64xf32, #tpu.memory_space<hbm>>, %arg7: memref<106496x64xf32, #tpu.memory_space<hbm>>, %arg8: memref<26x128xi32, #tpu.memory_space<vmem>>, %arg9: memref<26x128xi32, #tpu.memory_space<vmem>>, %arg10: memref<128x64xf32, #tpu.memory_space<vmem>>, %arg11: memref<128x64xf32, #tpu.memory_space<vmem>>, %arg12: memref<128x64xf32, #tpu.memory_space<vmem>>, %arg13: memref<128x64xf32, #tpu.memory_space<vmem>>, %arg14: memref<!tpu.dma_semaphore, #tpu.memory_space<semaphore_mem>>, %arg15: memref<!tpu.dma_semaphore, #tpu.memory_space<semaphore_mem>>, %arg16: memref<!tpu.dma_semaphore, #tpu.memory_space<semaphore_mem>>, %arg17: memref<!tpu.dma_semaphore, #tpu.memory_space<semaphore_mem>>) attributes {dimension_semantics = [#tpu.dimension_semantics<core_parallel>, #tpu.dimension_semantics<subcore_parallel>], iteration_bounds = array<i64: 2, 16>, scalar_prefetch = 0 : i64, scratch_operands = 10 : i64, tpu.core_type = #tpu.core_type<sc_vector_subcore>, window_params = [{transform_indices = #map}, {transform_indices = #map}, {transform_indices = #map1}, {transform_indices = #map1}, {transform_indices = #map}, {transform_indices = #map}]} {
    %mul3A = arith.constant 16 : i32
    %mul3A_0 = arith.muli %arg0, %mul3A : i32
    %add3A = arith.addi %mul3A_0, %arg1 : i32
    "tpu.region"() ({
      %run_scoped3A = tpu.sem_alloc : memref<!tpu.dma_semaphore, #tpu.memory_space<semaphore_mem>>
      %dma_start3A_32 = arith.constant 0 : i32
      %dma_start3A_33 = arith.constant 0 : i32
      %dma_start3A_34 = tpu.memref_slice %arg4[%add3A, %dma_start3A_32, %dma_start3A_33] : memref<32x26x128xi32, #tpu.memory_space<hbm>> -> memref<1x26x128xi32, #tpu.memory_space<hbm>>
      %dma_start3A_35 = tpu.memref_squeeze %dma_start3A_34 : memref<1x26x128xi32, #tpu.memory_space<hbm>> -> memref<26x128xi32, #tpu.memory_space<hbm>>
      %dma_start3A_36 = arith.constant 0 : i32
      %dma_start3A_37 = arith.constant 0 : i32
      %dma_start3A_38 = tpu.memref_slice %arg4[%add3A, %dma_start3A_36, %dma_start3A_37] : memref<32x26x128xi32, #tpu.memory_space<hbm>> -> memref<1x26x128xi32, #tpu.memory_space<hbm>>
      %dma_start3A_39 = tpu.memref_squeeze %dma_start3A_38 : memref<1x26x128xi32, #tpu.memory_space<hbm>> -> memref<26x128xi32, #tpu.memory_space<hbm>>
      tpu.enqueue_dma source(%dma_start3A_39 : memref<26x128xi32, #tpu.memory_space<hbm>>) target(%arg8 : memref<26x128xi32, #tpu.memory_space<vmem>>) target_semaphore(%run_scoped3A : memref<!tpu.dma_semaphore, #tpu.memory_space<semaphore_mem>>)
      %dma_wait3A_40 = arith.constant 0 : i32
      %dma_wait3A_41 = arith.constant 0 : i32
      %dma_wait3A_42 = tpu.memref_slice %arg4[%add3A, %dma_wait3A_40, %dma_wait3A_41] : memref<32x26x128xi32, #tpu.memory_space<hbm>> -> memref<1x26x128xi32, #tpu.memory_space<hbm>>
      %dma_wait3A_43 = tpu.memref_squeeze %dma_wait3A_42 : memref<1x26x128xi32, #tpu.memory_space<hbm>> -> memref<26x128xi32, #tpu.memory_space<hbm>>
      %dma_wait3A_44 = arith.constant 0 : i32
      %dma_wait3A_45 = arith.constant 0 : i32
      %dma_wait3A_46 = tpu.memref_slice %arg4[%add3A, %dma_wait3A_44, %dma_wait3A_45] : memref<32x26x128xi32, #tpu.memory_space<hbm>> -> memref<1x26x128xi32, #tpu.memory_space<hbm>>
      %dma_wait3A_47 = tpu.memref_squeeze %dma_wait3A_46 : memref<1x26x128xi32, #tpu.memory_space<hbm>> -> memref<26x128xi32, #tpu.memory_space<hbm>>
      tpu.wait_dma2 semaphore(%run_scoped3A : memref<!tpu.dma_semaphore, #tpu.memory_space<semaphore_mem>>) src(%dma_wait3A_47 : memref<26x128xi32, #tpu.memory_space<hbm>>) dst(%arg8 : memref<26x128xi32, #tpu.memory_space<vmem>>)
      tpu.yield
    }) : () -> ()
    "tpu.region"() ({
      %run_scoped3A = tpu.sem_alloc : memref<!tpu.dma_semaphore, #tpu.memory_space<semaphore_mem>>
      %dma_start3A_32 = arith.constant 0 : i32
      %dma_start3A_33 = arith.constant 0 : i32
      %dma_start3A_34 = tpu.memref_slice %arg5[%add3A, %dma_start3A_32, %dma_start3A_33] : memref<32x26x128xi32, #tpu.memory_space<hbm>> -> memref<1x26x128xi32, #tpu.memory_space<hbm>>
      %dma_start3A_35 = tpu.memref_squeeze %dma_start3A_34 : memref<1x26x128xi32, #tpu.memory_space<hbm>> -> memref<26x128xi32, #tpu.memory_space<hbm>>
      %dma_start3A_36 = arith.constant 0 : i32
      %dma_start3A_37 = arith.constant 0 : i32
      %dma_start3A_38 = tpu.memref_slice %arg5[%add3A, %dma_start3A_36, %dma_start3A_37] : memref<32x26x128xi32, #tpu.memory_space<hbm>> -> memref<1x26x128xi32, #tpu.memory_space<hbm>>
      %dma_start3A_39 = tpu.memref_squeeze %dma_start3A_38 : memref<1x26x128xi32, #tpu.memory_space<hbm>> -> memref<26x128xi32, #tpu.memory_space<hbm>>
      tpu.enqueue_dma source(%dma_start3A_39 : memref<26x128xi32, #tpu.memory_space<hbm>>) target(%arg9 : memref<26x128xi32, #tpu.memory_space<vmem>>) target_semaphore(%run_scoped3A : memref<!tpu.dma_semaphore, #tpu.memory_space<semaphore_mem>>)
      %dma_wait3A_40 = arith.constant 0 : i32
      %dma_wait3A_41 = arith.constant 0 : i32
      %dma_wait3A_42 = tpu.memref_slice %arg5[%add3A, %dma_wait3A_40, %dma_wait3A_41] : memref<32x26x128xi32, #tpu.memory_space<hbm>> -> memref<1x26x128xi32, #tpu.memory_space<hbm>>
      %dma_wait3A_43 = tpu.memref_squeeze %dma_wait3A_42 : memref<1x26x128xi32, #tpu.memory_space<hbm>> -> memref<26x128xi32, #tpu.memory_space<hbm>>
      %dma_wait3A_44 = arith.constant 0 : i32
      %dma_wait3A_45 = arith.constant 0 : i32
      %dma_wait3A_46 = tpu.memref_slice %arg5[%add3A, %dma_wait3A_44, %dma_wait3A_45] : memref<32x26x128xi32, #tpu.memory_space<hbm>> -> memref<1x26x128xi32, #tpu.memory_space<hbm>>
      %dma_wait3A_47 = tpu.memref_squeeze %dma_wait3A_46 : memref<1x26x128xi32, #tpu.memory_space<hbm>> -> memref<26x128xi32, #tpu.memory_space<hbm>>
      tpu.wait_dma2 semaphore(%run_scoped3A : memref<!tpu.dma_semaphore, #tpu.memory_space<semaphore_mem>>) src(%dma_wait3A_47 : memref<26x128xi32, #tpu.memory_space<hbm>>) dst(%arg9 : memref<26x128xi32, #tpu.memory_space<vmem>>)
      tpu.yield
    }) : () -> ()
    %dma_start3A = arith.constant 0 : i32
    %dma_start3A_1 = arith.constant 0 : i32
    %dma_start3A_2 = tpu.memref_slice %arg8[%dma_start3A, %dma_start3A_1] : memref<26x128xi32, #tpu.memory_space<vmem>> -> memref<1x128xi32, #tpu.memory_space<vmem>>
    %dma_start3A_3 = tpu.memref_squeeze %dma_start3A_2 : memref<1x128xi32, #tpu.memory_space<vmem>> -> memref<128xi32, #tpu.memory_space<vmem>>
    %dma_start3A_4 = arith.constant 0 : i32
    %dma_start3A_5 = arith.constant 0 : i32
    %dma_start3A_6 = tpu.memref_slice %arg2[%dma_start3A_4, %dma_start3A_5] : memref<10000x64xf32, #tpu.memory_space<hbm>> -> memref<10000x64xf32, #tpu.memory_space<hbm>>
    tpu.enqueue_indirect_dma source(%dma_start3A_6 : memref<10000x64xf32, #tpu.memory_space<hbm>>) target(%arg10 : memref<128x64xf32, #tpu.memory_space<vmem>>) offsets(%dma_start3A_3 : memref<128xi32, #tpu.memory_space<vmem>>) semaphore(%arg14 : memref<!tpu.dma_semaphore, #tpu.memory_space<semaphore_mem>>)
    %dma_start3A_7 = arith.constant 0 : i32
    %dma_start3A_8 = arith.constant 0 : i32
    %dma_start3A_9 = tpu.memref_slice %arg9[%dma_start3A_7, %dma_start3A_8] : memref<26x128xi32, #tpu.memory_space<vmem>> -> memref<1x128xi32, #tpu.memory_space<vmem>>
    %dma_start3A_10 = tpu.memref_squeeze %dma_start3A_9 : memref<1x128xi32, #tpu.memory_space<vmem>> -> memref<128xi32, #tpu.memory_space<vmem>>
    %dma_start3A_11 = arith.constant 0 : i32
    %dma_start3A_12 = arith.constant 0 : i32
    %dma_start3A_13 = tpu.memref_slice %arg3[%dma_start3A_11, %dma_start3A_12] : memref<10000x64xf32, #tpu.memory_space<hbm>> -> memref<10000x64xf32, #tpu.memory_space<hbm>>
    tpu.enqueue_indirect_dma source(%dma_start3A_13 : memref<10000x64xf32, #tpu.memory_space<hbm>>) target(%arg11 : memref<128x64xf32, #tpu.memory_space<vmem>>) offsets(%dma_start3A_10 : memref<128xi32, #tpu.memory_space<vmem>>) semaphore(%arg15 : memref<!tpu.dma_semaphore, #tpu.memory_space<semaphore_mem>>)
    %scan3A = arith.constant 0 : i32
    %scan3A_14 = arith.constant 0 : i32
    %scan3A_15 = arith.constant 13 : i32
    %scan3A_16 = arith.addi %scan3A_14, %scan3A_15 : i32
    %scan3A_17 = arith.constant 1 : i32
    scf.for %scan3A_32 = %scan3A_14 to %scan3A_16 step %scan3A_17  : i32 {
      %mul3A_33 = arith.constant 2 : i32
      %mul3A_34 = arith.muli %mul3A_33, %scan3A_32 : i32
      %add3A_35 = arith.constant 1 : i32
      %add3A_36 = arith.addi %mul3A_34, %add3A_35 : i32
      %add3A_37 = arith.constant 2 : i32
      %add3A_38 = arith.addi %mul3A_34, %add3A_37 : i32
      %jit3A = arith.constant 26 : i32
      %eq3A = arith.constant 0 : i32
      %eq3A_39 = arith.cmpi eq, %jit3A, %eq3A : i32
      %jit3A_40 = arith.constant 1 : i32
      %select_n3A = arith.select %eq3A_39, %jit3A_40, %jit3A : i32
      %rem3A = arith.remsi %add3A_38, %select_n3A : i32
      %ne3A = arith.constant 0 : i32
      %ne3A_41 = arith.cmpi ne, %rem3A, %ne3A : i32
      %lt3A = arith.constant 0 : i32
      %lt3A_42 = arith.cmpi slt, %rem3A, %lt3A : i32
      %lt3A_43 = arith.constant 0 : i32
      %lt3A_44 = arith.cmpi slt, %select_n3A, %lt3A_43 : i32
      %ne3A_45 = arith.xori %lt3A_42, %lt3A_44 : i1
      %and3A = arith.andi %ne3A_45, %ne3A_41 : i1
      %add3A_46 = arith.addi %rem3A, %select_n3A : i32
      %select_n3A_47 = arith.select %and3A, %add3A_46, %rem3A : i32
      %dma_start3A_48 = arith.constant 0 : i32
      %dma_start3A_49 = tpu.memref_slice %arg8[%add3A_36, %dma_start3A_48] : memref<26x128xi32, #tpu.memory_space<vmem>> -> memref<1x128xi32, #tpu.memory_space<vmem>>
      %dma_start3A_50 = tpu.memref_squeeze %dma_start3A_49 : memref<1x128xi32, #tpu.memory_space<vmem>> -> memref<128xi32, #tpu.memory_space<vmem>>
      %dma_start3A_51 = arith.constant 0 : i32
      %dma_start3A_52 = arith.constant 0 : i32
      %dma_start3A_53 = tpu.memref_slice %arg2[%dma_start3A_51, %dma_start3A_52] : memref<10000x64xf32, #tpu.memory_space<hbm>> -> memref<10000x64xf32, #tpu.memory_space<hbm>>
      tpu.enqueue_indirect_dma source(%dma_start3A_53 : memref<10000x64xf32, #tpu.memory_space<hbm>>) target(%arg12 : memref<128x64xf32, #tpu.memory_space<vmem>>) offsets(%dma_start3A_50 : memref<128xi32, #tpu.memory_space<vmem>>) semaphore(%arg16 : memref<!tpu.dma_semaphore, #tpu.memory_space<semaphore_mem>>)
      %dma_start3A_54 = arith.constant 0 : i32
      %dma_start3A_55 = tpu.memref_slice %arg9[%add3A_36, %dma_start3A_54] : memref<26x128xi32, #tpu.memory_space<vmem>> -> memref<1x128xi32, #tpu.memory_space<vmem>>
      %dma_start3A_56 = tpu.memref_squeeze %dma_start3A_55 : memref<1x128xi32, #tpu.memory_space<vmem>> -> memref<128xi32, #tpu.memory_space<vmem>>
      %dma_start3A_57 = arith.constant 0 : i32
      %dma_start3A_58 = arith.constant 0 : i32
      %dma_start3A_59 = tpu.memref_slice %arg3[%dma_start3A_57, %dma_start3A_58] : memref<10000x64xf32, #tpu.memory_space<hbm>> -> memref<10000x64xf32, #tpu.memory_space<hbm>>
      tpu.enqueue_indirect_dma source(%dma_start3A_59 : memref<10000x64xf32, #tpu.memory_space<hbm>>) target(%arg13 : memref<128x64xf32, #tpu.memory_space<vmem>>) offsets(%dma_start3A_56 : memref<128xi32, #tpu.memory_space<vmem>>) semaphore(%arg17 : memref<!tpu.dma_semaphore, #tpu.memory_space<semaphore_mem>>)
      %dma_wait3A_60 = arith.constant 0 : i32
      %dma_wait3A_61 = tpu.memref_slice %arg8[%mul3A_34, %dma_wait3A_60] : memref<26x128xi32, #tpu.memory_space<vmem>> -> memref<1x128xi32, #tpu.memory_space<vmem>>
      %dma_wait3A_62 = tpu.memref_squeeze %dma_wait3A_61 : memref<1x128xi32, #tpu.memory_space<vmem>> -> memref<128xi32, #tpu.memory_space<vmem>>
      %dma_wait3A_63 = arith.constant 0 : i32
      %dma_wait3A_64 = arith.constant 0 : i32
      %dma_wait3A_65 = tpu.memref_slice %arg2[%dma_wait3A_63, %dma_wait3A_64] : memref<10000x64xf32, #tpu.memory_space<hbm>> -> memref<10000x64xf32, #tpu.memory_space<hbm>>
      tpu.wait_indirect_dma semaphore(%arg14 : memref<!tpu.dma_semaphore, #tpu.memory_space<semaphore_mem>>) src(%dma_wait3A_65 : memref<10000x64xf32, #tpu.memory_space<hbm>>) dst(%arg10 : memref<128x64xf32, #tpu.memory_space<vmem>>)
      %dma_wait3A_66 = arith.constant 0 : i32
      %dma_wait3A_67 = tpu.memref_slice %arg9[%mul3A_34, %dma_wait3A_66] : memref<26x128xi32, #tpu.memory_space<vmem>> -> memref<1x128xi32, #tpu.memory_space<vmem>>
      %dma_wait3A_68 = tpu.memref_squeeze %dma_wait3A_67 : memref<1x128xi32, #tpu.memory_space<vmem>> -> memref<128xi32, #tpu.memory_space<vmem>>
      %dma_wait3A_69 = arith.constant 0 : i32
      %dma_wait3A_70 = arith.constant 0 : i32
      %dma_wait3A_71 = tpu.memref_slice %arg3[%dma_wait3A_69, %dma_wait3A_70] : memref<10000x64xf32, #tpu.memory_space<hbm>> -> memref<10000x64xf32, #tpu.memory_space<hbm>>
      tpu.wait_indirect_dma semaphore(%arg15 : memref<!tpu.dma_semaphore, #tpu.memory_space<semaphore_mem>>) src(%dma_wait3A_71 : memref<10000x64xf32, #tpu.memory_space<hbm>>) dst(%arg11 : memref<128x64xf32, #tpu.memory_space<vmem>>)
      %mul3A_72 = arith.constant 26 : i32
      %mul3A_73 = arith.muli %add3A, %mul3A_72 : i32
      %add3A_74 = arith.addi %mul3A_73, %mul3A_34 : i32
      %mul3A_75 = arith.constant 128 : i32
      %mul3A_76 = arith.muli %add3A_74, %mul3A_75 : i32
      "tpu.region"() ({
        %run_scoped3A = tpu.sem_alloc : memref<!tpu.dma_semaphore, #tpu.memory_space<semaphore_mem>>
        %dma_start3A_106 = arith.constant 0 : i32
        %dma_start3A_107 = tpu.memref_slice %arg6[%mul3A_76, %dma_start3A_106] : memref<106496x64xf32, #tpu.memory_space<hbm>> -> memref<128x64xf32, #tpu.memory_space<hbm>>
        %dma_start3A_108 = arith.constant 0 : i32
        %dma_start3A_109 = tpu.memref_slice %arg6[%mul3A_76, %dma_start3A_108] : memref<106496x64xf32, #tpu.memory_space<hbm>> -> memref<128x64xf32, #tpu.memory_space<hbm>>
        tpu.enqueue_dma source(%arg10 : memref<128x64xf32, #tpu.memory_space<vmem>>) target(%dma_start3A_109 : memref<128x64xf32, #tpu.memory_space<hbm>>) target_semaphore(%run_scoped3A : memref<!tpu.dma_semaphore, #tpu.memory_space<semaphore_mem>>)
        %dma_wait3A_110 = arith.constant 0 : i32
        %dma_wait3A_111 = tpu.memref_slice %arg6[%mul3A_76, %dma_wait3A_110] : memref<106496x64xf32, #tpu.memory_space<hbm>> -> memref<128x64xf32, #tpu.memory_space<hbm>>
        %dma_wait3A_112 = arith.constant 0 : i32
        %dma_wait3A_113 = tpu.memref_slice %arg6[%mul3A_76, %dma_wait3A_112] : memref<106496x64xf32, #tpu.memory_space<hbm>> -> memref<128x64xf32, #tpu.memory_space<hbm>>
        tpu.wait_dma2 semaphore(%run_scoped3A : memref<!tpu.dma_semaphore, #tpu.memory_space<semaphore_mem>>) src(%arg10 : memref<128x64xf32, #tpu.memory_space<vmem>>) dst(%dma_wait3A_113 : memref<128x64xf32, #tpu.memory_space<hbm>>)
        tpu.yield
      }) : () -> ()
      "tpu.region"() ({
        %run_scoped3A = tpu.sem_alloc : memref<!tpu.dma_semaphore, #tpu.memory_space<semaphore_mem>>
        %dma_start3A_106 = arith.constant 0 : i32
        %dma_start3A_107 = tpu.memref_slice %arg7[%mul3A_76, %dma_start3A_106] : memref<106496x64xf32, #tpu.memory_space<hbm>> -> memref<128x64xf32, #tpu.memory_space<hbm>>
        %dma_start3A_108 = arith.constant 0 : i32
        %dma_start3A_109 = tpu.memref_slice %arg7[%mul3A_76, %dma_start3A_108] : memref<106496x64xf32, #tpu.memory_space<hbm>> -> memref<128x64xf32, #tpu.memory_space<hbm>>
        tpu.enqueue_dma source(%arg11 : memref<128x64xf32, #tpu.memory_space<vmem>>) target(%dma_start3A_109 : memref<128x64xf32, #tpu.memory_space<hbm>>) target_semaphore(%run_scoped3A : memref<!tpu.dma_semaphore, #tpu.memory_space<semaphore_mem>>)
        %dma_wait3A_110 = arith.constant 0 : i32
        %dma_wait3A_111 = tpu.memref_slice %arg7[%mul3A_76, %dma_wait3A_110] : memref<106496x64xf32, #tpu.memory_space<hbm>> -> memref<128x64xf32, #tpu.memory_space<hbm>>
        %dma_wait3A_112 = arith.constant 0 : i32
        %dma_wait3A_113 = tpu.memref_slice %arg7[%mul3A_76, %dma_wait3A_112] : memref<106496x64xf32, #tpu.memory_space<hbm>> -> memref<128x64xf32, #tpu.memory_space<hbm>>
        tpu.wait_dma2 semaphore(%run_scoped3A : memref<!tpu.dma_semaphore, #tpu.memory_space<semaphore_mem>>) src(%arg11 : memref<128x64xf32, #tpu.memory_space<vmem>>) dst(%dma_wait3A_113 : memref<128x64xf32, #tpu.memory_space<hbm>>)
        tpu.yield
      }) : () -> ()
      %dma_start3A_77 = arith.constant 0 : i32
      %dma_start3A_78 = tpu.memref_slice %arg8[%select_n3A_47, %dma_start3A_77] : memref<26x128xi32, #tpu.memory_space<vmem>> -> memref<1x128xi32, #tpu.memory_space<vmem>>
      %dma_start3A_79 = tpu.memref_squeeze %dma_start3A_78 : memref<1x128xi32, #tpu.memory_space<vmem>> -> memref<128xi32, #tpu.memory_space<vmem>>
      %dma_start3A_80 = arith.constant 0 : i32
      %dma_start3A_81 = arith.constant 0 : i32
      %dma_start3A_82 = tpu.memref_slice %arg2[%dma_start3A_80, %dma_start3A_81] : memref<10000x64xf32, #tpu.memory_space<hbm>> -> memref<10000x64xf32, #tpu.memory_space<hbm>>
      tpu.enqueue_indirect_dma source(%dma_start3A_82 : memref<10000x64xf32, #tpu.memory_space<hbm>>) target(%arg10 : memref<128x64xf32, #tpu.memory_space<vmem>>) offsets(%dma_start3A_79 : memref<128xi32, #tpu.memory_space<vmem>>) semaphore(%arg14 : memref<!tpu.dma_semaphore, #tpu.memory_space<semaphore_mem>>)
      %dma_start3A_83 = arith.constant 0 : i32
      %dma_start3A_84 = tpu.memref_slice %arg9[%select_n3A_47, %dma_start3A_83] : memref<26x128xi32, #tpu.memory_space<vmem>> -> memref<1x128xi32, #tpu.memory_space<vmem>>
      %dma_start3A_85 = tpu.memref_squeeze %dma_start3A_84 : memref<1x128xi32, #tpu.memory_space<vmem>> -> memref<128xi32, #tpu.memory_space<vmem>>
      %dma_start3A_86 = arith.constant 0 : i32
      %dma_start3A_87 = arith.constant 0 : i32
      %dma_start3A_88 = tpu.memref_slice %arg3[%dma_start3A_86, %dma_start3A_87] : memref<10000x64xf32, #tpu.memory_space<hbm>> -> memref<10000x64xf32, #tpu.memory_space<hbm>>
      tpu.enqueue_indirect_dma source(%dma_start3A_88 : memref<10000x64xf32, #tpu.memory_space<hbm>>) target(%arg11 : memref<128x64xf32, #tpu.memory_space<vmem>>) offsets(%dma_start3A_85 : memref<128xi32, #tpu.memory_space<vmem>>) semaphore(%arg15 : memref<!tpu.dma_semaphore, #tpu.memory_space<semaphore_mem>>)
      %dma_wait3A_89 = arith.constant 0 : i32
      %dma_wait3A_90 = tpu.memref_slice %arg8[%add3A_36, %dma_wait3A_89] : memref<26x128xi32, #tpu.memory_space<vmem>> -> memref<1x128xi32, #tpu.memory_space<vmem>>
      %dma_wait3A_91 = tpu.memref_squeeze %dma_wait3A_90 : memref<1x128xi32, #tpu.memory_space<vmem>> -> memref<128xi32, #tpu.memory_space<vmem>>
      %dma_wait3A_92 = arith.constant 0 : i32
      %dma_wait3A_93 = arith.constant 0 : i32
      %dma_wait3A_94 = tpu.memref_slice %arg2[%dma_wait3A_92, %dma_wait3A_93] : memref<10000x64xf32, #tpu.memory_space<hbm>> -> memref<10000x64xf32, #tpu.memory_space<hbm>>
      tpu.wait_indirect_dma semaphore(%arg16 : memref<!tpu.dma_semaphore, #tpu.memory_space<semaphore_mem>>) src(%dma_wait3A_94 : memref<10000x64xf32, #tpu.memory_space<hbm>>) dst(%arg12 : memref<128x64xf32, #tpu.memory_space<vmem>>)
      %dma_wait3A_95 = arith.constant 0 : i32
      %dma_wait3A_96 = tpu.memref_slice %arg9[%add3A_36, %dma_wait3A_95] : memref<26x128xi32, #tpu.memory_space<vmem>> -> memref<1x128xi32, #tpu.memory_space<vmem>>
      %dma_wait3A_97 = tpu.memref_squeeze %dma_wait3A_96 : memref<1x128xi32, #tpu.memory_space<vmem>> -> memref<128xi32, #tpu.memory_space<vmem>>
      %dma_wait3A_98 = arith.constant 0 : i32
      %dma_wait3A_99 = arith.constant 0 : i32
      %dma_wait3A_100 = tpu.memref_slice %arg3[%dma_wait3A_98, %dma_wait3A_99] : memref<10000x64xf32, #tpu.memory_space<hbm>> -> memref<10000x64xf32, #tpu.memory_space<hbm>>
      tpu.wait_indirect_dma semaphore(%arg17 : memref<!tpu.dma_semaphore, #tpu.memory_space<semaphore_mem>>) src(%dma_wait3A_100 : memref<10000x64xf32, #tpu.memory_space<hbm>>) dst(%arg13 : memref<128x64xf32, #tpu.memory_space<vmem>>)
      %mul3A_101 = arith.constant 26 : i32
      %mul3A_102 = arith.muli %add3A, %mul3A_101 : i32
      %add3A_103 = arith.addi %mul3A_102, %add3A_36 : i32
      %mul3A_104 = arith.constant 128 : i32
      %mul3A_105 = arith.muli %add3A_103, %mul3A_104 : i32
      "tpu.region"() ({
        %run_scoped3A = tpu.sem_alloc : memref<!tpu.dma_semaphore, #tpu.memory_space<semaphore_mem>>
        %dma_start3A_106 = arith.constant 0 : i32
        %dma_start3A_107 = tpu.memref_slice %arg6[%mul3A_105, %dma_start3A_106] : memref<106496x64xf32, #tpu.memory_space<hbm>> -> memref<128x64xf32, #tpu.memory_space<hbm>>
        %dma_start3A_108 = arith.constant 0 : i32
        %dma_start3A_109 = tpu.memref_slice %arg6[%mul3A_105, %dma_start3A_108] : memref<106496x64xf32, #tpu.memory_space<hbm>> -> memref<128x64xf32, #tpu.memory_space<hbm>>
        tpu.enqueue_dma source(%arg12 : memref<128x64xf32, #tpu.memory_space<vmem>>) target(%dma_start3A_109 : memref<128x64xf32, #tpu.memory_space<hbm>>) target_semaphore(%run_scoped3A : memref<!tpu.dma_semaphore, #tpu.memory_space<semaphore_mem>>)
        %dma_wait3A_110 = arith.constant 0 : i32
        %dma_wait3A_111 = tpu.memref_slice %arg6[%mul3A_105, %dma_wait3A_110] : memref<106496x64xf32, #tpu.memory_space<hbm>> -> memref<128x64xf32, #tpu.memory_space<hbm>>
        %dma_wait3A_112 = arith.constant 0 : i32
        %dma_wait3A_113 = tpu.memref_slice %arg6[%mul3A_105, %dma_wait3A_112] : memref<106496x64xf32, #tpu.memory_space<hbm>> -> memref<128x64xf32, #tpu.memory_space<hbm>>
        tpu.wait_dma2 semaphore(%run_scoped3A : memref<!tpu.dma_semaphore, #tpu.memory_space<semaphore_mem>>) src(%arg12 : memref<128x64xf32, #tpu.memory_space<vmem>>) dst(%dma_wait3A_113 : memref<128x64xf32, #tpu.memory_space<hbm>>)
        tpu.yield
      }) : () -> ()
      "tpu.region"() ({
        %run_scoped3A = tpu.sem_alloc : memref<!tpu.dma_semaphore, #tpu.memory_space<semaphore_mem>>
        %dma_start3A_106 = arith.constant 0 : i32
        %dma_start3A_107 = tpu.memref_slice %arg7[%mul3A_105, %dma_start3A_106] : memref<106496x64xf32, #tpu.memory_space<hbm>> -> memref<128x64xf32, #tpu.memory_space<hbm>>
        %dma_start3A_108 = arith.constant 0 : i32
        %dma_start3A_109 = tpu.memref_slice %arg7[%mul3A_105, %dma_start3A_108] : memref<106496x64xf32, #tpu.memory_space<hbm>> -> memref<128x64xf32, #tpu.memory_space<hbm>>
        tpu.enqueue_dma source(%arg13 : memref<128x64xf32, #tpu.memory_space<vmem>>) target(%dma_start3A_109 : memref<128x64xf32, #tpu.memory_space<hbm>>) target_semaphore(%run_scoped3A : memref<!tpu.dma_semaphore, #tpu.memory_space<semaphore_mem>>)
        %dma_wait3A_110 = arith.constant 0 : i32
        %dma_wait3A_111 = tpu.memref_slice %arg7[%mul3A_105, %dma_wait3A_110] : memref<106496x64xf32, #tpu.memory_space<hbm>> -> memref<128x64xf32, #tpu.memory_space<hbm>>
        %dma_wait3A_112 = arith.constant 0 : i32
        %dma_wait3A_113 = tpu.memref_slice %arg7[%mul3A_105, %dma_wait3A_112] : memref<106496x64xf32, #tpu.memory_space<hbm>> -> memref<128x64xf32, #tpu.memory_space<hbm>>
        tpu.wait_dma2 semaphore(%run_scoped3A : memref<!tpu.dma_semaphore, #tpu.memory_space<semaphore_mem>>) src(%arg13 : memref<128x64xf32, #tpu.memory_space<vmem>>) dst(%dma_wait3A_113 : memref<128x64xf32, #tpu.memory_space<hbm>>)
        tpu.yield
      }) : () -> ()
    }
    %scan3A_18 = arith.constant 13 : i32
    %dma_wait3A = arith.constant 0 : i32
    %dma_wait3A_19 = arith.constant 0 : i32
    %dma_wait3A_20 = tpu.memref_slice %arg8[%dma_wait3A, %dma_wait3A_19] : memref<26x128xi32, #tpu.memory_space<vmem>> -> memref<1x128xi32, #tpu.memory_space<vmem>>
    %dma_wait3A_21 = tpu.memref_squeeze %dma_wait3A_20 : memref<1x128xi32, #tpu.memory_space<vmem>> -> memref<128xi32, #tpu.memory_space<vmem>>
    %dma_wait3A_22 = arith.constant 0 : i32
    %dma_wait3A_23 = arith.constant 0 : i32
    %dma_wait3A_24 = tpu.memref_slice %arg2[%dma_wait3A_22, %dma_wait3A_23] : memref<10000x64xf32, #tpu.memory_space<hbm>> -> memref<10000x64xf32, #tpu.memory_space<hbm>>
    tpu.wait_indirect_dma semaphore(%arg14 : memref<!tpu.dma_semaphore, #tpu.memory_space<semaphore_mem>>) src(%dma_wait3A_24 : memref<10000x64xf32, #tpu.memory_space<hbm>>) dst(%arg10 : memref<128x64xf32, #tpu.memory_space<vmem>>)
    %dma_wait3A_25 = arith.constant 0 : i32
    %dma_wait3A_26 = arith.constant 0 : i32
    %dma_wait3A_27 = tpu.memref_slice %arg9[%dma_wait3A_25, %dma_wait3A_26] : memref<26x128xi32, #tpu.memory_space<vmem>> -> memref<1x128xi32, #tpu.memory_space<vmem>>
    %dma_wait3A_28 = tpu.memref_squeeze %dma_wait3A_27 : memref<1x128xi32, #tpu.memory_space<vmem>> -> memref<128xi32, #tpu.memory_space<vmem>>
    %dma_wait3A_29 = arith.constant 0 : i32
    %dma_wait3A_30 = arith.constant 0 : i32
    %dma_wait3A_31 = tpu.memref_slice %arg3[%dma_wait3A_29, %dma_wait3A_30] : memref<10000x64xf32, #tpu.memory_space<hbm>> -> memref<10000x64xf32, #tpu.memory_space<hbm>>
    tpu.wait_indirect_dma semaphore(%arg15 : memref<!tpu.dma_semaphore, #tpu.memory_space<semaphore_mem>>) src(%dma_wait3A_31 : memref<10000x64xf32, #tpu.memory_space<hbm>>) dst(%arg11 : memref<128x64xf32, #tpu.memory_space<vmem>>)
    return
  }
}

#map = affine_map<(d0, d1) -> (0, 0)>
#map1 = affine_map<(d0, d1) -> (0, 0, 0)>
module attributes {stable_mosaic.version = 14 : i64} {
  func.func @_seg_sum_body(%arg0: i32, %arg1: i32, %arg2: memref<10000x64xf32, #tpu.memory_space<hbm>>, %arg3: memref<32x82x128xi32, #tpu.memory_space<hbm>>, %arg4: memref<32x82x128xi32, #tpu.memory_space<hbm>>, %arg5: memref<128x64xf32, #tpu.memory_space<hbm>>, %arg6: memref<128x16xf32, #tpu.memory_space<hbm>>, %arg7: memref<128x16xf32, #tpu.memory_space<hbm>>, %arg8: memref<2x10240x64xf32, #tpu.memory_space<hbm>>, %arg9: memref<2x10240x16xf32, #tpu.memory_space<hbm>>, %arg10: memref<82x128xi32, #tpu.memory_space<vmem>>, %arg11: memref<82x128xi32, #tpu.memory_space<vmem>>, %arg12: memref<128x64xf32, #tpu.memory_space<vmem>>, %arg13: memref<128x64xf32, #tpu.memory_space<vmem>>, %arg14: memref<128x64xf32, #tpu.memory_space<vmem>>, %arg15: memref<128x64xf32, #tpu.memory_space<vmem>>, %arg16: memref<128x64xf32, #tpu.memory_space<vmem>>, %arg17: memref<128x16xf32, #tpu.memory_space<vmem>>, %arg18: memref<128x16xf32, #tpu.memory_space<vmem>>, %arg19: memref<10240x64xf32, #tpu.memory_space<vmem_shared>>, %arg20: memref<10240x16xf32, #tpu.memory_space<vmem_shared>>, %arg21: memref<!tpu.dma_semaphore, #tpu.memory_space<semaphore_mem>>, %arg22: memref<!tpu.dma_semaphore, #tpu.memory_space<semaphore_mem>>, %arg23: memref<!tpu.dma_semaphore, #tpu.memory_space<semaphore_mem>>, %arg24: memref<!tpu.dma_semaphore, #tpu.memory_space<semaphore_mem>>, %arg25: memref<!tpu.dma_semaphore, #tpu.memory_space<semaphore_mem>>, %arg26: memref<!tpu.dma_semaphore, #tpu.memory_space<semaphore_mem>>, %arg27: memref<!tpu.dma_semaphore, #tpu.memory_space<semaphore_mem>>, %arg28: memref<!tpu.dma_semaphore, #tpu.memory_space<semaphore_mem>>) attributes {dimension_semantics = [#tpu.dimension_semantics<core_parallel>, #tpu.dimension_semantics<subcore_parallel>], iteration_bounds = array<i64: 2, 16>, scalar_prefetch = 0 : i64, scratch_operands = 19 : i64, tpu.core_type = #tpu.core_type<sc_vector_subcore>, window_params = [{transform_indices = #map}, {transform_indices = #map1}, {transform_indices = #map1}, {transform_indices = #map}, {transform_indices = #map}, {transform_indices = #map}, {transform_indices = #map1}, {transform_indices = #map1}]} {
    %mul3A = arith.constant 16 : i32
    %mul3A_0 = arith.muli %arg0, %mul3A : i32
    %add3A = arith.addi %mul3A_0, %arg1 : i32
    "tpu.region"() ({
      %run_scoped3A = tpu.sem_alloc : memref<!tpu.dma_semaphore, #tpu.memory_space<semaphore_mem>>
      tpu.enqueue_dma source(%arg5 : memref<128x64xf32, #tpu.memory_space<hbm>>) target(%arg16 : memref<128x64xf32, #tpu.memory_space<vmem>>) target_semaphore(%run_scoped3A : memref<!tpu.dma_semaphore, #tpu.memory_space<semaphore_mem>>)
      tpu.wait_dma2 semaphore(%run_scoped3A : memref<!tpu.dma_semaphore, #tpu.memory_space<semaphore_mem>>) src(%arg5 : memref<128x64xf32, #tpu.memory_space<hbm>>) dst(%arg16 : memref<128x64xf32, #tpu.memory_space<vmem>>)
      tpu.yield
    }) : () -> ()
    "tpu.region"() ({
      %run_scoped3A = tpu.sem_alloc : memref<!tpu.dma_semaphore, #tpu.memory_space<semaphore_mem>>
      tpu.enqueue_dma source(%arg6 : memref<128x16xf32, #tpu.memory_space<hbm>>) target(%arg18 : memref<128x16xf32, #tpu.memory_space<vmem>>) target_semaphore(%run_scoped3A : memref<!tpu.dma_semaphore, #tpu.memory_space<semaphore_mem>>)
      tpu.wait_dma2 semaphore(%run_scoped3A : memref<!tpu.dma_semaphore, #tpu.memory_space<semaphore_mem>>) src(%arg6 : memref<128x16xf32, #tpu.memory_space<hbm>>) dst(%arg18 : memref<128x16xf32, #tpu.memory_space<vmem>>)
      tpu.yield
    }) : () -> ()
    "tpu.region"() ({
      %run_scoped3A = tpu.sem_alloc : memref<!tpu.dma_semaphore, #tpu.memory_space<semaphore_mem>>
      tpu.enqueue_dma source(%arg7 : memref<128x16xf32, #tpu.memory_space<hbm>>) target(%arg17 : memref<128x16xf32, #tpu.memory_space<vmem>>) target_semaphore(%run_scoped3A : memref<!tpu.dma_semaphore, #tpu.memory_space<semaphore_mem>>)
      tpu.wait_dma2 semaphore(%run_scoped3A : memref<!tpu.dma_semaphore, #tpu.memory_space<semaphore_mem>>) src(%arg7 : memref<128x16xf32, #tpu.memory_space<hbm>>) dst(%arg17 : memref<128x16xf32, #tpu.memory_space<vmem>>)
      tpu.yield
    }) : () -> ()
    %scan3A = arith.constant 0 : i32
    %scan3A_1 = arith.constant 0 : i32
    %scan3A_2 = arith.constant 5 : i32
    %scan3A_3 = arith.addi %scan3A_1, %scan3A_2 : i32
    %scan3A_4 = arith.constant 1 : i32
    scf.for %scan3A_59 = %scan3A_1 to %scan3A_3 step %scan3A_4  : i32 {
      %mul3A_60 = arith.constant 640 : i32
      %mul3A_61 = arith.muli %arg1, %mul3A_60 : i32
      %mul3A_62 = arith.constant 128 : i32
      %mul3A_63 = arith.muli %scan3A_59, %mul3A_62 : i32
      %add3A_64 = arith.addi %mul3A_61, %mul3A_63 : i32
      "tpu.region"() ({
        %run_scoped3A = tpu.sem_alloc : memref<!tpu.dma_semaphore, #tpu.memory_space<semaphore_mem>>
        %dma_start3A_70 = arith.constant 0 : i32
        %dma_start3A_71 = tpu.memref_slice %arg19[%add3A_64, %dma_start3A_70] : memref<10240x64xf32, #tpu.memory_space<vmem_shared>> -> memref<128x64xf32, #tpu.memory_space<vmem_shared>>
        %dma_start3A_72 = arith.constant 0 : i32
        %dma_start3A_73 = tpu.memref_slice %arg19[%add3A_64, %dma_start3A_72] : memref<10240x64xf32, #tpu.memory_space<vmem_shared>> -> memref<128x64xf32, #tpu.memory_space<vmem_shared>>
        tpu.enqueue_dma source(%arg16 : memref<128x64xf32, #tpu.memory_space<vmem>>) target(%dma_start3A_73 : memref<128x64xf32, #tpu.memory_space<vmem_shared>>) target_semaphore(%run_scoped3A : memref<!tpu.dma_semaphore, #tpu.memory_space<semaphore_mem>>)
        %dma_wait3A_74 = arith.constant 0 : i32
        %dma_wait3A_75 = tpu.memref_slice %arg19[%add3A_64, %dma_wait3A_74] : memref<10240x64xf32, #tpu.memory_space<vmem_shared>> -> memref<128x64xf32, #tpu.memory_space<vmem_shared>>
        %dma_wait3A_76 = arith.constant 0 : i32
        %dma_wait3A_77 = tpu.memref_slice %arg19[%add3A_64, %dma_wait3A_76] : memref<10240x64xf32, #tpu.memory_space<vmem_shared>> -> memref<128x64xf32, #tpu.memory_space<vmem_shared>>
        tpu.wait_dma2 semaphore(%run_scoped3A : memref<!tpu.dma_semaphore, #tpu.memory_space<semaphore_mem>>) src(%arg16 : memref<128x64xf32, #tpu.memory_space<vmem>>) dst(%dma_wait3A_77 : memref<128x64xf32, #tpu.memory_space<vmem_shared>>)
        tpu.yield
      }) : () -> ()
      %mul3A_65 = arith.constant 640 : i32
      %mul3A_66 = arith.muli %arg1, %mul3A_65 : i32
      %mul3A_67 = arith.constant 128 : i32
      %mul3A_68 = arith.muli %scan3A_59, %mul3A_67 : i32
      %add3A_69 = arith.addi %mul3A_66, %mul3A_68 : i32
      "tpu.region"() ({
        %run_scoped3A = tpu.sem_alloc : memref<!tpu.dma_semaphore, #tpu.memory_space<semaphore_mem>>
        %dma_start3A_70 = arith.constant 0 : i32
        %dma_start3A_71 = tpu.memref_slice %arg20[%add3A_69, %dma_start3A_70] : memref<10240x16xf32, #tpu.memory_space<vmem_shared>> -> memref<128x16xf32, #tpu.memory_space<vmem_shared>>
        %dma_start3A_72 = arith.constant 0 : i32
        %dma_start3A_73 = tpu.memref_slice %arg20[%add3A_69, %dma_start3A_72] : memref<10240x16xf32, #tpu.memory_space<vmem_shared>> -> memref<128x16xf32, #tpu.memory_space<vmem_shared>>
        tpu.enqueue_dma source(%arg18 : memref<128x16xf32, #tpu.memory_space<vmem>>) target(%dma_start3A_73 : memref<128x16xf32, #tpu.memory_space<vmem_shared>>) target_semaphore(%run_scoped3A : memref<!tpu.dma_semaphore, #tpu.memory_space<semaphore_mem>>)
        %dma_wait3A_74 = arith.constant 0 : i32
        %dma_wait3A_75 = tpu.memref_slice %arg20[%add3A_69, %dma_wait3A_74] : memref<10240x16xf32, #tpu.memory_space<vmem_shared>> -> memref<128x16xf32, #tpu.memory_space<vmem_shared>>
        %dma_wait3A_76 = arith.constant 0 : i32
        %dma_wait3A_77 = tpu.memref_slice %arg20[%add3A_69, %dma_wait3A_76] : memref<10240x16xf32, #tpu.memory_space<vmem_shared>> -> memref<128x16xf32, #tpu.memory_space<vmem_shared>>
        tpu.wait_dma2 semaphore(%run_scoped3A : memref<!tpu.dma_semaphore, #tpu.memory_space<semaphore_mem>>) src(%arg18 : memref<128x16xf32, #tpu.memory_space<vmem>>) dst(%dma_wait3A_77 : memref<128x16xf32, #tpu.memory_space<vmem_shared>>)
        tpu.yield
      }) : () -> ()
    }
    %scan3A_5 = arith.constant 5 : i32
    "tpu.region"() ({
      %run_scoped3A = tpu.sem_alloc : memref<!tpu.dma_semaphore, #tpu.memory_space<semaphore_mem>>
      %dma_start3A_59 = arith.constant 0 : i32
      %dma_start3A_60 = arith.constant 0 : i32
      %dma_start3A_61 = tpu.memref_slice %arg3[%add3A, %dma_start3A_59, %dma_start3A_60] : memref<32x82x128xi32, #tpu.memory_space<hbm>> -> memref<1x82x128xi32, #tpu.memory_space<hbm>>
      %dma_start3A_62 = tpu.memref_squeeze %dma_start3A_61 : memref<1x82x128xi32, #tpu.memory_space<hbm>> -> memref<82x128xi32, #tpu.memory_space<hbm>>
      %dma_start3A_63 = arith.constant 0 : i32
      %dma_start3A_64 = arith.constant 0 : i32
      %dma_start3A_65 = tpu.memref_slice %arg3[%add3A, %dma_start3A_63, %dma_start3A_64] : memref<32x82x128xi32, #tpu.memory_space<hbm>> -> memref<1x82x128xi32, #tpu.memory_space<hbm>>
      %dma_start3A_66 = tpu.memref_squeeze %dma_start3A_65 : memref<1x82x128xi32, #tpu.memory_space<hbm>> -> memref<82x128xi32, #tpu.memory_space<hbm>>
      tpu.enqueue_dma source(%dma_start3A_66 : memref<82x128xi32, #tpu.memory_space<hbm>>) target(%arg10 : memref<82x128xi32, #tpu.memory_space<vmem>>) target_semaphore(%run_scoped3A : memref<!tpu.dma_semaphore, #tpu.memory_space<semaphore_mem>>)
      %dma_wait3A_67 = arith.constant 0 : i32
      %dma_wait3A_68 = arith.constant 0 : i32
      %dma_wait3A_69 = tpu.memref_slice %arg3[%add3A, %dma_wait3A_67, %dma_wait3A_68] : memref<32x82x128xi32, #tpu.memory_space<hbm>> -> memref<1x82x128xi32, #tpu.memory_space<hbm>>
      %dma_wait3A_70 = tpu.memref_squeeze %dma_wait3A_69 : memref<1x82x128xi32, #tpu.memory_space<hbm>> -> memref<82x128xi32, #tpu.memory_space<hbm>>
      %dma_wait3A_71 = arith.constant 0 : i32
      %dma_wait3A_72 = arith.constant 0 : i32
      %dma_wait3A_73 = tpu.memref_slice %arg3[%add3A, %dma_wait3A_71, %dma_wait3A_72] : memref<32x82x128xi32, #tpu.memory_space<hbm>> -> memref<1x82x128xi32, #tpu.memory_space<hbm>>
      %dma_wait3A_74 = tpu.memref_squeeze %dma_wait3A_73 : memref<1x82x128xi32, #tpu.memory_space<hbm>> -> memref<82x128xi32, #tpu.memory_space<hbm>>
      tpu.wait_dma2 semaphore(%run_scoped3A : memref<!tpu.dma_semaphore, #tpu.memory_space<semaphore_mem>>) src(%dma_wait3A_74 : memref<82x128xi32, #tpu.memory_space<hbm>>) dst(%arg10 : memref<82x128xi32, #tpu.memory_space<vmem>>)
      tpu.yield
    }) : () -> ()
    "tpu.region"() ({
      %run_scoped3A = tpu.sem_alloc : memref<!tpu.dma_semaphore, #tpu.memory_space<semaphore_mem>>
      %dma_start3A_59 = arith.constant 0 : i32
      %dma_start3A_60 = arith.constant 0 : i32
      %dma_start3A_61 = tpu.memref_slice %arg4[%add3A, %dma_start3A_59, %dma_start3A_60] : memref<32x82x128xi32, #tpu.memory_space<hbm>> -> memref<1x82x128xi32, #tpu.memory_space<hbm>>
      %dma_start3A_62 = tpu.memref_squeeze %dma_start3A_61 : memref<1x82x128xi32, #tpu.memory_space<hbm>> -> memref<82x128xi32, #tpu.memory_space<hbm>>
      %dma_start3A_63 = arith.constant 0 : i32
      %dma_start3A_64 = arith.constant 0 : i32
      %dma_start3A_65 = tpu.memref_slice %arg4[%add3A, %dma_start3A_63, %dma_start3A_64] : memref<32x82x128xi32, #tpu.memory_space<hbm>> -> memref<1x82x128xi32, #tpu.memory_space<hbm>>
      %dma_start3A_66 = tpu.memref_squeeze %dma_start3A_65 : memref<1x82x128xi32, #tpu.memory_space<hbm>> -> memref<82x128xi32, #tpu.memory_space<hbm>>
      tpu.enqueue_dma source(%dma_start3A_66 : memref<82x128xi32, #tpu.memory_space<hbm>>) target(%arg11 : memref<82x128xi32, #tpu.memory_space<vmem>>) target_semaphore(%run_scoped3A : memref<!tpu.dma_semaphore, #tpu.memory_space<semaphore_mem>>)
      %dma_wait3A_67 = arith.constant 0 : i32
      %dma_wait3A_68 = arith.constant 0 : i32
      %dma_wait3A_69 = tpu.memref_slice %arg4[%add3A, %dma_wait3A_67, %dma_wait3A_68] : memref<32x82x128xi32, #tpu.memory_space<hbm>> -> memref<1x82x128xi32, #tpu.memory_space<hbm>>
      %dma_wait3A_70 = tpu.memref_squeeze %dma_wait3A_69 : memref<1x82x128xi32, #tpu.memory_space<hbm>> -> memref<82x128xi32, #tpu.memory_space<hbm>>
      %dma_wait3A_71 = arith.constant 0 : i32
      %dma_wait3A_72 = arith.constant 0 : i32
      %dma_wait3A_73 = tpu.memref_slice %arg4[%add3A, %dma_wait3A_71, %dma_wait3A_72] : memref<32x82x128xi32, #tpu.memory_space<hbm>> -> memref<1x82x128xi32, #tpu.memory_space<hbm>>
      %dma_wait3A_74 = tpu.memref_squeeze %dma_wait3A_73 : memref<1x82x128xi32, #tpu.memory_space<hbm>> -> memref<82x128xi32, #tpu.memory_space<hbm>>
      tpu.wait_dma2 semaphore(%run_scoped3A : memref<!tpu.dma_semaphore, #tpu.memory_space<semaphore_mem>>) src(%dma_wait3A_74 : memref<82x128xi32, #tpu.memory_space<hbm>>) dst(%arg11 : memref<82x128xi32, #tpu.memory_space<vmem>>)
      tpu.yield
    }) : () -> ()
    %barrier3A = arith.constant 0 : index
    tpu.barrier barrier_id(%barrier3A)
    %dma_start3A = arith.constant 0 : i32
    %dma_start3A_6 = arith.constant 0 : i32
    %dma_start3A_7 = tpu.memref_slice %arg10[%dma_start3A, %dma_start3A_6] : memref<82x128xi32, #tpu.memory_space<vmem>> -> memref<1x128xi32, #tpu.memory_space<vmem>>
    %dma_start3A_8 = tpu.memref_squeeze %dma_start3A_7 : memref<1x128xi32, #tpu.memory_space<vmem>> -> memref<128xi32, #tpu.memory_space<vmem>>
    %dma_start3A_9 = arith.constant 0 : i32
    %dma_start3A_10 = arith.constant 0 : i32
    %dma_start3A_11 = tpu.memref_slice %arg2[%dma_start3A_9, %dma_start3A_10] : memref<10000x64xf32, #tpu.memory_space<hbm>> -> memref<10000x64xf32, #tpu.memory_space<hbm>>
    tpu.enqueue_indirect_dma source(%dma_start3A_11 : memref<10000x64xf32, #tpu.memory_space<hbm>>) target(%arg12 : memref<128x64xf32, #tpu.memory_space<vmem>>) offsets(%dma_start3A_8 : memref<128xi32, #tpu.memory_space<vmem>>) semaphore(%arg21 : memref<!tpu.dma_semaphore, #tpu.memory_space<semaphore_mem>>)
    %dma_start3A_12 = arith.constant 0 : i32
    %dma_start3A_13 = arith.constant 0 : i32
    %dma_start3A_14 = tpu.memref_slice %arg11[%dma_start3A_12, %dma_start3A_13] : memref<82x128xi32, #tpu.memory_space<vmem>> -> memref<1x128xi32, #tpu.memory_space<vmem>>
    %dma_start3A_15 = tpu.memref_squeeze %dma_start3A_14 : memref<1x128xi32, #tpu.memory_space<vmem>> -> memref<128xi32, #tpu.memory_space<vmem>>
    %dma_start3A_16 = arith.constant 0 : i32
    %dma_start3A_17 = arith.constant 0 : i32
    %dma_start3A_18 = tpu.memref_slice %arg20[%dma_start3A_16, %dma_start3A_17] : memref<10240x16xf32, #tpu.memory_space<vmem_shared>> -> memref<10240x16xf32, #tpu.memory_space<vmem_shared>>
    tpu.enqueue_indirect_dma source(%arg17 : memref<128x16xf32, #tpu.memory_space<vmem>>) target(%dma_start3A_18 : memref<10240x16xf32, #tpu.memory_space<vmem_shared>>) offsets(%dma_start3A_15 : memref<128xi32, #tpu.memory_space<vmem>>) semaphore(%arg25 : memref<!tpu.dma_semaphore, #tpu.memory_space<semaphore_mem>>) {add = true}
    %dma_start3A_19 = arith.constant 1 : i32
    %dma_start3A_20 = arith.constant 0 : i32
    %dma_start3A_21 = tpu.memref_slice %arg11[%dma_start3A_19, %dma_start3A_20] : memref<82x128xi32, #tpu.memory_space<vmem>> -> memref<1x128xi32, #tpu.memory_space<vmem>>
    %dma_start3A_22 = tpu.memref_squeeze %dma_start3A_21 : memref<1x128xi32, #tpu.memory_space<vmem>> -> memref<128xi32, #tpu.memory_space<vmem>>
    %dma_start3A_23 = arith.constant 0 : i32
    %dma_start3A_24 = arith.constant 0 : i32
    %dma_start3A_25 = tpu.memref_slice %arg20[%dma_start3A_23, %dma_start3A_24] : memref<10240x16xf32, #tpu.memory_space<vmem_shared>> -> memref<10240x16xf32, #tpu.memory_space<vmem_shared>>
    tpu.enqueue_indirect_dma source(%arg17 : memref<128x16xf32, #tpu.memory_space<vmem>>) target(%dma_start3A_25 : memref<10240x16xf32, #tpu.memory_space<vmem_shared>>) offsets(%dma_start3A_22 : memref<128xi32, #tpu.memory_space<vmem>>) semaphore(%arg26 : memref<!tpu.dma_semaphore, #tpu.memory_space<semaphore_mem>>) {add = true}
    %scan3A_26 = arith.constant 0 : i32
    %scan3A_27 = arith.constant 0 : i32
    %scan3A_28 = arith.constant 40 : i32
    %scan3A_29 = arith.addi %scan3A_27, %scan3A_28 : i32
    %scan3A_30 = arith.constant 1 : i32
    scf.for %scan3A_59 = %scan3A_27 to %scan3A_29 step %scan3A_30  : i32 {
      %mul3A_60 = arith.constant 2 : i32
      %mul3A_61 = arith.muli %mul3A_60, %scan3A_59 : i32
      %add3A_62 = arith.constant 1 : i32
      %add3A_63 = arith.addi %mul3A_61, %add3A_62 : i32
      %add3A_64 = arith.constant 2 : i32
      %add3A_65 = arith.addi %mul3A_61, %add3A_64 : i32
      %add3A_66 = arith.constant 3 : i32
      %add3A_67 = arith.addi %mul3A_61, %add3A_66 : i32
      %dma_start3A_68 = arith.constant 0 : i32
      %dma_start3A_69 = tpu.memref_slice %arg10[%add3A_63, %dma_start3A_68] : memref<82x128xi32, #tpu.memory_space<vmem>> -> memref<1x128xi32, #tpu.memory_space<vmem>>
      %dma_start3A_70 = tpu.memref_squeeze %dma_start3A_69 : memref<1x128xi32, #tpu.memory_space<vmem>> -> memref<128xi32, #tpu.memory_space<vmem>>
      %dma_start3A_71 = arith.constant 0 : i32
      %dma_start3A_72 = arith.constant 0 : i32
      %dma_start3A_73 = tpu.memref_slice %arg2[%dma_start3A_71, %dma_start3A_72] : memref<10000x64xf32, #tpu.memory_space<hbm>> -> memref<10000x64xf32, #tpu.memory_space<hbm>>
      tpu.enqueue_indirect_dma source(%dma_start3A_73 : memref<10000x64xf32, #tpu.memory_space<hbm>>) target(%arg13 : memref<128x64xf32, #tpu.memory_space<vmem>>) offsets(%dma_start3A_70 : memref<128xi32, #tpu.memory_space<vmem>>) semaphore(%arg22 : memref<!tpu.dma_semaphore, #tpu.memory_space<semaphore_mem>>)
      %dma_wait3A_74 = arith.constant 0 : i32
      %dma_wait3A_75 = tpu.memref_slice %arg10[%mul3A_61, %dma_wait3A_74] : memref<82x128xi32, #tpu.memory_space<vmem>> -> memref<1x128xi32, #tpu.memory_space<vmem>>
      %dma_wait3A_76 = tpu.memref_squeeze %dma_wait3A_75 : memref<1x128xi32, #tpu.memory_space<vmem>> -> memref<128xi32, #tpu.memory_space<vmem>>
      %dma_wait3A_77 = arith.constant 0 : i32
      %dma_wait3A_78 = arith.constant 0 : i32
      %dma_wait3A_79 = tpu.memref_slice %arg2[%dma_wait3A_77, %dma_wait3A_78] : memref<10000x64xf32, #tpu.memory_space<hbm>> -> memref<10000x64xf32, #tpu.memory_space<hbm>>
      tpu.wait_indirect_dma semaphore(%arg21 : memref<!tpu.dma_semaphore, #tpu.memory_space<semaphore_mem>>) src(%dma_wait3A_79 : memref<10000x64xf32, #tpu.memory_space<hbm>>) dst(%arg12 : memref<128x64xf32, #tpu.memory_space<vmem>>)
      "tpu.region"() ({
        %run_scoped3A = tpu.sem_alloc : memref<!tpu.dma_semaphore, #tpu.memory_space<semaphore_mem>>
        %dma_start3A_118 = arith.constant 0 : i32
        %dma_start3A_119 = tpu.memref_slice %arg11[%mul3A_61, %dma_start3A_118] : memref<82x128xi32, #tpu.memory_space<vmem>> -> memref<1x128xi32, #tpu.memory_space<vmem>>
        %dma_start3A_120 = tpu.memref_squeeze %dma_start3A_119 : memref<1x128xi32, #tpu.memory_space<vmem>> -> memref<128xi32, #tpu.memory_space<vmem>>
        %dma_start3A_121 = arith.constant 0 : i32
        %dma_start3A_122 = arith.constant 0 : i32
        %dma_start3A_123 = tpu.memref_slice %arg19[%dma_start3A_121, %dma_start3A_122] : memref<10240x64xf32, #tpu.memory_space<vmem_shared>> -> memref<10240x64xf32, #tpu.memory_space<vmem_shared>>
        tpu.enqueue_indirect_dma source(%arg12 : memref<128x64xf32, #tpu.memory_space<vmem>>) target(%dma_start3A_123 : memref<10240x64xf32, #tpu.memory_space<vmem_shared>>) offsets(%dma_start3A_120 : memref<128xi32, #tpu.memory_space<vmem>>) semaphore(%run_scoped3A : memref<!tpu.dma_semaphore, #tpu.memory_space<semaphore_mem>>) {add = true}
        %dma_wait3A_124 = arith.constant 0 : i32
        %dma_wait3A_125 = tpu.memref_slice %arg11[%mul3A_61, %dma_wait3A_124] : memref<82x128xi32, #tpu.memory_space<vmem>> -> memref<1x128xi32, #tpu.memory_space<vmem>>
        %dma_wait3A_126 = tpu.memref_squeeze %dma_wait3A_125 : memref<1x128xi32, #tpu.memory_space<vmem>> -> memref<128xi32, #tpu.memory_space<vmem>>
        %dma_wait3A_127 = arith.constant 0 : i32
        %dma_wait3A_128 = arith.constant 0 : i32
        %dma_wait3A_129 = tpu.memref_slice %arg19[%dma_wait3A_127, %dma_wait3A_128] : memref<10240x64xf32, #tpu.memory_space<vmem_shared>> -> memref<10240x64xf32, #tpu.memory_space<vmem_shared>>
        tpu.wait_indirect_dma semaphore(%run_scoped3A : memref<!tpu.dma_semaphore, #tpu.memory_space<semaphore_mem>>) src(%arg12 : memref<128x64xf32, #tpu.memory_space<vmem>>) dst(%dma_wait3A_129 : memref<10240x64xf32, #tpu.memory_space<vmem_shared>>)
        tpu.yield
      }) : () -> ()
      %dma_wait3A_80 = arith.constant 0 : i32
      %dma_wait3A_81 = arith.constant 0 : i32
      %dma_wait3A_82 = tpu.memref_slice %arg11[%dma_wait3A_80, %dma_wait3A_81] : memref<82x128xi32, #tpu.memory_space<vmem>> -> memref<1x128xi32, #tpu.memory_space<vmem>>
      %dma_wait3A_83 = tpu.memref_squeeze %dma_wait3A_82 : memref<1x128xi32, #tpu.memory_space<vmem>> -> memref<128xi32, #tpu.memory_space<vmem>>
      %dma_wait3A_84 = arith.constant 0 : i32
      %dma_wait3A_85 = arith.constant 0 : i32
      %dma_wait3A_86 = tpu.memref_slice %arg20[%dma_wait3A_84, %dma_wait3A_85] : memref<10240x16xf32, #tpu.memory_space<vmem_shared>> -> memref<10240x16xf32, #tpu.memory_space<vmem_shared>>
      tpu.wait_indirect_dma semaphore(%arg25 : memref<!tpu.dma_semaphore, #tpu.memory_space<semaphore_mem>>) src(%arg17 : memref<128x16xf32, #tpu.memory_space<vmem>>) dst(%dma_wait3A_86 : memref<10240x16xf32, #tpu.memory_space<vmem_shared>>)
      %dma_start3A_87 = arith.constant 0 : i32
      %dma_start3A_88 = tpu.memref_slice %arg11[%add3A_65, %dma_start3A_87] : memref<82x128xi32, #tpu.memory_space<vmem>> -> memref<1x128xi32, #tpu.memory_space<vmem>>
      %dma_start3A_89 = tpu.memref_squeeze %dma_start3A_88 : memref<1x128xi32, #tpu.memory_space<vmem>> -> memref<128xi32, #tpu.memory_space<vmem>>
      %dma_start3A_90 = arith.constant 0 : i32
      %dma_start3A_91 = arith.constant 0 : i32
      %dma_start3A_92 = tpu.memref_slice %arg20[%dma_start3A_90, %dma_start3A_91] : memref<10240x16xf32, #tpu.memory_space<vmem_shared>> -> memref<10240x16xf32, #tpu.memory_space<vmem_shared>>
      tpu.enqueue_indirect_dma source(%arg17 : memref<128x16xf32, #tpu.memory_space<vmem>>) target(%dma_start3A_92 : memref<10240x16xf32, #tpu.memory_space<vmem_shared>>) offsets(%dma_start3A_89 : memref<128xi32, #tpu.memory_space<vmem>>) semaphore(%arg25 : memref<!tpu.dma_semaphore, #tpu.memory_space<semaphore_mem>>) {add = true}
      %dma_start3A_93 = arith.constant 0 : i32
      %dma_start3A_94 = tpu.memref_slice %arg10[%add3A_65, %dma_start3A_93] : memref<82x128xi32, #tpu.memory_space<vmem>> -> memref<1x128xi32, #tpu.memory_space<vmem>>
      %dma_start3A_95 = tpu.memref_squeeze %dma_start3A_94 : memref<1x128xi32, #tpu.memory_space<vmem>> -> memref<128xi32, #tpu.memory_space<vmem>>
      %dma_start3A_96 = arith.constant 0 : i32
      %dma_start3A_97 = arith.constant 0 : i32
      %dma_start3A_98 = tpu.memref_slice %arg2[%dma_start3A_96, %dma_start3A_97] : memref<10000x64xf32, #tpu.memory_space<hbm>> -> memref<10000x64xf32, #tpu.memory_space<hbm>>
      tpu.enqueue_indirect_dma source(%dma_start3A_98 : memref<10000x64xf32, #tpu.memory_space<hbm>>) target(%arg12 : memref<128x64xf32, #tpu.memory_space<vmem>>) offsets(%dma_start3A_95 : memref<128xi32, #tpu.memory_space<vmem>>) semaphore(%arg21 : memref<!tpu.dma_semaphore, #tpu.memory_space<semaphore_mem>>)
      %dma_wait3A_99 = arith.constant 0 : i32
      %dma_wait3A_100 = tpu.memref_slice %arg10[%add3A_63, %dma_wait3A_99] : memref<82x128xi32, #tpu.memory_space<vmem>> -> memref<1x128xi32, #tpu.memory_space<vmem>>
      %dma_wait3A_101 = tpu.memref_squeeze %dma_wait3A_100 : memref<1x128xi32, #tpu.memory_space<vmem>> -> memref<128xi32, #tpu.memory_space<vmem>>
      %dma_wait3A_102 = arith.constant 0 : i32
      %dma_wait3A_103 = arith.constant 0 : i32
      %dma_wait3A_104 = tpu.memref_slice %arg2[%dma_wait3A_102, %dma_wait3A_103] : memref<10000x64xf32, #tpu.memory_space<hbm>> -> memref<10000x64xf32, #tpu.memory_space<hbm>>
      tpu.wait_indirect_dma semaphore(%arg22 : memref<!tpu.dma_semaphore, #tpu.memory_space<semaphore_mem>>) src(%dma_wait3A_104 : memref<10000x64xf32, #tpu.memory_space<hbm>>) dst(%arg13 : memref<128x64xf32, #tpu.memory_space<vmem>>)
      "tpu.region"() ({
        %run_scoped3A = tpu.sem_alloc : memref<!tpu.dma_semaphore, #tpu.memory_space<semaphore_mem>>
        %dma_start3A_118 = arith.constant 0 : i32
        %dma_start3A_119 = tpu.memref_slice %arg11[%add3A_63, %dma_start3A_118] : memref<82x128xi32, #tpu.memory_space<vmem>> -> memref<1x128xi32, #tpu.memory_space<vmem>>
        %dma_start3A_120 = tpu.memref_squeeze %dma_start3A_119 : memref<1x128xi32, #tpu.memory_space<vmem>> -> memref<128xi32, #tpu.memory_space<vmem>>
        %dma_start3A_121 = arith.constant 0 : i32
        %dma_start3A_122 = arith.constant 0 : i32
        %dma_start3A_123 = tpu.memref_slice %arg19[%dma_start3A_121, %dma_start3A_122] : memref<10240x64xf32, #tpu.memory_space<vmem_shared>> -> memref<10240x64xf32, #tpu.memory_space<vmem_shared>>
        tpu.enqueue_indirect_dma source(%arg13 : memref<128x64xf32, #tpu.memory_space<vmem>>) target(%dma_start3A_123 : memref<10240x64xf32, #tpu.memory_space<vmem_shared>>) offsets(%dma_start3A_120 : memref<128xi32, #tpu.memory_space<vmem>>) semaphore(%run_scoped3A : memref<!tpu.dma_semaphore, #tpu.memory_space<semaphore_mem>>) {add = true}
        %dma_wait3A_124 = arith.constant 0 : i32
        %dma_wait3A_125 = tpu.memref_slice %arg11[%add3A_63, %dma_wait3A_124] : memref<82x128xi32, #tpu.memory_space<vmem>> -> memref<1x128xi32, #tpu.memory_space<vmem>>
        %dma_wait3A_126 = tpu.memref_squeeze %dma_wait3A_125 : memref<1x128xi32, #tpu.memory_space<vmem>> -> memref<128xi32, #tpu.memory_space<vmem>>
        %dma_wait3A_127 = arith.constant 0 : i32
        %dma_wait3A_128 = arith.constant 0 : i32
        %dma_wait3A_129 = tpu.memref_slice %arg19[%dma_wait3A_127, %dma_wait3A_128] : memref<10240x64xf32, #tpu.memory_space<vmem_shared>> -> memref<10240x64xf32, #tpu.memory_space<vmem_shared>>
        tpu.wait_indirect_dma semaphore(%run_scoped3A : memref<!tpu.dma_semaphore, #tpu.memory_space<semaphore_mem>>) src(%arg13 : memref<128x64xf32, #tpu.memory_space<vmem>>) dst(%dma_wait3A_129 : memref<10240x64xf32, #tpu.memory_space<vmem_shared>>)
        tpu.yield
      }) : () -> ()
      %dma_wait3A_105 = arith.constant 0 : i32
      %dma_wait3A_106 = arith.constant 0 : i32
      %dma_wait3A_107 = tpu.memref_slice %arg11[%dma_wait3A_105, %dma_wait3A_106] : memref<82x128xi32, #tpu.memory_space<vmem>> -> memref<1x128xi32, #tpu.memory_space<vmem>>
      %dma_wait3A_108 = tpu.memref_squeeze %dma_wait3A_107 : memref<1x128xi32, #tpu.memory_space<vmem>> -> memref<128xi32, #tpu.memory_space<vmem>>
      %dma_wait3A_109 = arith.constant 0 : i32
      %dma_wait3A_110 = arith.constant 0 : i32
      %dma_wait3A_111 = tpu.memref_slice %arg20[%dma_wait3A_109, %dma_wait3A_110] : memref<10240x16xf32, #tpu.memory_space<vmem_shared>> -> memref<10240x16xf32, #tpu.memory_space<vmem_shared>>
      tpu.wait_indirect_dma semaphore(%arg26 : memref<!tpu.dma_semaphore, #tpu.memory_space<semaphore_mem>>) src(%arg17 : memref<128x16xf32, #tpu.memory_space<vmem>>) dst(%dma_wait3A_111 : memref<10240x16xf32, #tpu.memory_space<vmem_shared>>)
      %dma_start3A_112 = arith.constant 0 : i32
      %dma_start3A_113 = tpu.memref_slice %arg11[%add3A_67, %dma_start3A_112] : memref<82x128xi32, #tpu.memory_space<vmem>> -> memref<1x128xi32, #tpu.memory_space<vmem>>
      %dma_start3A_114 = tpu.memref_squeeze %dma_start3A_113 : memref<1x128xi32, #tpu.memory_space<vmem>> -> memref<128xi32, #tpu.memory_space<vmem>>
      %dma_start3A_115 = arith.constant 0 : i32
      %dma_start3A_116 = arith.constant 0 : i32
      %dma_start3A_117 = tpu.memref_slice %arg20[%dma_start3A_115, %dma_start3A_116] : memref<10240x16xf32, #tpu.memory_space<vmem_shared>> -> memref<10240x16xf32, #tpu.memory_space<vmem_shared>>
      tpu.enqueue_indirect_dma source(%arg17 : memref<128x16xf32, #tpu.memory_space<vmem>>) target(%dma_start3A_117 : memref<10240x16xf32, #tpu.memory_space<vmem_shared>>) offsets(%dma_start3A_114 : memref<128xi32, #tpu.memory_space<vmem>>) semaphore(%arg26 : memref<!tpu.dma_semaphore, #tpu.memory_space<semaphore_mem>>) {add = true}
    }
    %scan3A_31 = arith.constant 40 : i32
    %dma_wait3A = arith.constant 0 : i32
    %dma_wait3A_32 = arith.constant 0 : i32
    %dma_wait3A_33 = tpu.memref_slice %arg10[%dma_wait3A, %dma_wait3A_32] : memref<82x128xi32, #tpu.memory_space<vmem>> -> memref<1x128xi32, #tpu.memory_space<vmem>>
    %dma_wait3A_34 = tpu.memref_squeeze %dma_wait3A_33 : memref<1x128xi32, #tpu.memory_space<vmem>> -> memref<128xi32, #tpu.memory_space<vmem>>
    %dma_wait3A_35 = arith.constant 0 : i32
    %dma_wait3A_36 = arith.constant 0 : i32
    %dma_wait3A_37 = tpu.memref_slice %arg2[%dma_wait3A_35, %dma_wait3A_36] : memref<10000x64xf32, #tpu.memory_space<hbm>> -> memref<10000x64xf32, #tpu.memory_space<hbm>>
    tpu.wait_indirect_dma semaphore(%arg21 : memref<!tpu.dma_semaphore, #tpu.memory_space<semaphore_mem>>) src(%dma_wait3A_37 : memref<10000x64xf32, #tpu.memory_space<hbm>>) dst(%arg12 : memref<128x64xf32, #tpu.memory_space<vmem>>)
    %dma_wait3A_38 = arith.constant 0 : i32
    %dma_wait3A_39 = arith.constant 0 : i32
    %dma_wait3A_40 = tpu.memref_slice %arg11[%dma_wait3A_38, %dma_wait3A_39] : memref<82x128xi32, #tpu.memory_space<vmem>> -> memref<1x128xi32, #tpu.memory_space<vmem>>
    %dma_wait3A_41 = tpu.memref_squeeze %dma_wait3A_40 : memref<1x128xi32, #tpu.memory_space<vmem>> -> memref<128xi32, #tpu.memory_space<vmem>>
    %dma_wait3A_42 = arith.constant 0 : i32
    %dma_wait3A_43 = arith.constant 0 : i32
    %dma_wait3A_44 = tpu.memref_slice %arg20[%dma_wait3A_42, %dma_wait3A_43] : memref<10240x16xf32, #tpu.memory_space<vmem_shared>> -> memref<10240x16xf32, #tpu.memory_space<vmem_shared>>
    tpu.wait_indirect_dma semaphore(%arg25 : memref<!tpu.dma_semaphore, #tpu.memory_space<semaphore_mem>>) src(%arg17 : memref<128x16xf32, #tpu.memory_space<vmem>>) dst(%dma_wait3A_44 : memref<10240x16xf32, #tpu.memory_space<vmem_shared>>)
    %dma_wait3A_45 = arith.constant 0 : i32
    %dma_wait3A_46 = arith.constant 0 : i32
    %dma_wait3A_47 = tpu.memref_slice %arg11[%dma_wait3A_45, %dma_wait3A_46] : memref<82x128xi32, #tpu.memory_space<vmem>> -> memref<1x128xi32, #tpu.memory_space<vmem>>
    %dma_wait3A_48 = tpu.memref_squeeze %dma_wait3A_47 : memref<1x128xi32, #tpu.memory_space<vmem>> -> memref<128xi32, #tpu.memory_space<vmem>>
    %dma_wait3A_49 = arith.constant 0 : i32
    %dma_wait3A_50 = arith.constant 0 : i32
    %dma_wait3A_51 = tpu.memref_slice %arg20[%dma_wait3A_49, %dma_wait3A_50] : memref<10240x16xf32, #tpu.memory_space<vmem_shared>> -> memref<10240x16xf32, #tpu.memory_space<vmem_shared>>
    tpu.wait_indirect_dma semaphore(%arg26 : memref<!tpu.dma_semaphore, #tpu.memory_space<semaphore_mem>>) src(%arg17 : memref<128x16xf32, #tpu.memory_space<vmem>>) dst(%dma_wait3A_51 : memref<10240x16xf32, #tpu.memory_space<vmem_shared>>)
    %barrier3A_52 = arith.constant 0 : index
    tpu.barrier barrier_id(%barrier3A_52)
    %scan3A_53 = arith.constant 0 : i32
    %scan3A_54 = arith.constant 0 : i32
    %scan3A_55 = arith.constant 5 : i32
    %scan3A_56 = arith.addi %scan3A_54, %scan3A_55 : i32
    %scan3A_57 = arith.constant 1 : i32
    scf.for %scan3A_59 = %scan3A_54 to %scan3A_56 step %scan3A_57  : i32 {
      %mul3A_60 = arith.constant 640 : i32
      %mul3A_61 = arith.muli %arg1, %mul3A_60 : i32
      %mul3A_62 = arith.constant 128 : i32
      %mul3A_63 = arith.muli %scan3A_59, %mul3A_62 : i32
      %add3A_64 = arith.addi %mul3A_61, %mul3A_63 : i32
      "tpu.region"() ({
        %run_scoped3A = tpu.sem_alloc : memref<!tpu.dma_semaphore, #tpu.memory_space<semaphore_mem>>
        %dma_start3A_65 = arith.constant 0 : i32
        %dma_start3A_66 = tpu.memref_slice %arg19[%add3A_64, %dma_start3A_65] : memref<10240x64xf32, #tpu.memory_space<vmem_shared>> -> memref<128x64xf32, #tpu.memory_space<vmem_shared>>
        %dma_start3A_67 = arith.constant 0 : i32
        %dma_start3A_68 = tpu.memref_slice %arg19[%add3A_64, %dma_start3A_67] : memref<10240x64xf32, #tpu.memory_space<vmem_shared>> -> memref<128x64xf32, #tpu.memory_space<vmem_shared>>
        tpu.enqueue_dma source(%dma_start3A_68 : memref<128x64xf32, #tpu.memory_space<vmem_shared>>) target(%arg12 : memref<128x64xf32, #tpu.memory_space<vmem>>) target_semaphore(%run_scoped3A : memref<!tpu.dma_semaphore, #tpu.memory_space<semaphore_mem>>)
        %dma_wait3A_69 = arith.constant 0 : i32
        %dma_wait3A_70 = tpu.memref_slice %arg19[%add3A_64, %dma_wait3A_69] : memref<10240x64xf32, #tpu.memory_space<vmem_shared>> -> memref<128x64xf32, #tpu.memory_space<vmem_shared>>
        %dma_wait3A_71 = arith.constant 0 : i32
        %dma_wait3A_72 = tpu.memref_slice %arg19[%add3A_64, %dma_wait3A_71] : memref<10240x64xf32, #tpu.memory_space<vmem_shared>> -> memref<128x64xf32, #tpu.memory_space<vmem_shared>>
        tpu.wait_dma2 semaphore(%run_scoped3A : memref<!tpu.dma_semaphore, #tpu.memory_space<semaphore_mem>>) src(%dma_wait3A_72 : memref<128x64xf32, #tpu.memory_space<vmem_shared>>) dst(%arg12 : memref<128x64xf32, #tpu.memory_space<vmem>>)
        tpu.yield
      }) : () -> ()
      "tpu.region"() ({
        %run_scoped3A = tpu.sem_alloc : memref<!tpu.dma_semaphore, #tpu.memory_space<semaphore_mem>>
        %dma_start3A_65 = arith.constant 0 : i32
        %dma_start3A_66 = tpu.memref_slice %arg8[%arg0, %add3A_64, %dma_start3A_65] : memref<2x10240x64xf32, #tpu.memory_space<hbm>> -> memref<1x128x64xf32, #tpu.memory_space<hbm>>
        %dma_start3A_67 = tpu.memref_squeeze %dma_start3A_66 : memref<1x128x64xf32, #tpu.memory_space<hbm>> -> memref<128x64xf32, #tpu.memory_space<hbm>>
        %dma_start3A_68 = arith.constant 0 : i32
        %dma_start3A_69 = tpu.memref_slice %arg8[%arg0, %add3A_64, %dma_start3A_68] : memref<2x10240x64xf32, #tpu.memory_space<hbm>> -> memref<1x128x64xf32, #tpu.memory_space<hbm>>
        %dma_start3A_70 = tpu.memref_squeeze %dma_start3A_69 : memref<1x128x64xf32, #tpu.memory_space<hbm>> -> memref<128x64xf32, #tpu.memory_space<hbm>>
        tpu.enqueue_dma source(%arg12 : memref<128x64xf32, #tpu.memory_space<vmem>>) target(%dma_start3A_70 : memref<128x64xf32, #tpu.memory_space<hbm>>) target_semaphore(%run_scoped3A : memref<!tpu.dma_semaphore, #tpu.memory_space<semaphore_mem>>)
        %dma_wait3A_71 = arith.constant 0 : i32
        %dma_wait3A_72 = tpu.memref_slice %arg8[%arg0, %add3A_64, %dma_wait3A_71] : memref<2x10240x64xf32, #tpu.memory_space<hbm>> -> memref<1x128x64xf32, #tpu.memory_space<hbm>>
        %dma_wait3A_73 = tpu.memref_squeeze %dma_wait3A_72 : memref<1x128x64xf32, #tpu.memory_space<hbm>> -> memref<128x64xf32, #tpu.memory_space<hbm>>
        %dma_wait3A_74 = arith.constant 0 : i32
        %dma_wait3A_75 = tpu.memref_slice %arg8[%arg0, %add3A_64, %dma_wait3A_74] : memref<2x10240x64xf32, #tpu.memory_space<hbm>> -> memref<1x128x64xf32, #tpu.memory_space<hbm>>
        %dma_wait3A_76 = tpu.memref_squeeze %dma_wait3A_75 : memref<1x128x64xf32, #tpu.memory_space<hbm>> -> memref<128x64xf32, #tpu.memory_space<hbm>>
        tpu.wait_dma2 semaphore(%run_scoped3A : memref<!tpu.dma_semaphore, #tpu.memory_space<semaphore_mem>>) src(%arg12 : memref<128x64xf32, #tpu.memory_space<vmem>>) dst(%dma_wait3A_76 : memref<128x64xf32, #tpu.memory_space<hbm>>)
        tpu.yield
      }) : () -> ()
      "tpu.region"() ({
        %run_scoped3A = tpu.sem_alloc : memref<!tpu.dma_semaphore, #tpu.memory_space<semaphore_mem>>
        %dma_start3A_65 = arith.constant 0 : i32
        %dma_start3A_66 = tpu.memref_slice %arg20[%add3A_64, %dma_start3A_65] : memref<10240x16xf32, #tpu.memory_space<vmem_shared>> -> memref<128x16xf32, #tpu.memory_space<vmem_shared>>
        %dma_start3A_67 = arith.constant 0 : i32
        %dma_start3A_68 = tpu.memref_slice %arg20[%add3A_64, %dma_start3A_67] : memref<10240x16xf32, #tpu.memory_space<vmem_shared>> -> memref<128x16xf32, #tpu.memory_space<vmem_shared>>
        tpu.enqueue_dma source(%dma_start3A_68 : memref<128x16xf32, #tpu.memory_space<vmem_shared>>) target(%arg18 : memref<128x16xf32, #tpu.memory_space<vmem>>) target_semaphore(%run_scoped3A : memref<!tpu.dma_semaphore, #tpu.memory_space<semaphore_mem>>)
        %dma_wait3A_69 = arith.constant 0 : i32
        %dma_wait3A_70 = tpu.memref_slice %arg20[%add3A_64, %dma_wait3A_69] : memref<10240x16xf32, #tpu.memory_space<vmem_shared>> -> memref<128x16xf32, #tpu.memory_space<vmem_shared>>
        %dma_wait3A_71 = arith.constant 0 : i32
        %dma_wait3A_72 = tpu.memref_slice %arg20[%add3A_64, %dma_wait3A_71] : memref<10240x16xf32, #tpu.memory_space<vmem_shared>> -> memref<128x16xf32, #tpu.memory_space<vmem_shared>>
        tpu.wait_dma2 semaphore(%run_scoped3A : memref<!tpu.dma_semaphore, #tpu.memory_space<semaphore_mem>>) src(%dma_wait3A_72 : memref<128x16xf32, #tpu.memory_space<vmem_shared>>) dst(%arg18 : memref<128x16xf32, #tpu.memory_space<vmem>>)
        tpu.yield
      }) : () -> ()
      "tpu.region"() ({
        %run_scoped3A = tpu.sem_alloc : memref<!tpu.dma_semaphore, #tpu.memory_space<semaphore_mem>>
        %dma_start3A_65 = arith.constant 0 : i32
        %dma_start3A_66 = tpu.memref_slice %arg9[%arg0, %add3A_64, %dma_start3A_65] : memref<2x10240x16xf32, #tpu.memory_space<hbm>> -> memref<1x128x16xf32, #tpu.memory_space<hbm>>
        %dma_start3A_67 = tpu.memref_squeeze %dma_start3A_66 : memref<1x128x16xf32, #tpu.memory_space<hbm>> -> memref<128x16xf32, #tpu.memory_space<hbm>>
        %dma_start3A_68 = arith.constant 0 : i32
        %dma_start3A_69 = tpu.memref_slice %arg9[%arg0, %add3A_64, %dma_start3A_68] : memref<2x10240x16xf32, #tpu.memory_space<hbm>> -> memref<1x128x16xf32, #tpu.memory_space<hbm>>
        %dma_start3A_70 = tpu.memref_squeeze %dma_start3A_69 : memref<1x128x16xf32, #tpu.memory_space<hbm>> -> memref<128x16xf32, #tpu.memory_space<hbm>>
        tpu.enqueue_dma source(%arg18 : memref<128x16xf32, #tpu.memory_space<vmem>>) target(%dma_start3A_70 : memref<128x16xf32, #tpu.memory_space<hbm>>) target_semaphore(%run_scoped3A : memref<!tpu.dma_semaphore, #tpu.memory_space<semaphore_mem>>)
        %dma_wait3A_71 = arith.constant 0 : i32
        %dma_wait3A_72 = tpu.memref_slice %arg9[%arg0, %add3A_64, %dma_wait3A_71] : memref<2x10240x16xf32, #tpu.memory_space<hbm>> -> memref<1x128x16xf32, #tpu.memory_space<hbm>>
        %dma_wait3A_73 = tpu.memref_squeeze %dma_wait3A_72 : memref<1x128x16xf32, #tpu.memory_space<hbm>> -> memref<128x16xf32, #tpu.memory_space<hbm>>
        %dma_wait3A_74 = arith.constant 0 : i32
        %dma_wait3A_75 = tpu.memref_slice %arg9[%arg0, %add3A_64, %dma_wait3A_74] : memref<2x10240x16xf32, #tpu.memory_space<hbm>> -> memref<1x128x16xf32, #tpu.memory_space<hbm>>
        %dma_wait3A_76 = tpu.memref_squeeze %dma_wait3A_75 : memref<1x128x16xf32, #tpu.memory_space<hbm>> -> memref<128x16xf32, #tpu.memory_space<hbm>>
        tpu.wait_dma2 semaphore(%run_scoped3A : memref<!tpu.dma_semaphore, #tpu.memory_space<semaphore_mem>>) src(%arg18 : memref<128x16xf32, #tpu.memory_space<vmem>>) dst(%dma_wait3A_76 : memref<128x16xf32, #tpu.memory_space<hbm>>)
        tpu.yield
      }) : () -> ()
    }
    %scan3A_58 = arith.constant 5 : i32
    return
  }
}

#map = affine_map<(d0, d1) -> (0, 0)>
#map1 = affine_map<(d0, d1) -> (0, 0, 0)>
module attributes {stable_mosaic.version = 14 : i64} {
  func.func @_seg_sum_body(%arg0: i32, %arg1: i32, %arg2: memref<10000x64xf32, #tpu.memory_space<hbm>>, %arg3: memref<32x82x128xi32, #tpu.memory_space<hbm>>, %arg4: memref<32x82x128xi32, #tpu.memory_space<hbm>>, %arg5: memref<128x64xf32, #tpu.memory_space<hbm>>, %arg6: memref<128x16xf32, #tpu.memory_space<hbm>>, %arg7: memref<128x16xf32, #tpu.memory_space<hbm>>, %arg8: memref<2x10240x64xf32, #tpu.memory_space<hbm>>, %arg9: memref<2x10240x16xf32, #tpu.memory_space<hbm>>, %arg10: memref<82x128xi32, #tpu.memory_space<vmem>>, %arg11: memref<82x128xi32, #tpu.memory_space<vmem>>, %arg12: memref<128x64xf32, #tpu.memory_space<vmem>>, %arg13: memref<128x64xf32, #tpu.memory_space<vmem>>, %arg14: memref<128x64xf32, #tpu.memory_space<vmem>>, %arg15: memref<128x64xf32, #tpu.memory_space<vmem>>, %arg16: memref<128x64xf32, #tpu.memory_space<vmem>>, %arg17: memref<128x16xf32, #tpu.memory_space<vmem>>, %arg18: memref<128x16xf32, #tpu.memory_space<vmem>>, %arg19: memref<10240x64xf32, #tpu.memory_space<vmem_shared>>, %arg20: memref<10240x16xf32, #tpu.memory_space<vmem_shared>>, %arg21: memref<!tpu.dma_semaphore, #tpu.memory_space<semaphore_mem>>, %arg22: memref<!tpu.dma_semaphore, #tpu.memory_space<semaphore_mem>>, %arg23: memref<!tpu.dma_semaphore, #tpu.memory_space<semaphore_mem>>, %arg24: memref<!tpu.dma_semaphore, #tpu.memory_space<semaphore_mem>>, %arg25: memref<!tpu.dma_semaphore, #tpu.memory_space<semaphore_mem>>, %arg26: memref<!tpu.dma_semaphore, #tpu.memory_space<semaphore_mem>>, %arg27: memref<!tpu.dma_semaphore, #tpu.memory_space<semaphore_mem>>, %arg28: memref<!tpu.dma_semaphore, #tpu.memory_space<semaphore_mem>>) attributes {dimension_semantics = [#tpu.dimension_semantics<core_parallel>, #tpu.dimension_semantics<subcore_parallel>], iteration_bounds = array<i64: 2, 16>, scalar_prefetch = 0 : i64, scratch_operands = 19 : i64, tpu.core_type = #tpu.core_type<sc_vector_subcore>, window_params = [{transform_indices = #map}, {transform_indices = #map1}, {transform_indices = #map1}, {transform_indices = #map}, {transform_indices = #map}, {transform_indices = #map}, {transform_indices = #map1}, {transform_indices = #map1}]} {
    %mul3A = arith.constant 16 : i32
    %mul3A_0 = arith.muli %arg0, %mul3A : i32
    %add3A = arith.addi %mul3A_0, %arg1 : i32
    "tpu.region"() ({
      %run_scoped3A = tpu.sem_alloc : memref<!tpu.dma_semaphore, #tpu.memory_space<semaphore_mem>>
      tpu.enqueue_dma source(%arg5 : memref<128x64xf32, #tpu.memory_space<hbm>>) target(%arg16 : memref<128x64xf32, #tpu.memory_space<vmem>>) target_semaphore(%run_scoped3A : memref<!tpu.dma_semaphore, #tpu.memory_space<semaphore_mem>>)
      tpu.wait_dma2 semaphore(%run_scoped3A : memref<!tpu.dma_semaphore, #tpu.memory_space<semaphore_mem>>) src(%arg5 : memref<128x64xf32, #tpu.memory_space<hbm>>) dst(%arg16 : memref<128x64xf32, #tpu.memory_space<vmem>>)
      tpu.yield
    }) : () -> ()
    %scan3A = arith.constant 0 : i32
    %scan3A_1 = arith.constant 0 : i32
    %scan3A_2 = arith.constant 5 : i32
    %scan3A_3 = arith.addi %scan3A_1, %scan3A_2 : i32
    %scan3A_4 = arith.constant 1 : i32
    scf.for %scan3A_31 = %scan3A_1 to %scan3A_3 step %scan3A_4  : i32 {
      %mul3A_32 = arith.constant 640 : i32
      %mul3A_33 = arith.muli %arg1, %mul3A_32 : i32
      %mul3A_34 = arith.constant 128 : i32
      %mul3A_35 = arith.muli %scan3A_31, %mul3A_34 : i32
      %add3A_36 = arith.addi %mul3A_33, %mul3A_35 : i32
      "tpu.region"() ({
        %run_scoped3A = tpu.sem_alloc : memref<!tpu.dma_semaphore, #tpu.memory_space<semaphore_mem>>
        %dma_start3A_37 = arith.constant 0 : i32
        %dma_start3A_38 = tpu.memref_slice %arg19[%add3A_36, %dma_start3A_37] : memref<10240x64xf32, #tpu.memory_space<vmem_shared>> -> memref<128x64xf32, #tpu.memory_space<vmem_shared>>
        %dma_start3A_39 = arith.constant 0 : i32
        %dma_start3A_40 = tpu.memref_slice %arg19[%add3A_36, %dma_start3A_39] : memref<10240x64xf32, #tpu.memory_space<vmem_shared>> -> memref<128x64xf32, #tpu.memory_space<vmem_shared>>
        tpu.enqueue_dma source(%arg16 : memref<128x64xf32, #tpu.memory_space<vmem>>) target(%dma_start3A_40 : memref<128x64xf32, #tpu.memory_space<vmem_shared>>) target_semaphore(%run_scoped3A : memref<!tpu.dma_semaphore, #tpu.memory_space<semaphore_mem>>)
        %dma_wait3A_41 = arith.constant 0 : i32
        %dma_wait3A_42 = tpu.memref_slice %arg19[%add3A_36, %dma_wait3A_41] : memref<10240x64xf32, #tpu.memory_space<vmem_shared>> -> memref<128x64xf32, #tpu.memory_space<vmem_shared>>
        %dma_wait3A_43 = arith.constant 0 : i32
        %dma_wait3A_44 = tpu.memref_slice %arg19[%add3A_36, %dma_wait3A_43] : memref<10240x64xf32, #tpu.memory_space<vmem_shared>> -> memref<128x64xf32, #tpu.memory_space<vmem_shared>>
        tpu.wait_dma2 semaphore(%run_scoped3A : memref<!tpu.dma_semaphore, #tpu.memory_space<semaphore_mem>>) src(%arg16 : memref<128x64xf32, #tpu.memory_space<vmem>>) dst(%dma_wait3A_44 : memref<128x64xf32, #tpu.memory_space<vmem_shared>>)
        tpu.yield
      }) : () -> ()
    }
    %scan3A_5 = arith.constant 5 : i32
    "tpu.region"() ({
      %run_scoped3A = tpu.sem_alloc : memref<!tpu.dma_semaphore, #tpu.memory_space<semaphore_mem>>
      %dma_start3A_31 = arith.constant 0 : i32
      %dma_start3A_32 = arith.constant 0 : i32
      %dma_start3A_33 = tpu.memref_slice %arg3[%add3A, %dma_start3A_31, %dma_start3A_32] : memref<32x82x128xi32, #tpu.memory_space<hbm>> -> memref<1x82x128xi32, #tpu.memory_space<hbm>>
      %dma_start3A_34 = tpu.memref_squeeze %dma_start3A_33 : memref<1x82x128xi32, #tpu.memory_space<hbm>> -> memref<82x128xi32, #tpu.memory_space<hbm>>
      %dma_start3A_35 = arith.constant 0 : i32
      %dma_start3A_36 = arith.constant 0 : i32
      %dma_start3A_37 = tpu.memref_slice %arg3[%add3A, %dma_start3A_35, %dma_start3A_36] : memref<32x82x128xi32, #tpu.memory_space<hbm>> -> memref<1x82x128xi32, #tpu.memory_space<hbm>>
      %dma_start3A_38 = tpu.memref_squeeze %dma_start3A_37 : memref<1x82x128xi32, #tpu.memory_space<hbm>> -> memref<82x128xi32, #tpu.memory_space<hbm>>
      tpu.enqueue_dma source(%dma_start3A_38 : memref<82x128xi32, #tpu.memory_space<hbm>>) target(%arg10 : memref<82x128xi32, #tpu.memory_space<vmem>>) target_semaphore(%run_scoped3A : memref<!tpu.dma_semaphore, #tpu.memory_space<semaphore_mem>>)
      %dma_wait3A_39 = arith.constant 0 : i32
      %dma_wait3A_40 = arith.constant 0 : i32
      %dma_wait3A_41 = tpu.memref_slice %arg3[%add3A, %dma_wait3A_39, %dma_wait3A_40] : memref<32x82x128xi32, #tpu.memory_space<hbm>> -> memref<1x82x128xi32, #tpu.memory_space<hbm>>
      %dma_wait3A_42 = tpu.memref_squeeze %dma_wait3A_41 : memref<1x82x128xi32, #tpu.memory_space<hbm>> -> memref<82x128xi32, #tpu.memory_space<hbm>>
      %dma_wait3A_43 = arith.constant 0 : i32
      %dma_wait3A_44 = arith.constant 0 : i32
      %dma_wait3A_45 = tpu.memref_slice %arg3[%add3A, %dma_wait3A_43, %dma_wait3A_44] : memref<32x82x128xi32, #tpu.memory_space<hbm>> -> memref<1x82x128xi32, #tpu.memory_space<hbm>>
      %dma_wait3A_46 = tpu.memref_squeeze %dma_wait3A_45 : memref<1x82x128xi32, #tpu.memory_space<hbm>> -> memref<82x128xi32, #tpu.memory_space<hbm>>
      tpu.wait_dma2 semaphore(%run_scoped3A : memref<!tpu.dma_semaphore, #tpu.memory_space<semaphore_mem>>) src(%dma_wait3A_46 : memref<82x128xi32, #tpu.memory_space<hbm>>) dst(%arg10 : memref<82x128xi32, #tpu.memory_space<vmem>>)
      tpu.yield
    }) : () -> ()
    "tpu.region"() ({
      %run_scoped3A = tpu.sem_alloc : memref<!tpu.dma_semaphore, #tpu.memory_space<semaphore_mem>>
      %dma_start3A_31 = arith.constant 0 : i32
      %dma_start3A_32 = arith.constant 0 : i32
      %dma_start3A_33 = tpu.memref_slice %arg4[%add3A, %dma_start3A_31, %dma_start3A_32] : memref<32x82x128xi32, #tpu.memory_space<hbm>> -> memref<1x82x128xi32, #tpu.memory_space<hbm>>
      %dma_start3A_34 = tpu.memref_squeeze %dma_start3A_33 : memref<1x82x128xi32, #tpu.memory_space<hbm>> -> memref<82x128xi32, #tpu.memory_space<hbm>>
      %dma_start3A_35 = arith.constant 0 : i32
      %dma_start3A_36 = arith.constant 0 : i32
      %dma_start3A_37 = tpu.memref_slice %arg4[%add3A, %dma_start3A_35, %dma_start3A_36] : memref<32x82x128xi32, #tpu.memory_space<hbm>> -> memref<1x82x128xi32, #tpu.memory_space<hbm>>
      %dma_start3A_38 = tpu.memref_squeeze %dma_start3A_37 : memref<1x82x128xi32, #tpu.memory_space<hbm>> -> memref<82x128xi32, #tpu.memory_space<hbm>>
      tpu.enqueue_dma source(%dma_start3A_38 : memref<82x128xi32, #tpu.memory_space<hbm>>) target(%arg11 : memref<82x128xi32, #tpu.memory_space<vmem>>) target_semaphore(%run_scoped3A : memref<!tpu.dma_semaphore, #tpu.memory_space<semaphore_mem>>)
      %dma_wait3A_39 = arith.constant 0 : i32
      %dma_wait3A_40 = arith.constant 0 : i32
      %dma_wait3A_41 = tpu.memref_slice %arg4[%add3A, %dma_wait3A_39, %dma_wait3A_40] : memref<32x82x128xi32, #tpu.memory_space<hbm>> -> memref<1x82x128xi32, #tpu.memory_space<hbm>>
      %dma_wait3A_42 = tpu.memref_squeeze %dma_wait3A_41 : memref<1x82x128xi32, #tpu.memory_space<hbm>> -> memref<82x128xi32, #tpu.memory_space<hbm>>
      %dma_wait3A_43 = arith.constant 0 : i32
      %dma_wait3A_44 = arith.constant 0 : i32
      %dma_wait3A_45 = tpu.memref_slice %arg4[%add3A, %dma_wait3A_43, %dma_wait3A_44] : memref<32x82x128xi32, #tpu.memory_space<hbm>> -> memref<1x82x128xi32, #tpu.memory_space<hbm>>
      %dma_wait3A_46 = tpu.memref_squeeze %dma_wait3A_45 : memref<1x82x128xi32, #tpu.memory_space<hbm>> -> memref<82x128xi32, #tpu.memory_space<hbm>>
      tpu.wait_dma2 semaphore(%run_scoped3A : memref<!tpu.dma_semaphore, #tpu.memory_space<semaphore_mem>>) src(%dma_wait3A_46 : memref<82x128xi32, #tpu.memory_space<hbm>>) dst(%arg11 : memref<82x128xi32, #tpu.memory_space<vmem>>)
      tpu.yield
    }) : () -> ()
    %barrier3A = arith.constant 0 : index
    tpu.barrier barrier_id(%barrier3A)
    %dma_start3A = arith.constant 0 : i32
    %dma_start3A_6 = arith.constant 0 : i32
    %dma_start3A_7 = tpu.memref_slice %arg10[%dma_start3A, %dma_start3A_6] : memref<82x128xi32, #tpu.memory_space<vmem>> -> memref<1x128xi32, #tpu.memory_space<vmem>>
    %dma_start3A_8 = tpu.memref_squeeze %dma_start3A_7 : memref<1x128xi32, #tpu.memory_space<vmem>> -> memref<128xi32, #tpu.memory_space<vmem>>
    %dma_start3A_9 = arith.constant 0 : i32
    %dma_start3A_10 = arith.constant 0 : i32
    %dma_start3A_11 = tpu.memref_slice %arg2[%dma_start3A_9, %dma_start3A_10] : memref<10000x64xf32, #tpu.memory_space<hbm>> -> memref<10000x64xf32, #tpu.memory_space<hbm>>
    tpu.enqueue_indirect_dma source(%dma_start3A_11 : memref<10000x64xf32, #tpu.memory_space<hbm>>) target(%arg12 : memref<128x64xf32, #tpu.memory_space<vmem>>) offsets(%dma_start3A_8 : memref<128xi32, #tpu.memory_space<vmem>>) semaphore(%arg21 : memref<!tpu.dma_semaphore, #tpu.memory_space<semaphore_mem>>)
    %scan3A_12 = arith.constant 0 : i32
    %scan3A_13 = arith.constant 0 : i32
    %scan3A_14 = arith.constant 40 : i32
    %scan3A_15 = arith.addi %scan3A_13, %scan3A_14 : i32
    %scan3A_16 = arith.constant 1 : i32
    scf.for %scan3A_31 = %scan3A_13 to %scan3A_15 step %scan3A_16  : i32 {
      %mul3A_32 = arith.constant 2 : i32
      %mul3A_33 = arith.muli %mul3A_32, %scan3A_31 : i32
      %add3A_34 = arith.constant 1 : i32
      %add3A_35 = arith.addi %mul3A_33, %add3A_34 : i32
      %add3A_36 = arith.constant 2 : i32
      %add3A_37 = arith.addi %mul3A_33, %add3A_36 : i32
      %add3A_38 = arith.constant 3 : i32
      %add3A_39 = arith.addi %mul3A_33, %add3A_38 : i32
      %dma_start3A_40 = arith.constant 0 : i32
      %dma_start3A_41 = tpu.memref_slice %arg10[%add3A_35, %dma_start3A_40] : memref<82x128xi32, #tpu.memory_space<vmem>> -> memref<1x128xi32, #tpu.memory_space<vmem>>
      %dma_start3A_42 = tpu.memref_squeeze %dma_start3A_41 : memref<1x128xi32, #tpu.memory_space<vmem>> -> memref<128xi32, #tpu.memory_space<vmem>>
      %dma_start3A_43 = arith.constant 0 : i32
      %dma_start3A_44 = arith.constant 0 : i32
      %dma_start3A_45 = tpu.memref_slice %arg2[%dma_start3A_43, %dma_start3A_44] : memref<10000x64xf32, #tpu.memory_space<hbm>> -> memref<10000x64xf32, #tpu.memory_space<hbm>>
      tpu.enqueue_indirect_dma source(%dma_start3A_45 : memref<10000x64xf32, #tpu.memory_space<hbm>>) target(%arg13 : memref<128x64xf32, #tpu.memory_space<vmem>>) offsets(%dma_start3A_42 : memref<128xi32, #tpu.memory_space<vmem>>) semaphore(%arg22 : memref<!tpu.dma_semaphore, #tpu.memory_space<semaphore_mem>>)
      %dma_wait3A_46 = arith.constant 0 : i32
      %dma_wait3A_47 = tpu.memref_slice %arg10[%mul3A_33, %dma_wait3A_46] : memref<82x128xi32, #tpu.memory_space<vmem>> -> memref<1x128xi32, #tpu.memory_space<vmem>>
      %dma_wait3A_48 = tpu.memref_squeeze %dma_wait3A_47 : memref<1x128xi32, #tpu.memory_space<vmem>> -> memref<128xi32, #tpu.memory_space<vmem>>
      %dma_wait3A_49 = arith.constant 0 : i32
      %dma_wait3A_50 = arith.constant 0 : i32
      %dma_wait3A_51 = tpu.memref_slice %arg2[%dma_wait3A_49, %dma_wait3A_50] : memref<10000x64xf32, #tpu.memory_space<hbm>> -> memref<10000x64xf32, #tpu.memory_space<hbm>>
      tpu.wait_indirect_dma semaphore(%arg21 : memref<!tpu.dma_semaphore, #tpu.memory_space<semaphore_mem>>) src(%dma_wait3A_51 : memref<10000x64xf32, #tpu.memory_space<hbm>>) dst(%arg12 : memref<128x64xf32, #tpu.memory_space<vmem>>)
      "tpu.region"() ({
        %run_scoped3A = tpu.sem_alloc : memref<!tpu.dma_semaphore, #tpu.memory_space<semaphore_mem>>
        %dma_start3A_64 = arith.constant 0 : i32
        %dma_start3A_65 = tpu.memref_slice %arg11[%mul3A_33, %dma_start3A_64] : memref<82x128xi32, #tpu.memory_space<vmem>> -> memref<1x128xi32, #tpu.memory_space<vmem>>
        %dma_start3A_66 = tpu.memref_squeeze %dma_start3A_65 : memref<1x128xi32, #tpu.memory_space<vmem>> -> memref<128xi32, #tpu.memory_space<vmem>>
        %dma_start3A_67 = arith.constant 0 : i32
        %dma_start3A_68 = arith.constant 0 : i32
        %dma_start3A_69 = tpu.memref_slice %arg19[%dma_start3A_67, %dma_start3A_68] : memref<10240x64xf32, #tpu.memory_space<vmem_shared>> -> memref<10240x64xf32, #tpu.memory_space<vmem_shared>>
        tpu.enqueue_indirect_dma source(%arg12 : memref<128x64xf32, #tpu.memory_space<vmem>>) target(%dma_start3A_69 : memref<10240x64xf32, #tpu.memory_space<vmem_shared>>) offsets(%dma_start3A_66 : memref<128xi32, #tpu.memory_space<vmem>>) semaphore(%run_scoped3A : memref<!tpu.dma_semaphore, #tpu.memory_space<semaphore_mem>>) {add = true}
        %dma_wait3A_70 = arith.constant 0 : i32
        %dma_wait3A_71 = tpu.memref_slice %arg11[%mul3A_33, %dma_wait3A_70] : memref<82x128xi32, #tpu.memory_space<vmem>> -> memref<1x128xi32, #tpu.memory_space<vmem>>
        %dma_wait3A_72 = tpu.memref_squeeze %dma_wait3A_71 : memref<1x128xi32, #tpu.memory_space<vmem>> -> memref<128xi32, #tpu.memory_space<vmem>>
        %dma_wait3A_73 = arith.constant 0 : i32
        %dma_wait3A_74 = arith.constant 0 : i32
        %dma_wait3A_75 = tpu.memref_slice %arg19[%dma_wait3A_73, %dma_wait3A_74] : memref<10240x64xf32, #tpu.memory_space<vmem_shared>> -> memref<10240x64xf32, #tpu.memory_space<vmem_shared>>
        tpu.wait_indirect_dma semaphore(%run_scoped3A : memref<!tpu.dma_semaphore, #tpu.memory_space<semaphore_mem>>) src(%arg12 : memref<128x64xf32, #tpu.memory_space<vmem>>) dst(%dma_wait3A_75 : memref<10240x64xf32, #tpu.memory_space<vmem_shared>>)
        tpu.yield
      }) : () -> ()
      %dma_start3A_52 = arith.constant 0 : i32
      %dma_start3A_53 = tpu.memref_slice %arg10[%add3A_37, %dma_start3A_52] : memref<82x128xi32, #tpu.memory_space<vmem>> -> memref<1x128xi32, #tpu.memory_space<vmem>>
      %dma_start3A_54 = tpu.memref_squeeze %dma_start3A_53 : memref<1x128xi32, #tpu.memory_space<vmem>> -> memref<128xi32, #tpu.memory_space<vmem>>
      %dma_start3A_55 = arith.constant 0 : i32
      %dma_start3A_56 = arith.constant 0 : i32
      %dma_start3A_57 = tpu.memref_slice %arg2[%dma_start3A_55, %dma_start3A_56] : memref<10000x64xf32, #tpu.memory_space<hbm>> -> memref<10000x64xf32, #tpu.memory_space<hbm>>
      tpu.enqueue_indirect_dma source(%dma_start3A_57 : memref<10000x64xf32, #tpu.memory_space<hbm>>) target(%arg12 : memref<128x64xf32, #tpu.memory_space<vmem>>) offsets(%dma_start3A_54 : memref<128xi32, #tpu.memory_space<vmem>>) semaphore(%arg21 : memref<!tpu.dma_semaphore, #tpu.memory_space<semaphore_mem>>)
      %dma_wait3A_58 = arith.constant 0 : i32
      %dma_wait3A_59 = tpu.memref_slice %arg10[%add3A_35, %dma_wait3A_58] : memref<82x128xi32, #tpu.memory_space<vmem>> -> memref<1x128xi32, #tpu.memory_space<vmem>>
      %dma_wait3A_60 = tpu.memref_squeeze %dma_wait3A_59 : memref<1x128xi32, #tpu.memory_space<vmem>> -> memref<128xi32, #tpu.memory_space<vmem>>
      %dma_wait3A_61 = arith.constant 0 : i32
      %dma_wait3A_62 = arith.constant 0 : i32
      %dma_wait3A_63 = tpu.memref_slice %arg2[%dma_wait3A_61, %dma_wait3A_62] : memref<10000x64xf32, #tpu.memory_space<hbm>> -> memref<10000x64xf32, #tpu.memory_space<hbm>>
      tpu.wait_indirect_dma semaphore(%arg22 : memref<!tpu.dma_semaphore, #tpu.memory_space<semaphore_mem>>) src(%dma_wait3A_63 : memref<10000x64xf32, #tpu.memory_space<hbm>>) dst(%arg13 : memref<128x64xf32, #tpu.memory_space<vmem>>)
      "tpu.region"() ({
        %run_scoped3A = tpu.sem_alloc : memref<!tpu.dma_semaphore, #tpu.memory_space<semaphore_mem>>
        %dma_start3A_64 = arith.constant 0 : i32
        %dma_start3A_65 = tpu.memref_slice %arg11[%add3A_35, %dma_start3A_64] : memref<82x128xi32, #tpu.memory_space<vmem>> -> memref<1x128xi32, #tpu.memory_space<vmem>>
        %dma_start3A_66 = tpu.memref_squeeze %dma_start3A_65 : memref<1x128xi32, #tpu.memory_space<vmem>> -> memref<128xi32, #tpu.memory_space<vmem>>
        %dma_start3A_67 = arith.constant 0 : i32
        %dma_start3A_68 = arith.constant 0 : i32
        %dma_start3A_69 = tpu.memref_slice %arg19[%dma_start3A_67, %dma_start3A_68] : memref<10240x64xf32, #tpu.memory_space<vmem_shared>> -> memref<10240x64xf32, #tpu.memory_space<vmem_shared>>
        tpu.enqueue_indirect_dma source(%arg13 : memref<128x64xf32, #tpu.memory_space<vmem>>) target(%dma_start3A_69 : memref<10240x64xf32, #tpu.memory_space<vmem_shared>>) offsets(%dma_start3A_66 : memref<128xi32, #tpu.memory_space<vmem>>) semaphore(%run_scoped3A : memref<!tpu.dma_semaphore, #tpu.memory_space<semaphore_mem>>) {add = true}
        %dma_wait3A_70 = arith.constant 0 : i32
        %dma_wait3A_71 = tpu.memref_slice %arg11[%add3A_35, %dma_wait3A_70] : memref<82x128xi32, #tpu.memory_space<vmem>> -> memref<1x128xi32, #tpu.memory_space<vmem>>
        %dma_wait3A_72 = tpu.memref_squeeze %dma_wait3A_71 : memref<1x128xi32, #tpu.memory_space<vmem>> -> memref<128xi32, #tpu.memory_space<vmem>>
        %dma_wait3A_73 = arith.constant 0 : i32
        %dma_wait3A_74 = arith.constant 0 : i32
        %dma_wait3A_75 = tpu.memref_slice %arg19[%dma_wait3A_73, %dma_wait3A_74] : memref<10240x64xf32, #tpu.memory_space<vmem_shared>> -> memref<10240x64xf32, #tpu.memory_space<vmem_shared>>
        tpu.wait_indirect_dma semaphore(%run_scoped3A : memref<!tpu.dma_semaphore, #tpu.memory_space<semaphore_mem>>) src(%arg13 : memref<128x64xf32, #tpu.memory_space<vmem>>) dst(%dma_wait3A_75 : memref<10240x64xf32, #tpu.memory_space<vmem_shared>>)
        tpu.yield
      }) : () -> ()
    }
    %scan3A_17 = arith.constant 40 : i32
    %dma_wait3A = arith.constant 0 : i32
    %dma_wait3A_18 = arith.constant 0 : i32
    %dma_wait3A_19 = tpu.memref_slice %arg10[%dma_wait3A, %dma_wait3A_18] : memref<82x128xi32, #tpu.memory_space<vmem>> -> memref<1x128xi32, #tpu.memory_space<vmem>>
    %dma_wait3A_20 = tpu.memref_squeeze %dma_wait3A_19 : memref<1x128xi32, #tpu.memory_space<vmem>> -> memref<128xi32, #tpu.memory_space<vmem>>
    %dma_wait3A_21 = arith.constant 0 : i32
    %dma_wait3A_22 = arith.constant 0 : i32
    %dma_wait3A_23 = tpu.memref_slice %arg2[%dma_wait3A_21, %dma_wait3A_22] : memref<10000x64xf32, #tpu.memory_space<hbm>> -> memref<10000x64xf32, #tpu.memory_space<hbm>>
    tpu.wait_indirect_dma semaphore(%arg21 : memref<!tpu.dma_semaphore, #tpu.memory_space<semaphore_mem>>) src(%dma_wait3A_23 : memref<10000x64xf32, #tpu.memory_space<hbm>>) dst(%arg12 : memref<128x64xf32, #tpu.memory_space<vmem>>)
    %barrier3A_24 = arith.constant 0 : index
    tpu.barrier barrier_id(%barrier3A_24)
    %scan3A_25 = arith.constant 0 : i32
    %scan3A_26 = arith.constant 0 : i32
    %scan3A_27 = arith.constant 5 : i32
    %scan3A_28 = arith.addi %scan3A_26, %scan3A_27 : i32
    %scan3A_29 = arith.constant 1 : i32
    scf.for %scan3A_31 = %scan3A_26 to %scan3A_28 step %scan3A_29  : i32 {
      %mul3A_32 = arith.constant 640 : i32
      %mul3A_33 = arith.muli %arg1, %mul3A_32 : i32
      %mul3A_34 = arith.constant 128 : i32
      %mul3A_35 = arith.muli %scan3A_31, %mul3A_34 : i32
      %add3A_36 = arith.addi %mul3A_33, %mul3A_35 : i32
      "tpu.region"() ({
        %run_scoped3A = tpu.sem_alloc : memref<!tpu.dma_semaphore, #tpu.memory_space<semaphore_mem>>
        %dma_start3A_37 = arith.constant 0 : i32
        %dma_start3A_38 = tpu.memref_slice %arg19[%add3A_36, %dma_start3A_37] : memref<10240x64xf32, #tpu.memory_space<vmem_shared>> -> memref<128x64xf32, #tpu.memory_space<vmem_shared>>
        %dma_start3A_39 = arith.constant 0 : i32
        %dma_start3A_40 = tpu.memref_slice %arg19[%add3A_36, %dma_start3A_39] : memref<10240x64xf32, #tpu.memory_space<vmem_shared>> -> memref<128x64xf32, #tpu.memory_space<vmem_shared>>
        tpu.enqueue_dma source(%dma_start3A_40 : memref<128x64xf32, #tpu.memory_space<vmem_shared>>) target(%arg12 : memref<128x64xf32, #tpu.memory_space<vmem>>) target_semaphore(%run_scoped3A : memref<!tpu.dma_semaphore, #tpu.memory_space<semaphore_mem>>)
        %dma_wait3A_41 = arith.constant 0 : i32
        %dma_wait3A_42 = tpu.memref_slice %arg19[%add3A_36, %dma_wait3A_41] : memref<10240x64xf32, #tpu.memory_space<vmem_shared>> -> memref<128x64xf32, #tpu.memory_space<vmem_shared>>
        %dma_wait3A_43 = arith.constant 0 : i32
        %dma_wait3A_44 = tpu.memref_slice %arg19[%add3A_36, %dma_wait3A_43] : memref<10240x64xf32, #tpu.memory_space<vmem_shared>> -> memref<128x64xf32, #tpu.memory_space<vmem_shared>>
        tpu.wait_dma2 semaphore(%run_scoped3A : memref<!tpu.dma_semaphore, #tpu.memory_space<semaphore_mem>>) src(%dma_wait3A_44 : memref<128x64xf32, #tpu.memory_space<vmem_shared>>) dst(%arg12 : memref<128x64xf32, #tpu.memory_space<vmem>>)
        tpu.yield
      }) : () -> ()
      "tpu.region"() ({
        %run_scoped3A = tpu.sem_alloc : memref<!tpu.dma_semaphore, #tpu.memory_space<semaphore_mem>>
        %dma_start3A_37 = arith.constant 0 : i32
        %dma_start3A_38 = tpu.memref_slice %arg8[%arg0, %add3A_36, %dma_start3A_37] : memref<2x10240x64xf32, #tpu.memory_space<hbm>> -> memref<1x128x64xf32, #tpu.memory_space<hbm>>
        %dma_start3A_39 = tpu.memref_squeeze %dma_start3A_38 : memref<1x128x64xf32, #tpu.memory_space<hbm>> -> memref<128x64xf32, #tpu.memory_space<hbm>>
        %dma_start3A_40 = arith.constant 0 : i32
        %dma_start3A_41 = tpu.memref_slice %arg8[%arg0, %add3A_36, %dma_start3A_40] : memref<2x10240x64xf32, #tpu.memory_space<hbm>> -> memref<1x128x64xf32, #tpu.memory_space<hbm>>
        %dma_start3A_42 = tpu.memref_squeeze %dma_start3A_41 : memref<1x128x64xf32, #tpu.memory_space<hbm>> -> memref<128x64xf32, #tpu.memory_space<hbm>>
        tpu.enqueue_dma source(%arg12 : memref<128x64xf32, #tpu.memory_space<vmem>>) target(%dma_start3A_42 : memref<128x64xf32, #tpu.memory_space<hbm>>) target_semaphore(%run_scoped3A : memref<!tpu.dma_semaphore, #tpu.memory_space<semaphore_mem>>)
        %dma_wait3A_43 = arith.constant 0 : i32
        %dma_wait3A_44 = tpu.memref_slice %arg8[%arg0, %add3A_36, %dma_wait3A_43] : memref<2x10240x64xf32, #tpu.memory_space<hbm>> -> memref<1x128x64xf32, #tpu.memory_space<hbm>>
        %dma_wait3A_45 = tpu.memref_squeeze %dma_wait3A_44 : memref<1x128x64xf32, #tpu.memory_space<hbm>> -> memref<128x64xf32, #tpu.memory_space<hbm>>
        %dma_wait3A_46 = arith.constant 0 : i32
        %dma_wait3A_47 = tpu.memref_slice %arg8[%arg0, %add3A_36, %dma_wait3A_46] : memref<2x10240x64xf32, #tpu.memory_space<hbm>> -> memref<1x128x64xf32, #tpu.memory_space<hbm>>
        %dma_wait3A_48 = tpu.memref_squeeze %dma_wait3A_47 : memref<1x128x64xf32, #tpu.memory_space<hbm>> -> memref<128x64xf32, #tpu.memory_space<hbm>>
        tpu.wait_dma2 semaphore(%run_scoped3A : memref<!tpu.dma_semaphore, #tpu.memory_space<semaphore_mem>>) src(%arg12 : memref<128x64xf32, #tpu.memory_space<vmem>>) dst(%dma_wait3A_48 : memref<128x64xf32, #tpu.memory_space<hbm>>)
        tpu.yield
      }) : () -> ()
    }
    %scan3A_30 = arith.constant 5 : i32
    return
  }
}

module attributes {stable_mosaic.version = 14 : i64} {
  func.func @_stage_a(%arg0: i32, %arg1: memref<1024x128xf32, #tpu.memory_space<vmem>>, %arg2: memref<64x128xf32, #tpu.memory_space<vmem>>, %arg3: memref<64x128xf32, #tpu.memory_space<vmem>>, %arg4: memref<1024x64xf32, #tpu.memory_space<vmem>>, %arg5: memref<1024x64xf32, #tpu.memory_space<vmem>>) attributes {dimension_semantics = [#tpu.dimension_semantics<arbitrary>], iteration_bounds = array<i64: 10>, scalar_prefetch = 0 : i64, scratch_operands = 0 : i64, tpu.core_type = #tpu.core_type<tc>, window_params = [{transform_indices = @transform_0, window_bounds = array<i64: 1024, 128>}, {pipeline_mode = #tpu.pipeline_mode<synchronous>, transform_indices = @transform_1, window_bounds = array<i64: 64, 128>}, {pipeline_mode = #tpu.pipeline_mode<synchronous>, transform_indices = @transform_2, window_bounds = array<i64: 64, 128>}, {transform_indices = @transform_3, window_bounds = array<i64: 1024, 64>}, {transform_indices = @transform_4, window_bounds = array<i64: 1024, 64>}]} {
    %get3A = arith.constant 0 : index
    %get3A_0 = arith.constant 0 : index
    %get3A_1 = vector.load %arg1[%get3A, %get3A_0] : memref<1024x128xf32, #tpu.memory_space<vmem>>, vector<1024x128xf32>
    %get3A_2 = arith.constant 0 : index
    %get3A_3 = arith.constant 0 : index
    %get3A_4 = vector.load %arg2[%get3A_2, %get3A_3] : memref<64x128xf32, #tpu.memory_space<vmem>>, vector<64x128xf32>
    %dot_general3A = arith.constant dense<0.000000e+00> : vector<1024x64xf32>
    %dot_general3A_5 = tpu.matmul %get3A_1, %get3A_4, %dot_general3A {dimension_numbers = #tpu.dot_dimension_numbers<[1], [1], [0], [0], [0, 0, 1, 0], [], []>, transpose_lhs_hint = false} : vector<1024x128xf32>, vector<64x128xf32>, vector<1024x64xf32> -> vector<1024x64xf32>
    %swap3A = arith.constant 0 : index
    %swap3A_6 = arith.constant 0 : index
    %swap3A_7 = vector.load %arg4[%swap3A, %swap3A_6] : memref<1024x64xf32, #tpu.memory_space<vmem>>, vector<1024x64xf32>
    tpu.vector_store %arg4[%swap3A, %swap3A_6], %dot_general3A_5 {strides = array<i32>} : memref<1024x64xf32, #tpu.memory_space<vmem>>, vector<1024x64xf32>,
    %get3A_8 = arith.constant 0 : index
    %get3A_9 = arith.constant 0 : index
    %get3A_10 = vector.load %arg3[%get3A_8, %get3A_9] : memref<64x128xf32, #tpu.memory_space<vmem>>, vector<64x128xf32>
    %dot_general3A_11 = arith.constant dense<0.000000e+00> : vector<1024x64xf32>
    %dot_general3A_12 = tpu.matmul %get3A_1, %get3A_10, %dot_general3A_11 {dimension_numbers = #tpu.dot_dimension_numbers<[1], [1], [0], [0], [0, 0, 1, 0], [], []>, transpose_lhs_hint = false} : vector<1024x128xf32>, vector<64x128xf32>, vector<1024x64xf32> -> vector<1024x64xf32>
    %swap3A_13 = arith.constant 0 : index
    %swap3A_14 = arith.constant 0 : index
    %swap3A_15 = vector.load %arg5[%swap3A_13, %swap3A_14] : memref<1024x64xf32, #tpu.memory_space<vmem>>, vector<1024x64xf32>
    tpu.vector_store %arg5[%swap3A_13, %swap3A_14], %dot_general3A_12 {strides = array<i32>} : memref<1024x64xf32, #tpu.memory_space<vmem>>, vector<1024x64xf32>,
    return
  }
  func.func @transform_0(%arg0: i32) -> (i32, i32) {
    %c0_i32 = arith.constant 0 : i32
    %c0_i32_0 = arith.constant 0 : i32
    return %arg0, %c0_i32 : i32, i32
  }
  func.func @transform_1(%arg0: i32) -> (i32, i32) {
    %c0_i32 = arith.constant 0 : i32
    %c0_i32_0 = arith.constant 0 : i32
    %c0_i32_1 = arith.constant 0 : i32
    return %c0_i32, %c0_i32_0 : i32, i32
  }
  func.func @transform_2(%arg0: i32) -> (i32, i32) {
    %c0_i32 = arith.constant 0 : i32
    %c0_i32_0 = arith.constant 0 : i32
    %c0_i32_1 = arith.constant 0 : i32
    return %c0_i32, %c0_i32_0 : i32, i32
  }
  func.func @transform_3(%arg0: i32) -> (i32, i32) {
    %c0_i32 = arith.constant 0 : i32
    %c0_i32_0 = arith.constant 0 : i32
    return %arg0, %c0_i32 : i32, i32
  }
  func.func @transform_4(%arg0: i32) -> (i32, i32) {
    %c0_i32 = arith.constant 0 : i32
    %c0_i32_0 = arith.constant 0 : i32
    return %arg0, %c0_i32 : i32, i32
  }
}

module attributes {stable_mosaic.version = 14 : i64} {
  func.func @_stage_c(%arg0: i32, %arg1: memref<2x1024x64xf32, #tpu.memory_space<vmem>>, %arg2: memref<2x1024x16xf32, #tpu.memory_space<vmem>>, %arg3: memref<1024x64xf32, #tpu.memory_space<vmem>>, %arg4: memref<1x64xf32, #tpu.memory_space<vmem>>, %arg5: memref<64x64xf32, #tpu.memory_space<vmem>>, %arg6: memref<64x64xf32, #tpu.memory_space<vmem>>, %arg7: memref<1x64xf32, #tpu.memory_space<vmem>>, %arg8: memref<1024x64xf32, #tpu.memory_space<vmem>>, %arg9: memref<1024x64xf32, #tpu.memory_space<vmem>>, %arg10: memref<1024x64xf32, #tpu.memory_space<vmem>>) attributes {dimension_semantics = [#tpu.dimension_semantics<arbitrary>], iteration_bounds = array<i64: 10>, scalar_prefetch = 0 : i64, scratch_operands = 0 : i64, tpu.core_type = #tpu.core_type<tc>, window_params = [{transform_indices = @transform_0, window_bounds = array<i64: 2, 1024, 64>}, {transform_indices = @transform_1, window_bounds = array<i64: 2, 1024, 16>}, {transform_indices = @transform_2, window_bounds = array<i64: 1024, 64>}, {pipeline_mode = #tpu.pipeline_mode<synchronous>, transform_indices = @transform_3, window_bounds = array<i64: 1, 64>}, {pipeline_mode = #tpu.pipeline_mode<synchronous>, transform_indices = @transform_4, window_bounds = array<i64: 64, 64>}, {pipeline_mode = #tpu.pipeline_mode<synchronous>, transform_indices = @transform_5, window_bounds = array<i64: 64, 64>}, {pipeline_mode = #tpu.pipeline_mode<synchronous>, transform_indices = @transform_6, window_bounds = array<i64: 1, 64>}, {transform_indices = @transform_7, window_bounds = array<i64: 1024, 64>}, {transform_indices = @transform_8, window_bounds = array<i64: 1024, 64>}, {transform_indices = @transform_9, window_bounds = array<i64: 1024, 64>}]} {
    %get3A = arith.constant 0 : index
    %get3A_0 = arith.constant 0 : index
    %get3A_1 = arith.constant 0 : index
    %get3A_2 = vector.load %arg2[%get3A, %get3A_0, %get3A_1] : memref<2x1024x16xf32, #tpu.memory_space<vmem>>, vector<1x1024x1xf32>
    %get3A_3 = vector.shape_cast %get3A_2 : vector<1x1024x1xf32> to vector<1024x1xf32>
    %get3A_4 = arith.constant 1 : index
    %get3A_5 = arith.constant 0 : index
    %get3A_6 = arith.constant 0 : index
    %get3A_7 = vector.load %arg2[%get3A_4, %get3A_5, %get3A_6] : memref<2x1024x16xf32, #tpu.memory_space<vmem>>, vector<1x1024x1xf32>
    %get3A_8 = vector.shape_cast %get3A_7 : vector<1x1024x1xf32> to vector<1024x1xf32>
    %add3A = arith.addf %get3A_3, %get3A_8 : vector<1024x1xf32>
    %max3A = arith.constant 1.000000e+00 : f32
    %max3A_9 = vector.broadcast %max3A : f32 to vector<1024x1xf32>
    %max3A_10 = arith.maximumf %add3A, %max3A_9 : vector<1024x1xf32>
    %div3A = arith.constant 1.000000e+00 : f32
    %div3A_11 = vector.broadcast %div3A : f32 to vector<1024x1xf32>
    %div3A_12 = arith.divf %div3A_11, %max3A_10 : vector<1024x1xf32>
    %get3A_13 = arith.constant 0 : index
    %get3A_14 = arith.constant 0 : index
    %get3A_15 = arith.constant 0 : index
    %get3A_16 = vector.load %arg1[%get3A_13, %get3A_14, %get3A_15] : memref<2x1024x64xf32, #tpu.memory_space<vmem>>, vector<1x1024x64xf32>
    %get3A_17 = vector.shape_cast %get3A_16 : vector<1x1024x64xf32> to vector<1024x64xf32>
    %get3A_18 = arith.constant 1 : index
    %get3A_19 = arith.constant 0 : index
    %get3A_20 = arith.constant 0 : index
    %get3A_21 = vector.load %arg1[%get3A_18, %get3A_19, %get3A_20] : memref<2x1024x64xf32, #tpu.memory_space<vmem>>, vector<1x1024x64xf32>
    %get3A_22 = vector.shape_cast %get3A_21 : vector<1x1024x64xf32> to vector<1024x64xf32>
    %add3A_23 = arith.addf %get3A_17, %get3A_22 : vector<1024x64xf32>
    %mul3A = vector.broadcast %div3A_12 : vector<1024x1xf32> to vector<1024x64xf32>
    %mul3A_24 = arith.mulf %add3A_23, %mul3A : vector<1024x64xf32>
    %get3A_25 = arith.constant 0 : index
    %get3A_26 = arith.constant 0 : index
    %get3A_27 = vector.load %arg4[%get3A_25, %get3A_26] : memref<1x64xf32, #tpu.memory_space<vmem>>, vector<1x64xf32>
    %add3A_28 = vector.broadcast %get3A_27 : vector<1x64xf32> to vector<1024x64xf32>
    %add3A_29 = arith.addf %mul3A_24, %add3A_28 : vector<1024x64xf32>
    %get3A_30 = arith.constant 0 : index
    %get3A_31 = arith.constant 0 : index
    %get3A_32 = vector.load %arg3[%get3A_30, %get3A_31] : memref<1024x64xf32, #tpu.memory_space<vmem>>, vector<1024x64xf32>
    %add3A_33 = arith.addf %add3A_29, %get3A_32 : vector<1024x64xf32>
    %max3A_34 = arith.constant 0.000000e+00 : f32
    %max3A_35 = vector.broadcast %max3A_34 : f32 to vector<1024x64xf32>
    %max3A_36 = arith.maximumf %add3A_33, %max3A_35 : vector<1024x64xf32>
    %get3A_37 = arith.constant 0 : index
    %get3A_38 = arith.constant 0 : index
    %get3A_39 = vector.load %arg5[%get3A_37, %get3A_38] : memref<64x64xf32, #tpu.memory_space<vmem>>, vector<64x64xf32>
    %dot_general3A = arith.constant dense<0.000000e+00> : vector<1024x64xf32>
    %dot_general3A_40 = tpu.matmul %max3A_36, %get3A_39, %dot_general3A {dimension_numbers = #tpu.dot_dimension_numbers<[1], [1], [0], [0], [0, 0, 1, 0], [], []>, transpose_lhs_hint = false} : vector<1024x64xf32>, vector<64x64xf32>, vector<1024x64xf32> -> vector<1024x64xf32>
    %swap3A = arith.constant 0 : index
    %swap3A_41 = arith.constant 0 : index
    %swap3A_42 = vector.load %arg8[%swap3A, %swap3A_41] : memref<1024x64xf32, #tpu.memory_space<vmem>>, vector<1024x64xf32>
    tpu.vector_store %arg8[%swap3A, %swap3A_41], %dot_general3A_40 {strides = array<i32>} : memref<1024x64xf32, #tpu.memory_space<vmem>>, vector<1024x64xf32>,
    %get3A_43 = arith.constant 0 : index
    %get3A_44 = arith.constant 0 : index
    %get3A_45 = vector.load %arg6[%get3A_43, %get3A_44] : memref<64x64xf32, #tpu.memory_space<vmem>>, vector<64x64xf32>
    %dot_general3A_46 = arith.constant dense<0.000000e+00> : vector<1024x64xf32>
    %dot_general3A_47 = tpu.matmul %max3A_36, %get3A_45, %dot_general3A_46 {dimension_numbers = #tpu.dot_dimension_numbers<[1], [1], [0], [0], [0, 0, 1, 0], [], []>, transpose_lhs_hint = false} : vector<1024x64xf32>, vector<64x64xf32>, vector<1024x64xf32> -> vector<1024x64xf32>
    %get3A_48 = arith.constant 0 : index
    %get3A_49 = arith.constant 0 : index
    %get3A_50 = vector.load %arg7[%get3A_48, %get3A_49] : memref<1x64xf32, #tpu.memory_space<vmem>>, vector<1x64xf32>
    %add3A_51 = vector.broadcast %get3A_50 : vector<1x64xf32> to vector<1024x64xf32>
    %add3A_52 = arith.addf %dot_general3A_47, %add3A_51 : vector<1024x64xf32>
    %swap3A_53 = arith.constant 0 : index
    %swap3A_54 = arith.constant 0 : index
    %swap3A_55 = vector.load %arg9[%swap3A_53, %swap3A_54] : memref<1024x64xf32, #tpu.memory_space<vmem>>, vector<1024x64xf32>
    tpu.vector_store %arg9[%swap3A_53, %swap3A_54], %add3A_52 {strides = array<i32>} : memref<1024x64xf32, #tpu.memory_space<vmem>>, vector<1024x64xf32>,
    %broadcast_in_dim3A = vector.shape_cast %div3A_12 : vector<1024x1xf32> to vector<1024x1xf32>
    %broadcast_in_dim3A_56 = vector.broadcast %broadcast_in_dim3A : vector<1024x1xf32> to vector<1024x64xf32>
    %swap3A_57 = arith.constant 0 : index
    %swap3A_58 = arith.constant 0 : index
    %swap3A_59 = vector.load %arg10[%swap3A_57, %swap3A_58] : memref<1024x64xf32, #tpu.memory_space<vmem>>, vector<1024x64xf32>
    tpu.vector_store %arg10[%swap3A_57, %swap3A_58], %broadcast_in_dim3A_56 {strides = array<i32>} : memref<1024x64xf32, #tpu.memory_space<vmem>>, vector<1024x64xf32>,
    return
  }
  func.func @transform_0(%arg0: i32) -> (i32, i32, i32) {
    %c0_i32 = arith.constant 0 : i32
    %c0_i32_0 = arith.constant 0 : i32
    %c0_i32_1 = arith.constant 0 : i32
    return %c0_i32, %arg0, %c0_i32_0 : i32, i32, i32
  }
  func.func @transform_1(%arg0: i32) -> (i32, i32, i32) {
    %c0_i32 = arith.constant 0 : i32
    %c0_i32_0 = arith.constant 0 : i32
    %c0_i32_1 = arith.constant 0 : i32
    return %c0_i32, %arg0, %c0_i32_0 : i32, i32, i32
  }
  func.func @transform_2(%arg0: i32) -> (i32, i32) {
    %c0_i32 = arith.constant 0 : i32
    %c0_i32_0 = arith.constant 0 : i32
    return %arg0, %c0_i32 : i32, i32
  }
  func.func @transform_3(%arg0: i32) -> (i32, i32) {
    %c0_i32 = arith.constant 0 : i32
    %c0_i32_0 = arith.constant 0 : i32
    %c0_i32_1 = arith.constant 0 : i32
    return %c0_i32, %c0_i32_0 : i32, i32
  }
  func.func @transform_4(%arg0: i32) -> (i32, i32) {
    %c0_i32 = arith.constant 0 : i32
    %c0_i32_0 = arith.constant 0 : i32
    %c0_i32_1 = arith.constant 0 : i32
    return %c0_i32, %c0_i32_0 : i32, i32
  }
  func.func @transform_5(%arg0: i32) -> (i32, i32) {
    %c0_i32 = arith.constant 0 : i32
    %c0_i32_0 = arith.constant 0 : i32
    %c0_i32_1 = arith.constant 0 : i32
    return %c0_i32, %c0_i32_0 : i32, i32
  }
  func.func @transform_6(%arg0: i32) -> (i32, i32) {
    %c0_i32 = arith.constant 0 : i32
    %c0_i32_0 = arith.constant 0 : i32
    %c0_i32_1 = arith.constant 0 : i32
    return %c0_i32, %c0_i32_0 : i32, i32
  }
  func.func @transform_7(%arg0: i32) -> (i32, i32) {
    %c0_i32 = arith.constant 0 : i32
    %c0_i32_0 = arith.constant 0 : i32
    return %arg0, %c0_i32 : i32, i32
  }
  func.func @transform_8(%arg0: i32) -> (i32, i32) {
    %c0_i32 = arith.constant 0 : i32
    %c0_i32_0 = arith.constant 0 : i32
    return %arg0, %c0_i32 : i32, i32
  }
  func.func @transform_9(%arg0: i32) -> (i32, i32) {
    %c0_i32 = arith.constant 0 : i32
    %c0_i32_0 = arith.constant 0 : i32
    return %arg0, %c0_i32 : i32, i32
  }
}

module attributes {stable_mosaic.version = 14 : i64} {
  func.func @_stage_e(%arg0: i32, %arg1: memref<2x1024x64xf32, #tpu.memory_space<vmem>>, %arg2: memref<1024x64xf32, #tpu.memory_space<vmem>>, %arg3: memref<1024x64xf32, #tpu.memory_space<vmem>>, %arg4: memref<64x64xf32, #tpu.memory_space<vmem>>, %arg5: memref<64x64xf32, #tpu.memory_space<vmem>>, %arg6: memref<1024x64xf32, #tpu.memory_space<vmem>>, %arg7: memref<1024x64xf32, #tpu.memory_space<vmem>>) attributes {dimension_semantics = [#tpu.dimension_semantics<arbitrary>], iteration_bounds = array<i64: 10>, scalar_prefetch = 0 : i64, scratch_operands = 0 : i64, tpu.core_type = #tpu.core_type<tc>, window_params = [{transform_indices = @transform_0, window_bounds = array<i64: 2, 1024, 64>}, {transform_indices = @transform_1, window_bounds = array<i64: 1024, 64>}, {transform_indices = @transform_2, window_bounds = array<i64: 1024, 64>}, {pipeline_mode = #tpu.pipeline_mode<synchronous>, transform_indices = @transform_3, window_bounds = array<i64: 64, 64>}, {pipeline_mode = #tpu.pipeline_mode<synchronous>, transform_indices = @transform_4, window_bounds = array<i64: 64, 64>}, {transform_indices = @transform_5, window_bounds = array<i64: 1024, 64>}, {transform_indices = @transform_6, window_bounds = array<i64: 1024, 64>}]} {
    %get3A = arith.constant 0 : index
    %get3A_0 = arith.constant 0 : index
    %get3A_1 = arith.constant 0 : index
    %get3A_2 = vector.load %arg1[%get3A, %get3A_0, %get3A_1] : memref<2x1024x64xf32, #tpu.memory_space<vmem>>, vector<1x1024x64xf32>
    %get3A_3 = vector.shape_cast %get3A_2 : vector<1x1024x64xf32> to vector<1024x64xf32>
    %get3A_4 = arith.constant 1 : index
    %get3A_5 = arith.constant 0 : index
    %get3A_6 = arith.constant 0 : index
    %get3A_7 = vector.load %arg1[%get3A_4, %get3A_5, %get3A_6] : memref<2x1024x64xf32, #tpu.memory_space<vmem>>, vector<1x1024x64xf32>
    %get3A_8 = vector.shape_cast %get3A_7 : vector<1x1024x64xf32> to vector<1024x64xf32>
    %add3A = arith.addf %get3A_3, %get3A_8 : vector<1024x64xf32>
    %get3A_9 = arith.constant 0 : index
    %get3A_10 = arith.constant 0 : index
    %get3A_11 = vector.load %arg2[%get3A_9, %get3A_10] : memref<1024x64xf32, #tpu.memory_space<vmem>>, vector<1024x64xf32>
    %mul3A = arith.mulf %add3A, %get3A_11 : vector<1024x64xf32>
    %get3A_12 = arith.constant 0 : index
    %get3A_13 = arith.constant 0 : index
    %get3A_14 = vector.load %arg3[%get3A_12, %get3A_13] : memref<1024x64xf32, #tpu.memory_space<vmem>>, vector<1024x64xf32>
    %add3A_15 = arith.addf %mul3A, %get3A_14 : vector<1024x64xf32>
    %get3A_16 = arith.constant 0 : index
    %get3A_17 = arith.constant 0 : index
    %get3A_18 = vector.load %arg4[%get3A_16, %get3A_17] : memref<64x64xf32, #tpu.memory_space<vmem>>, vector<64x64xf32>
    %dot_general3A = arith.constant dense<0.000000e+00> : vector<1024x64xf32>
    %dot_general3A_19 = tpu.matmul %add3A_15, %get3A_18, %dot_general3A {dimension_numbers = #tpu.dot_dimension_numbers<[1], [1], [0], [0], [0, 0, 1, 0], [], []>, transpose_lhs_hint = false} : vector<1024x64xf32>, vector<64x64xf32>, vector<1024x64xf32> -> vector<1024x64xf32>
    %swap3A = arith.constant 0 : index
    %swap3A_20 = arith.constant 0 : index
    %swap3A_21 = vector.load %arg6[%swap3A, %swap3A_20] : memref<1024x64xf32, #tpu.memory_space<vmem>>, vector<1024x64xf32>
    tpu.vector_store %arg6[%swap3A, %swap3A_20], %dot_general3A_19 {strides = array<i32>} : memref<1024x64xf32, #tpu.memory_space<vmem>>, vector<1024x64xf32>,
    %get3A_22 = arith.constant 0 : index
    %get3A_23 = arith.constant 0 : index
    %get3A_24 = vector.load %arg5[%get3A_22, %get3A_23] : memref<64x64xf32, #tpu.memory_space<vmem>>, vector<64x64xf32>
    %dot_general3A_25 = arith.constant dense<0.000000e+00> : vector<1024x64xf32>
    %dot_general3A_26 = tpu.matmul %add3A_15, %get3A_24, %dot_general3A_25 {dimension_numbers = #tpu.dot_dimension_numbers<[1], [1], [0], [0], [0, 0, 1, 0], [], []>, transpose_lhs_hint = false} : vector<1024x64xf32>, vector<64x64xf32>, vector<1024x64xf32> -> vector<1024x64xf32>
    %swap3A_27 = arith.constant 0 : index
    %swap3A_28 = arith.constant 0 : index
    %swap3A_29 = vector.load %arg7[%swap3A_27, %swap3A_28] : memref<1024x64xf32, #tpu.memory_space<vmem>>, vector<1024x64xf32>
    tpu.vector_store %arg7[%swap3A_27, %swap3A_28], %dot_general3A_26 {strides = array<i32>} : memref<1024x64xf32, #tpu.memory_space<vmem>>, vector<1024x64xf32>,
    return
  }
  func.func @transform_0(%arg0: i32) -> (i32, i32, i32) {
    %c0_i32 = arith.constant 0 : i32
    %c0_i32_0 = arith.constant 0 : i32
    %c0_i32_1 = arith.constant 0 : i32
    return %c0_i32, %arg0, %c0_i32_0 : i32, i32, i32
  }
  func.func @transform_1(%arg0: i32) -> (i32, i32) {
    %c0_i32 = arith.constant 0 : i32
    %c0_i32_0 = arith.constant 0 : i32
    return %arg0, %c0_i32 : i32, i32
  }
  func.func @transform_2(%arg0: i32) -> (i32, i32) {
    %c0_i32 = arith.constant 0 : i32
    %c0_i32_0 = arith.constant 0 : i32
    return %arg0, %c0_i32 : i32, i32
  }
  func.func @transform_3(%arg0: i32) -> (i32, i32) {
    %c0_i32 = arith.constant 0 : i32
    %c0_i32_0 = arith.constant 0 : i32
    %c0_i32_1 = arith.constant 0 : i32
    return %c0_i32, %c0_i32_0 : i32, i32
  }
  func.func @transform_4(%arg0: i32) -> (i32, i32) {
    %c0_i32 = arith.constant 0 : i32
    %c0_i32_0 = arith.constant 0 : i32
    %c0_i32_1 = arith.constant 0 : i32
    return %c0_i32, %c0_i32_0 : i32, i32
  }
  func.func @transform_5(%arg0: i32) -> (i32, i32) {
    %c0_i32 = arith.constant 0 : i32
    %c0_i32_0 = arith.constant 0 : i32
    return %arg0, %c0_i32 : i32, i32
  }
  func.func @transform_6(%arg0: i32) -> (i32, i32) {
    %c0_i32 = arith.constant 0 : i32
    %c0_i32_0 = arith.constant 0 : i32
    return %arg0, %c0_i32 : i32, i32
  }
}

module attributes {stable_mosaic.version = 14 : i64} {
  func.func @_stage_g(%arg0: i32, %arg1: memref<4096x128xf32, #tpu.memory_space<vmem>>, %arg2: memref<4096x128xf32, #tpu.memory_space<vmem>>, %arg3: memref<1x128xf32, #tpu.memory_space<vmem>>, %arg4: memref<1x128xf32, #tpu.memory_space<vmem>>, %arg5: memref<1x1xf32, #tpu.memory_space<vmem>>, %arg6: memref<4096x2xf32, #tpu.memory_space<vmem>>) attributes {dimension_semantics = [#tpu.dimension_semantics<arbitrary>], iteration_bounds = array<i64: 13>, scalar_prefetch = 0 : i64, scratch_operands = 0 : i64, tpu.core_type = #tpu.core_type<tc>, window_params = [{transform_indices = @transform_0, window_bounds = array<i64: 4096, 128>}, {transform_indices = @transform_1, window_bounds = array<i64: 4096, 128>}, {pipeline_mode = #tpu.pipeline_mode<synchronous>, transform_indices = @transform_2, window_bounds = array<i64: 1, 128>}, {pipeline_mode = #tpu.pipeline_mode<synchronous>, transform_indices = @transform_3, window_bounds = array<i64: 1, 128>}, {pipeline_mode = #tpu.pipeline_mode<synchronous>, transform_indices = @transform_4, window_bounds = array<i64: 1, 1>}, {transform_indices = @transform_5, window_bounds = array<i64: 4096, 2>}]} {
    %get3A = arith.constant 0 : index
    %get3A_0 = arith.constant 0 : index
    %get3A_1 = vector.load %arg1[%get3A, %get3A_0] : memref<4096x128xf32, #tpu.memory_space<vmem>>, vector<4096x128xf32>
    %get3A_2 = arith.constant 0 : index
    %get3A_3 = arith.constant 0 : index
    %get3A_4 = vector.load %arg2[%get3A_2, %get3A_3] : memref<4096x128xf32, #tpu.memory_space<vmem>>, vector<4096x128xf32>
    %add3A = arith.addf %get3A_1, %get3A_4 : vector<4096x128xf32>
    %get3A_5 = arith.constant 0 : index
    %get3A_6 = arith.constant 0 : index
    %get3A_7 = vector.load %arg3[%get3A_5, %get3A_6] : memref<1x128xf32, #tpu.memory_space<vmem>>, vector<1x128xf32>
    %add3A_8 = vector.broadcast %get3A_7 : vector<1x128xf32> to vector<4096x128xf32>
    %add3A_9 = arith.addf %add3A, %add3A_8 : vector<4096x128xf32>
    %max3A = arith.constant 0.000000e+00 : f32
    %max3A_10 = vector.broadcast %max3A : f32 to vector<4096x128xf32>
    %max3A_11 = arith.maximumf %add3A_9, %max3A_10 : vector<4096x128xf32>
    %get3A_12 = arith.constant 0 : index
    %get3A_13 = arith.constant 0 : index
    %get3A_14 = vector.load %arg4[%get3A_12, %get3A_13] : memref<1x128xf32, #tpu.memory_space<vmem>>, vector<1x128xf32>
    %mul3A = vector.broadcast %get3A_14 : vector<1x128xf32> to vector<4096x128xf32>
    %mul3A_15 = arith.mulf %max3A_11, %mul3A : vector<4096x128xf32>
    %slice3A = vector.extract_strided_slice %mul3A_15 {offsets = [0, 0], sizes = [4096, 64], strides = [1, 1]} : vector<4096x128xf32> to vector<4096x64xf32>
    %reduce_sum3A = arith.constant dense<0.000000e+00> : vector<4096xf32>
    %reduce_sum3A_16 = vector.multi_reduction <add>, %slice3A, %reduce_sum3A [1] : vector<4096x64xf32> to vector<4096xf32>
    %get3A_17 = arith.constant 0 : index
    %get3A_18 = arith.constant 0 : index
    %get3A_19 = vector.load %arg5[%get3A_17, %get3A_18] : memref<1x1xf32, #tpu.memory_space<vmem>>, vector<1x1xf32>
    %get3A_20 = vector.extract %get3A_19[0, 0] : f32 from vector<1x1xf32>
    %add3A_21 = vector.broadcast %get3A_20 : f32 to vector<4096xf32>
    %add3A_22 = arith.addf %reduce_sum3A_16, %add3A_21 : vector<4096xf32>
    %slice3A_23 = vector.extract_strided_slice %mul3A_15 {offsets = [0, 64], sizes = [4096, 64], strides = [1, 1]} : vector<4096x128xf32> to vector<4096x64xf32>
    %reduce_sum3A_24 = arith.constant dense<0.000000e+00> : vector<4096xf32>
    %reduce_sum3A_25 = vector.multi_reduction <add>, %slice3A_23, %reduce_sum3A_24 [1] : vector<4096x64xf32> to vector<4096xf32>
    %get3A_26 = arith.constant 0 : index
    %get3A_27 = arith.constant 0 : index
    %get3A_28 = vector.load %arg5[%get3A_26, %get3A_27] : memref<1x1xf32, #tpu.memory_space<vmem>>, vector<1x1xf32>
    %get3A_29 = vector.extract %get3A_28[0, 0] : f32 from vector<1x1xf32>
    %add3A_30 = vector.broadcast %get3A_29 : f32 to vector<4096xf32>
    %add3A_31 = arith.addf %reduce_sum3A_25, %add3A_30 : vector<4096xf32>
    %stack3A = vector.shape_cast %add3A_22 : vector<4096xf32> to vector<4096x1xf32>
    %stack3A_32 = vector.shape_cast %add3A_31 : vector<4096xf32> to vector<4096x1xf32>
    %stack3A_33 = tpu.concatenate %stack3A, %stack3A_32 in 1 : vector<4096x1xf32>, vector<4096x1xf32> -> vector<4096x2xf32>
    %logistic3A = arith.negf %stack3A_33 : vector<4096x2xf32>
    %logistic3A_34 = math.exp %logistic3A : vector<4096x2xf32>
    %logistic3A_35 = arith.constant 1.000000e+00 : f32
    %logistic3A_36 = vector.broadcast %logistic3A_35 : f32 to vector<4096x2xf32>
    %logistic3A_37 = arith.addf %logistic3A_36, %logistic3A_34 : vector<4096x2xf32>
    %logistic3A_38 = arith.divf %logistic3A_36, %logistic3A_37 : vector<4096x2xf32>
    %swap3A = arith.constant 0 : index
    %swap3A_39 = arith.constant 0 : index
    %swap3A_40 = vector.load %arg6[%swap3A, %swap3A_39] : memref<4096x2xf32, #tpu.memory_space<vmem>>, vector<4096x2xf32>
    tpu.vector_store %arg6[%swap3A, %swap3A_39], %logistic3A_38 {strides = array<i32>} : memref<4096x2xf32, #tpu.memory_space<vmem>>, vector<4096x2xf32>,
    return
  }
  func.func @transform_0(%arg0: i32) -> (i32, i32) {
    %c0_i32 = arith.constant 0 : i32
    %c0_i32_0 = arith.constant 0 : i32
    return %arg0, %c0_i32 : i32, i32
  }
  func.func @transform_1(%arg0: i32) -> (i32, i32) {
    %c0_i32 = arith.constant 0 : i32
    %c0_i32_0 = arith.constant 0 : i32
    return %arg0, %c0_i32 : i32, i32
  }
  func.func @transform_2(%arg0: i32) -> (i32, i32) {
    %c0_i32 = arith.constant 0 : i32
    %c0_i32_0 = arith.constant 0 : i32
    %c0_i32_1 = arith.constant 0 : i32
    return %c0_i32, %c0_i32_0 : i32, i32
  }
  func.func @transform_3(%arg0: i32) -> (i32, i32) {
    %c0_i32 = arith.constant 0 : i32
    %c0_i32_0 = arith.constant 0 : i32
    %c0_i32_1 = arith.constant 0 : i32
    return %c0_i32, %c0_i32_0 : i32, i32
  }
  func.func @transform_4(%arg0: i32) -> (i32, i32) {
    %c0_i32 = arith.constant 0 : i32
    %c0_i32_0 = arith.constant 0 : i32
    %c0_i32_1 = arith.constant 0 : i32
    return %c0_i32, %c0_i32_0 : i32, i32
  }
  func.func @transform_5(%arg0: i32) -> (i32, i32) {
    %c0_i32 = arith.constant 0 : i32
    %c0_i32_0 = arith.constant 0 : i32
    return %arg0, %c0_i32 : i32, i32
  }
}

</mosaic_0001>

<sc_bundles>
// kernel: kernel.12.cloned.1.call-start
scs
__scs_entry_jumppad:
0x0: {  	(pc) =	sbr.rel $0x88, $3  }
0x1: {  	(tag) =	ssettag $0x0;
	lr =	simm.s32 $0x1  }
0x2: {  	[smem:$0x3F94] =	sst lr;
	_ =	strace $0xD0000000  }
0x3: {  	_ = 	snop  }
0x4: {  	_ = 	snop  }
0x5: {  	_ = 	snop  }
0x6: {  	_ = 	snop  }
0x7: {  	_ = 	snop  }
__scs_overlays_trampoline_lowered:
0x8: {  	[smem:$0x3FA3] =	sst s0  }
0x9: {  	[smem:$0x3FA4] =	sst s1  }
0xa: {  	[smem:$0x3FA5] =	sst s2  }
0xb: {  	[smem:$0x3FA6] =	sst s3  }
0xc: {  	[smem:$0x3FA7] =	sst s4  }
0xd: {  	[smem:$0x3FA8] =	sst s5  }
0xe: {  	[smem:$0x3FA9] =	sst s6  }
0xf: {  	[smem:$0x3FAA] =	sst s7  }
0x10: {  	[smem:$0x3FAB] =	sst s8  }
0x11: {  	[smem:$0x3FAC] =	sst s9;
	s0 =	simm.s32 @!p0 $0x0  }
0x12: {  	s1 =	sld [smem:$0x3F92];
	s0 =	simm.s32 @p0 $0x1  }
0x13: {  	[smem:$0x3FAD] =	sst s0;
	s0 =	simm.s32 @!p1 $0x0  }
0x14: {  	s2 =	sld [smem:$0x3F91];
	s0 =	simm.s32 @p1 $0x1  }
0x15: {  	[smem:$0x3FAE] =	sst s0;
	s0 =	simm.s32 @!p2 $0x0  }
0x16: {  	s3 =	sld [smem:$0x3FDB];
	s0 =	simm.s32 @p2 $0x1  }
0x17: {  	s4 =	simm.s32 $0x1BF5;
	[smem:$0x3FB0] =	sst s0  }
0x18: {  	s0 =	sld [smem:$0x3F93];
	_ =	swait.ge [sflag:s4], $0x0  }
0x19: {  	s7 =	sld [smem:$0x3F94]  }
0x1a: {  	s8 =	sadd.s32 $0xFFFFE003, lr  }
0x1b: {  	s9 =	sadd.s32 $0xFFFFFEF7, lr;
	s5 =	simm.s32 $0xFFFFFFFF;
	p2 =	slt.u32 s8, $0xFFFFF086  }
0x1c: {  	p1 =	slt.u32 s9, $0xF7A;
	s5 =	simm.s32 @!p2 $0x0  }
0x1d: {  	s5 =	simm.s32 @p1 $0x1;
	p0 =	seq.s32 s7, s2  }
0x1e: {  	s7 =	smul.u32 @!p0 $0xF7A, s2;
	p2 =	seq.s32 @!p0 s5, $0x0  }
0x1f: {  	s9 =	smul.u32 $0xF7A, s1;
	s8 =	simm.s32 @!p0 $0x1BF5;
	p2 =	por !p2, p0  }
0x20: {  	[sflag:s8] =	ssyncset.s32 @!p0 $0xFFFFF086;
	s6 =	sadd.s32 @!p0 s3, s7;
	s7 =	simm.s32 @!p0 $0x108  }
0x21: {  	s3 =	sadd.s32 s3, s9;
	s6 =	sadd.s32 @!p0 $0x88, s6;
	s7 =	simm.s32 @p2 $0x1082  }
0x22: {  	[simem:s7], [sflag:s8] =	dma.local @!p0 [hbm:s6], $0xF7A  }
0x23: {  	s9 =	sor.u32 $0xD0000000, s2;
	s6 =	simm.s32 $0x108;
	_ =	swait.ge @!p0 [sflag:s8], $0x0  }
0x24: {  	s3 =	sadd.s32 $0x88, s3;
	s6 =	simm.s32 @!p1 $0x1082;
	[sflag:s4] =	ssyncset.s32 $0xFFFFF086  }
0x25: {  	[simem:s6], [sflag:s4] =	dma.local [hbm:s3], $0xF7A  }
0x26: {  	[smem:$0x3F94] =	sst s1;
	(tag) =	ssettag s2;
	_ =	strace s9  }
0x27: {  	s1 =	sld [smem:$0x3FA4]  }
0x28: {  	s2 =	sld [smem:$0x3FA5]  }
0x29: {  	s4 =	sld [smem:$0x3FA7]  }
0x2a: {  	p0 =	seq.s32 s5, $0x0;
	s5 =	sld [smem:$0x3FA8]  }
0x2b: {  	s6 =	sld [smem:$0x3FA9]  }
0x2c: {  	s7 =	sld [smem:$0x3FAA]  }
0x2d: {  	s3 =	simm.s32 $0x108;
	s8 =	sld [smem:$0x3FAB]  }
0x2e: {  	s3 =	simm.s32 @!p0 $0x1082;
	s9 =	sld [smem:$0x3FAC]  }
0x2f: {  	lr =	sadd.s32 s0, s3;
	s0 =	sld [smem:$0x3FA3]  }
0x30: {  	s3 =	sld [smem:$0x3FA6]  }
0x31: {  	[smem:$0x3FAF] =	sst s10  }
0x32: {  	s10 =	sld [smem:$0x3FAD];
	_ =	sdelay $0x3  }
0x33: {  	p0 =	seq.s32 s10, $0x1;
	s10 =	sld [smem:$0x3FAF];
	_ =	sdelay $0x3  }
0x34: {  	[smem:$0x3FAF] =	sst s10  }
0x35: {  	s10 =	sld [smem:$0x3FAE];
	_ =	sdelay $0x3  }
0x36: {  	p1 =	seq.s32 s10, $0x1;
	s10 =	sld [smem:$0x3FAF];
	_ =	sdelay $0x3  }
0x37: {  	[smem:$0x3FAF] =	sst s10  }
0x38: {  	s10 =	sld [smem:$0x3FB0]  }
0x39: {  	_ = 	snop;
	(pc) =	sbr.ind lr, $3  }
0x3a: {  	_ = 	snop  }
0x3b: {  	_ = 	snop  }
0x3c: {  	p2 =	seq.s32 s10, $0x1;
	s10 =	sld [smem:$0x3FAF]  }
0x3d: {  	_ =	shalt  }
0x3e: {  	_ =	shalt  }
0x3f: {  	_ =	shalt  }
0x40: {  	_ =	shalt  }
0x41: {  	_ =	shalt  }
0x42: {  	_ =	shalt  }
0x43: {  	_ =	shalt  }
0x44: {  	_ =	shalt  }
0x45: {  	_ =	shalt  }
0x46: {  	_ =	shalt  }
0x47: {  	_ =	shalt  }
0x48: {  	_ =	shalt  }
0x49: {  	_ =	shalt  }
0x4a: {  	_ =	shalt  }
0x4b: {  	_ =	shalt  }
0x4c: {  	_ =	shalt  }
0x4d: {  	_ =	shalt  }
0x4e: {  	_ =	shalt  }
0x4f: {  	_ =	shalt  }
0x50: {  	_ =	shalt  }
0x51: {  	_ =	shalt  }
0x52: {  	_ =	shalt  }
0x53: {  	_ =	shalt  }
0x54: {  	_ =	shalt  }
0x55: {  	_ =	shalt  }
0x56: {  	_ =	shalt  }
0x57: {  	_ =	shalt  }
0x58: {  	_ =	shalt  }
0x59: {  	_ =	shalt  }
0x5a: {  	_ =	shalt  }
0x5b: {  	_ =	shalt  }
0x5c: {  	_ =	shalt  }
0x5d: {  	_ =	shalt  }
0x5e: {  	_ =	shalt  }
0x5f: {  	_ =	shalt  }
0x60: {  	_ =	shalt  }
0x61: {  	_ =	shalt  }
0x62: {  	_ =	shalt  }
0x63: {  	_ =	shalt  }
0x64: {  	_ =	shalt  }
0x65: {  	_ =	shalt  }
0x66: {  	_ =	shalt  }
0x67: {  	_ =	shalt  }
0x68: {  	_ =	shalt  }
0x69: {  	_ =	shalt  }
0x6a: {  	_ =	shalt  }
0x6b: {  	_ =	shalt  }
0x6c: {  	_ =	shalt  }
0x6d: {  	_ =	shalt  }
0x6e: {  	_ =	shalt  }
0x6f: {  	_ =	shalt  }
0x70: {  	_ =	shalt  }
0x71: {  	_ =	shalt  }
0x72: {  	_ =	shalt  }
0x73: {  	_ =	shalt  }
0x74: {  	_ =	shalt  }
0x75: {  	_ =	shalt  }
0x76: {  	_ =	shalt  }
0x77: {  	_ =	shalt  }
0x78: {  	_ =	shalt  }
0x79: {  	_ =	shalt  }
0x7a: {  	_ =	shalt  }
0x7b: {  	_ =	shalt  }
0x7c: {  	_ =	shalt  }
0x7d: {  	_ =	shalt  }
0x7e: {  	_ =	shalt  }
0x7f: {  	_ =	shalt  }
0x80: {  	_ =	shalt  }
0x81: {  	_ =	shalt  }
0x82: {  	_ =	shalt  }
0x83: {  	_ =	shalt  }
0x84: {  	_ =	shalt  }
0x85: {  	_ =	shalt  }
0x86: {  	_ =	shalt  }
0x87: {  	_ =	shalt  }
.Lfunc_end0:
.L_simem_size_0:
called_computation.1_lowered:
.L_overlay_start_0:
0x88: {  	s2 =	sld [smem:$0x3FD9]  }
0x89: {  	s3 =	sld [smem:$0x3FFE];
	_ =	sdelay $0x1  }
0x8a: {  	s1 =	srdreg.scid  }
0x8b: {  	s0 =	sand.u32 $0x1, s1  }
0x8c: {  	s17 =	sshll.u32 s0, $0xA;
	s2 =	sadd.s32 s3, s2  }
0x8d: {  	s2 =	sadd.s32 s2, s17  }
0x8e: {  	[smem:$0x3FBB] =	sst s2  }
0x8f: {  	_ = 	snop  }
0x90: {  	s2 =	sld [smem:$0x3FD0];
	(tm) =	ssettm $0x1  }
0x91: {  	s18 =	sld [smem:$0x3FFB];
	_ =	sdelay $0x3  }
0x92: {  	_ =	strace s18  }
0x93: {  	s3 =	sld [smem:$0x3FFC];
	_ =	sdelay $0x3  }
0x94: {  	_ =	strace s3  }
0x95: {  	s3 =	sld [smem:$0x3FFD];
	_ =	sdelay $0x3  }
0x96: {  	_ =	strace s3  }
0x97: {  	_ =	strace $0x8FFFFFFF  }
0x98: {  	s19 =	sld [smem:$0x3FDB];
	_ =	sdelay $0x1  }
0x99: {  	s4 =	simm.s32 $_scs_section_size  }
0x9a: {  	s5 =	simm.s32 $_size__tile_overlayer_lowered;
	s6 =	simm.s32 $_tile_overlayer_lowered  }
0x9b: {  	s22 =	simm.s32 $0x1BFF;
	s21 =	sshll.u32 s6, $0x1;
	s3 =	sadd.s32 s4, s19  }
0x9c: {  	s7 =	simm.s32 $0x0;
	s20 =	sshll.u32 s5, $0x1;
	s5 =	sadd.s32 s21, s3  }
0x9d: {  	[timem:s7], [sflag:s22] =	dma.local [hbm:s5], s20  }
0x9e: {  	_ =	swait.ge [sflag:s22], s20  }
0x9f: {  	s4 =	ssub.s32 $0x0, s20;
	[sflag:s22] =	ssyncset.done $0x0  }
0xa0: {  	[sflag:s22] =	ssyncadd.s32 s4;
	_ =	sdelay $0x1  }
0xa1: {  	s23 =	simm.s32 $0x1B8B  }
0xa2: {  	_ =	swait.ge [sflag:s23], $0x1  }
0xa3: {  	[sflag:s23] =	ssyncset.done $0x0  }
0xa4: {  	s25 =	simm.s32 $0x1B8E;
	s24 =	sld [smem:$0x3FFE];
	[sflag:s23] =	ssyncadd.s32 $0xFFFFFFFF  }
0xa5: {  	s26 =	simm.s32 $execute0_lowered;
	[smem:$0x3FD2] =	sst s25  }
0xa6: {  	s5 =	sshll.u32 s26, $0x1;
	_ =	strace $0x80000049;
	[dreg:$0x1] =	wrdreg $0xFFFFFFFF  }
0xa7: {  	s28 =	simm.s32 $_size_execute0_lowered;
	s3 =	sadd.s32 s3, s5;
	[dreg:$0x0] =	wrdreg $0x0  }
0xa8: {  	s5 =	sshll.u32 s28, $0x1;
	[dreg:$0x2] =	wrdreg s3  }
0xa9: {  	[dreg:$0x3] =	wrdreg s5  }
0xaa: {  	[dreg:$0x4] =	wrdreg $0xC0  }
0xab: {  	_ =	task [dreg:s7], $0x5FFFF  }
0xac: {  	[dreg:$0x1] =	wrdreg $0xFFFFFFFF  }
0xad: {  	[dreg:$0x0] =	wrdreg $0x60  }
0xae: {  	[dreg:$0x2] =	wrdreg s24  }
0xaf: {  	[dreg:$0x3] =	wrdreg s2  }
0xb0: {  	[dreg:$0x4] =	wrdreg $0xB2000  }
0xb1: {  	[dreg:$0x5] =	wrdreg $0x9  }
0xb2: {  	_ =	task.clear_ibuf [dreg:s7], $0x6FFFF;
	_ =	strace $0x90000049  }
0xb3: {  	s29 =	simm.s32 $0x9;
	_ =	strace $0x8000004B  }
0xb4: {  	_ =	swait.ge [sflag:s29], $0x1  }
0xb5: {  	[sflag:s29] =	ssyncadd.s32 $0xFFFFFFFF  }
0xb6: {  	_ =	strace $0x9000004B  }
0xb7: {  	_ =	sfence  }
0xb8: {  	s30 =	sld [smem:$0x0];
	_ =	sdelay $0x2  }
0xb9: {  	s31 =	sshll.u32 s1, $0xD;
	s1 =	sshrl.u32 s1, $0x2  }
0xba: {  	s3 =	sand.u32 $0x4000, s31;
	s1 =	sadd.s32 s1, s30  }
0xbb: {  	s0 =	sor.u32 s3, s0;
	s1 =	sshll.u32 s1, $0x11  }
0xbc: {  	s0 =	sor.u32 s1, s0  }
0xbd: {  	s0 =	sadd.s32 $0x8F2B, s0  }
0xbe: {  	[sflag:s0] =	ssyncadd.remote.s32 $0x1  }
0xbf: {  	_ =	sfence.sel $0xFFFF  }
0xc0: {  	[dreg:$0x0] =	wrdreg $0xFFFFFFFF;
	(pc) =	sbr.abs _section_cstart, $3  }
0xc1: {  	[dreg:$0x1] =	wrdreg $0xFFFFFFFF  }
0xc2: {  	_ =	task.clear_ibuf [dreg:s7], $0x2FFFF;
	_ =	strace $0x9FFFFFFF  }
0xc3: {  	(tm) =	ssettm $0x7FFFFFFF  }
tec
execute0_lowered:
.L_overlay_start_1:
0x0: {  	(tag) =	ssettag $0x1  }
0x1: {  	s0 =	rddreg [dreg:$0x0]  }
0x2: {  	s2 =	rddreg [dreg:$0x2];
	s1 =	srdreg.scid;
	s4 =	simm.s32 $0x0  }
0x3: {  	s9 =	stileid.u32;
	s28 =	simm.s32 $0x80;
	s29 =	simm.s32 $0x5200  }
0x4: {  	s30 =	simm.s32 $0x7200;
	s31 =	simm.s32 $0x1;
	s1 =	sand.u32 $0x1, s1  }
0x5: {  	[smem:$0x7FF] =	sst s4;
	s5 =	sadd.s32 $0x18E00, s0;
	s7 =	smul.u32 $0x28000, s9  }
0x6: {  	s19 =	smul.u32 $0xA000, s9;
	s3 =	sshll.u32 s1, $0x4;
	_ =	strace $0x8000004A  }
0x7: {  	s6 =	ssub.s32 $0x2, s1;
	s1 =	smul.u32 $0xA0000, s1;
	s3 =	sor.u32 s9, s3  }
0x8: {  	s8 =	sshrl.u32 s6, $0x1;
	s18 =	sshrl.u32 s7, $0x2;
	s21 =	sadd.s32 s19, s2  }
0x9: {  	s16 =	sadd.s32 $0x2000, s19;
	s25 =	sadd.s32 $0x6000, s19;
	s3 =	smul.u32 $0x520, s3  }
0xa: {  	s10 =	ssub.s32 s6, s8;
	s6 =	sadd.s32 s18, s2;
	[dreg:$0x6] =	wrdreg s21  }
0xb: {  	s22 =	sadd.s32 s1, s19;
	s23 =	sadd.s32 s1, s16;
	s16 =	sadd.s32 s16, s2  }
0xc: {  	s26 =	sadd.s32 s1, s25;
	s10 =	smax.u32 s10, $0x1;
	s3 =	sadd.s32 s3, s0  }
0xd: {  	s11 =	sadd.s32 $0x2000, s6;
	s12 =	sadd.s32 $0x4000, s6;
	s20 =	sadd.s32 $0xEA00, s3  }
0xe: {  	s13 =	sadd.s32 $0x6000, s6;
	s3 =	sadd.s32 $0x4600, s3;
	[dreg:$0x4] =	wrdreg s20  }
0xf: {  	s14 =	sadd.s32 $0x8000, s6;
	s0 =	sadd.s32 $0x5DE00, s0;
	[dreg:$0x5] =	wrdreg s3  }
0x10: {  	s3 =	sshrl.u32 s22, $0x3;
	s20 =	sadd.s32 $0x4000, s19;
	s22 =	sadd.s32 $0x8000, s19  }
0x11: {  	s15 =	sadd.s32 s0, s3;
	s3 =	sshrl.u32 s23, $0x3;
	s18 =	sadd.s32 s20, s2  }
0x12: {  	s24 =	sadd.s32 s1, s20;
	s1 =	sadd.s32 s1, s22;
	s20 =	sadd.s32 s25, s2  }
0x13: {  	s22 =	sadd.s32 s22, s2;
	s25 =	simm.s32 $0x3;
	s17 =	sadd.s32 s0, s3  }
0x14: {  	s3 =	sshrl.u32 s24, $0x3;
	s1 =	sshrl.u32 s1, $0x3;
	s24 =	simm.s32 $0x9200  }
0x15: {  	s19 =	sadd.s32 s0, s3;
	s3 =	sshrl.u32 s26, $0x3;
	s23 =	sadd.s32 s0, s1  }
0x16: {  	s21 =	sadd.s32 s0, s3;
	s0 =	simm.s32 $0x2;
	s3 =	simm.s32 $0x0  }
.LBB2_1:
0x17: {  	s1 =	rddreg [dreg:$0x1]  }
0x18: {  	[tilespmem:s24], [sflag:$0x3] =	stream.linear.gather [hbm4b:s1+s4], $0x2000, $0x38;
	[tilespmem:$0x15200] =	vst v63  }
0x19: {  	_ =	swait.ge [sflag:s25], $0x2000  }
0x1a: {  	[sflag:s25] =	ssyncset.done $0x0  }
0x1b: {  	[sflag:s25] =	ssyncadd.s32 $0xFFFFE000  }
0x1c: {  	[spmem:s6] =	stream.linear.scatter [tilespmem:s24], [sflag:$0x3], $0x2000, $0x38;
	[tilespmem:$0x15200] =	vst v63  }
0x1d: {  	_ =	swait.ge [sflag:s25], $0x2000  }
0x1e: {  	[sflag:s25] =	ssyncset.done $0x0  }
0x1f: {  	[sflag:s25] =	ssyncadd.s32 $0xFFFFE000  }
0x20: {  	[spmem:s11] =	stream.linear.scatter [tilespmem:s24], [sflag:$0x3], $0x2000, $0x38;
	[tilespmem:$0x15200] =	vst v63  }
0x21: {  	_ =	swait.ge [sflag:s25], $0x2000  }
0x22: {  	[sflag:s25] =	ssyncset.done $0x0  }
0x23: {  	[sflag:s25] =	ssyncadd.s32 $0xFFFFE000  }
0x24: {  	[spmem:s12] =	stream.linear.scatter [tilespmem:s24], [sflag:$0x3], $0x2000, $0x38;
	[tilespmem:$0x15200] =	vst v63  }
0x25: {  	_ =	swait.ge [sflag:s25], $0x2000  }
0x26: {  	[sflag:s25] =	ssyncset.done $0x0  }
0x27: {  	[sflag:s25] =	ssyncadd.s32 $0xFFFFE000  }
0x28: {  	[spmem:s13] =	stream.linear.scatter [tilespmem:s24], [sflag:$0x3], $0x2000, $0x38;
	[tilespmem:$0x15200] =	vst v63  }
0x29: {  	_ =	swait.ge [sflag:s25], $0x2000  }
0x2a: {  	[sflag:s25] =	ssyncset.done $0x0  }
0x2b: {  	[sflag:s25] =	ssyncadd.s32 $0xFFFFE000  }
0x2c: {  	[spmem:s14] =	stream.linear.scatter [tilespmem:s24], [sflag:$0x3], $0x2000, $0x38;
	[tilespmem:$0x15200] =	vst v63  }
0x2d: {  	_ =	swait.ge [sflag:s25], $0x2000  }
0x2e: {  	[sflag:s25] =	ssyncset.done $0x0  }
0x2f: {  	s9 =	rddreg [dreg:$0x4];
	[sflag:s25] =	ssyncadd.s32 $0xFFFFE000  }
0x30: {  	[tilespmem:s4], [sflag:$0x3] =	stream.linear.gather [hbm4b:s9+s4], $0x2900, $0x38;
	[tilespmem:$0x15200] =	vst v63  }
0x31: {  	_ =	swait.ge [sflag:s25], $0x2900  }
0x32: {  	[sflag:s25] =	ssyncset.done $0x0  }
0x33: {  	s7 =	simm.s32 $0x2900;
	s26 =	rddreg [dreg:$0x5];
	[sflag:s25] =	ssyncadd.s32 $0xFFFFD700  }
0x34: {  	[tilespmem:s7], [sflag:$0x3] =	stream.linear.gather [hbm4b:s26+s4], $0x2900, $0x38;
	[tilespmem:$0x15200] =	vst v63  }
0x35: {  	_ =	swait.ge [sflag:s25], $0x2900  }
0x36: {  	[sflag:s25] =	ssyncset.done $0x0  }
0x37: {  	[sflag:s25] =	ssyncadd.s32 $0xFFFFD700  }
0x38: {  	[bflag:$0x0] =	sbarrier.arrive $0xFFFF  }
0x39: {  	[tilespmem:s29], [sflag:$0x1] =	stream.indirect.gather [hbm4b:s5+s28], $0x40, s4, s28, $0xb8;
	[tilespmem:$0x15200] =	vst v63  }
0x3a: {  	s7 =	simm.s32 $0x80  }
0x3b: {  	[tilespmem:s30], [sflag:$0x2] =	stream.indirect.gather [hbm4b:s5+s28], $0x40, s7, s28, $0xb8;
	[tilespmem:$0x15200] =	vst v63  }
0x3c: {  	_ =	swait.ge [sflag:s31], $0x2000  }
0x3d: {  	[sflag:s31] =	ssyncset.done $0x0  }
0x3e: {  	s8 =	simm.s32 $0x2900;
	[sflag:s31] =	ssyncadd.s32 $0xFFFFE000  }
0x3f: {  	[spmem:s2] =	stream.indirect.scatter.add.f32 [tilespmem:s29], [sflag:$0x3], $0x40, s8, s28, $0xb8;
	[tilespmem:$0x15200] =	vst v63  }
0x40: {  	_ =	swait.ge [sflag:s25], $0x2000  }
0x41: {  	[sflag:s25] =	ssyncset.done $0x0  }
0x42: {  	s9 =	simm.s32 $0x100;
	[sflag:s25] =	ssyncadd.s32 $0xFFFFE000  }
0x43: {  	[tilespmem:s29], [sflag:$0x1] =	stream.indirect.gather [hbm4b:s5+s28], $0x40, s9, s28, $0xb8;
	[tilespmem:$0x15200] =	vst v63  }
0x44: {  	_ =	swait.ge [sflag:s0], $0x2000  }
0x45: {  	[sflag:s0] =	ssyncset.done $0x0  }
0x46: {  	s26 =	simm.s32 $0x2980;
	[sflag:s0] =	ssyncadd.s32 $0xFFFFE000  }
0x47: {  	[spmem:s2] =	stream.indirect.scatter.add.f32 [tilespmem:s30], [sflag:$0x3], $0x40, s26, s28, $0xb8;
	[tilespmem:$0x15200] =	vst v63  }
0x48: {  	_ =	swait.ge [sflag:s25], $0x2000  }
0x49: {  	s1 =	simm.s32 $0x100;
	s26 =	simm.s32 $0x800;
	[sflag:s25] =	ssyncset.done $0x0  }
.LBB2_2:
0x4a: {  	s7 =	sadd.s32 $0x80, s1  }
0x4b: {  	[sflag:s25] =	ssyncadd.s32 $0xFFFFE000;
	s8 =	smov.u32 s26;
	s9 =	sadd.s32 $0x400, s26  }
0x4c: {  	[tilespmem:s30], [sflag:$0x2] =	stream.indirect.gather [hbm4b:s5+s28], $0x40, s7, s28, $0xb8;
	[tilespmem:$0x15200] =	vst v63  }
0x4d: {  	p0 =	sne.s32 s26, $0x9C00;
	_ =	swait.ge [sflag:s31], $0x2000  }
0x4e: {  	[sflag:s31] =	ssyncset.done $0x0  }
0x4f: {  	s7 =	sadd.s32 $0x2900, s1;
	[sflag:s31] =	ssyncadd.s32 $0xFFFFE000  }
0x50: {  	[spmem:s2] =	stream.indirect.scatter.add.f32 [tilespmem:s29], [sflag:$0x3], $0x40, s7, s28, $0xb8;
	[tilespmem:$0x15200] =	vst v63  }
0x51: {  	_ =	swait.ge [sflag:s25], $0x2000  }
0x52: {  	[sflag:s25] =	ssyncset.done $0x0  }
0x53: {  	s7 =	sadd.s32 $0x100, s1;
	[sflag:s25] =	ssyncadd.s32 $0xFFFFE000  }
0x54: {  	[tilespmem:s29], [sflag:$0x1] =	stream.indirect.gather [hbm4b:s5+s28], $0x40, s7, s28, $0xb8;
	[tilespmem:$0x15200] =	vst v63  }
0x55: {  	_ =	swait.ge [sflag:s0], $0x2000  }
.Ltmp0:
0x56: {  	[sflag:s0] =	ssyncset.done $0x0;
	(pc) =	sbr.rel @p0 .LBB2_2-.Ltmp0, $4  }
0x57: {  	s1 =	sadd.s32 $0x2980, s1;
	[sflag:s0] =	ssyncadd.s32 $0xFFFFE000  }
0x58: {  	[spmem:s2] =	stream.indirect.scatter.add.f32 [tilespmem:s30], [sflag:$0x3], $0x40, s1, s28, $0xb8;
	[tilespmem:$0x15200] =	vst v63  }
0x59: {  	_ =	swait.ge [sflag:s25], $0x2000  }
0x5a: {  	s26 =	smov.u32 s9;
	s1 =	sshra.s32 s8, $0x2;
	[sflag:s25] =	ssyncset.done $0x0  }
0x5b: {  	s7 =	sadd.s32 $0x80, s1;
	[sflag:s25] =	ssyncadd.s32 $0xFFFFE000  }
0x5c: {  	[tilespmem:s30], [sflag:$0x2] =	stream.indirect.gather [hbm4b:s5+s28], $0x40, s7, s28, $0xb8;
	[tilespmem:$0x15200] =	vst v63  }
0x5d: {  	_ =	swait.ge [sflag:s31], $0x2000  }
0x5e: {  	[sflag:s31] =	ssyncset.done $0x0  }
0x5f: {  	s26 =	sadd.s32 $0x2900, s1;
	[sflag:s31] =	ssyncadd.s32 $0xFFFFE000  }
0x60: {  	[spmem:s2] =	stream.indirect.scatter.add.f32 [tilespmem:s29], [sflag:$0x3], $0x40, s26, s28, $0xb8;
	[tilespmem:$0x15200] =	vst v63  }
0x61: {  	_ =	swait.ge [sflag:s25], $0x2000  }
0x62: {  	[sflag:s25] =	ssyncset.done $0x0  }
0x63: {  	s8 =	sadd.s32 $0x100, s1;
	[sflag:s25] =	ssyncadd.s32 $0xFFFFE000  }
0x64: {  	[tilespmem:s29], [sflag:$0x1] =	stream.indirect.gather [hbm4b:s5+s28], $0x40, s8, s28, $0xb8;
	[tilespmem:$0x15200] =	vst v63  }
0x65: {  	_ =	swait.ge [sflag:s0], $0x2000  }
0x66: {  	[sflag:s0] =	ssyncset.done $0x0  }
0x67: {  	s9 =	sadd.s32 $0x2980, s1;
	[sflag:s0] =	ssyncadd.s32 $0xFFFFE000  }
0x68: {  	[spmem:s2] =	stream.indirect.scatter.add.f32 [tilespmem:s30], [sflag:$0x3], $0x40, s9, s28, $0xb8;
	[tilespmem:$0x15200] =	vst v63  }
0x69: {  	_ =	swait.ge [sflag:s25], $0x2000  }
0x6a: {  	[sflag:s25] =	ssyncset.done $0x0  }
0x6b: {  	[sflag:s25] =	ssyncadd.s32 $0xFFFFE000  }
0x6c: {  	_ =	swait.ge [sflag:s31], $0x2000  }
0x6d: {  	[sflag:s31] =	ssyncset.done $0x0  }
0x6e: {  	[sflag:s31] =	ssyncadd.s32 $0xFFFFE000  }
0x6f: {  	[bflag:$0x0] =	sbarrier.arrive $0xFFFF  }
0x70: {  	s26 =	rddreg [dreg:$0x6]  }
0x71: {  	[tilespmem:s29], [sflag:$0x3] =	stream.linear.gather [spmem:s26], $0x2000, $0x38;
	[tilespmem:$0x15200] =	vst v63  }
0x72: {  	_ =	swait.ge [sflag:s25], $0x2000  }
0x73: {  	[sflag:s25] =	ssyncset.done $0x0  }
0x74: {  	[sflag:s25] =	ssyncadd.s32 $0xFFFFE000  }
0x75: {  	[hbm4b:s15+s4] =	stream.linear.scatter [tilespmem:s29], [sflag:$0x3], $0x2000, $0x38;
	[tilespmem:$0x15200] =	vst v63  }
0x76: {  	_ =	swait.ge [sflag:s25], $0x2000  }
0x77: {  	[sflag:s25] =	ssyncset.done $0x0  }
0x78: {  	[sflag:s25] =	ssyncadd.s32 $0xFFFFE000  }
0x79: {  	[tilespmem:s29], [sflag:$0x3] =	stream.linear.gather [spmem:s16], $0x2000, $0x38;
	[tilespmem:$0x15200] =	vst v63  }
0x7a: {  	_ =	swait.ge [sflag:s25], $0x2000  }
0x7b: {  	[sflag:s25] =	ssyncset.done $0x0  }
0x7c: {  	[sflag:s25] =	ssyncadd.s32 $0xFFFFE000  }
0x7d: {  	[hbm4b:s17+s4] =	stream.linear.scatter [tilespmem:s29], [sflag:$0x3], $0x2000, $0x38;
	[tilespmem:$0x15200] =	vst v63  }
0x7e: {  	_ =	swait.ge [sflag:s25], $0x2000  }
0x7f: {  	[sflag:s25] =	ssyncset.done $0x0  }
0x80: {  	[sflag:s25] =	ssyncadd.s32 $0xFFFFE000  }
0x81: {  	[tilespmem:s29], [sflag:$0x3] =	stream.linear.gather [spmem:s18], $0x2000, $0x38;
	[tilespmem:$0x15200] =	vst v63  }
0x82: {  	_ =	swait.ge [sflag:s25], $0x2000  }
0x83: {  	[sflag:s25] =	ssyncset.done $0x0  }
0x84: {  	[sflag:s25] =	ssyncadd.s32 $0xFFFFE000  }
0x85: {  	[hbm4b:s19+s4] =	stream.linear.scatter [tilespmem:s29], [sflag:$0x3], $0x2000, $0x38;
	[tilespmem:$0x15200] =	vst v63  }
0x86: {  	_ =	swait.ge [sflag:s25], $0x2000  }
0x87: {  	[sflag:s25] =	ssyncset.done $0x0  }
0x88: {  	[sflag:s25] =	ssyncadd.s32 $0xFFFFE000  }
0x89: {  	[tilespmem:s29], [sflag:$0x3] =	stream.linear.gather [spmem:s20], $0x2000, $0x38;
	[tilespmem:$0x15200] =	vst v63  }
0x8a: {  	_ =	swait.ge [sflag:s25], $0x2000  }
0x8b: {  	[sflag:s25] =	ssyncset.done $0x0  }
0x8c: {  	[sflag:s25] =	ssyncadd.s32 $0xFFFFE000  }
0x8d: {  	[hbm4b:s21+s4] =	stream.linear.scatter [tilespmem:s29], [sflag:$0x3], $0x2000, $0x38;
	[tilespmem:$0x15200] =	vst v63  }
0x8e: {  	_ =	swait.ge [sflag:s25], $0x2000  }
0x8f: {  	[sflag:s25] =	ssyncset.done $0x0  }
0x90: {  	[sflag:s25] =	ssyncadd.s32 $0xFFFFE000  }
0x91: {  	[tilespmem:s29], [sflag:$0x3] =	stream.linear.gather [spmem:s22], $0x2000, $0x38;
	[tilespmem:$0x15200] =	vst v63  }
0x92: {  	s3 =	sadd.s32 $0x1, s3;
	_ =	swait.ge [sflag:s25], $0x2000  }
0x93: {  	p0 =	sne.s32 s3, s10;
	[sflag:s25] =	ssyncset.done $0x0  }
.Ltmp1:
0x94: {  	[sflag:s25] =	ssyncadd.s32 $0xFFFFE000;
	(pc) =	sbr.rel @p0 .LBB2_1-.Ltmp1, $4  }
0x95: {  	[hbm4b:s23+s4] =	stream.linear.scatter [tilespmem:s29], [sflag:$0x3], $0x2000, $0x38;
	[tilespmem:$0x15200] =	vst v63  }
0x96: {  	_ =	swait.ge [sflag:s25], $0x2000  }
0x97: {  	[sflag:s25] =	ssyncset.done $0x0  }
0x98: {  	[sflag:s25] =	ssyncadd.s32 $0xFFFFE000  }
0x99: {  	_ =	sfence.sel $0x180000  }
0x9a: {  	[bflag:$0x0] =	sbarrier.arrive $0xFFFF  }
0x9b: {  	_ =	strace $0x9000004A  }
0x9c: {  	s0 =	stileid.u32;
	[bflag:$0x2] =	sbarrier.arrive $0xFFFF  }
0x9d: {  	p0 =	sne.s32 s0, $0x0;
	s0 =	rddreg [dreg:$0x3]  }
0x9e: {  	s0 =	sadd.s32 @!p0 $0x100000, s0  }
0x9f: {  	[sflag:s0] =	ssyncadd.tile.s32 @!p0 $0x1;
	_ =	shalt  }
.Lfunc_end2:
_tile_overlayer_lowered:
.L_overlay_start_2:
0xa0: {  	(tag) =	ssettag $0x2  }
0xa1: {  	s0 =	rddreg [dreg:$0x0];
	s2 =	stileid.u32  }
0xa2: {  	s1 =	rddreg [dreg:$0x1];
	p0 =	sne.s32 s2, $0x0  }
0xa3: {  	s3 =	rddreg [dreg:$0x2];
	[bflag:$0x3] =	sbarrier.arrive $0xFFFF;
	s2 =	simm.s32 @!p0 $0x1C03  }
0xa4: {  	[timem:s3], [sflag:s2] =	dma.local @!p0 [hbm:s0], s1  }
0xa5: {  	s0 =	simm.s32 @!p0 $0x3  }
0xa6: {  	_ =	swait.ge @!p0 [sflag:s0], s1  }
0xa7: {  	s1 =	ssub.s32 @!p0 $0x0, s1;
	[sflag:s0] =	ssyncset.done @!p0 $0x0  }
0xa8: {  	[sflag:s0] =	ssyncadd.s32 @!p0 s1  }
0xa9: {  	[bflag:$0x3] =	sbarrier.arrive $0xFFFF  }
0xaa: {  	_ =	shalt  }

// kernel: kernel.15.cloned.1.call-start
scs
__scs_entry_jumppad:
0x0: {  	(pc) =	sbr.rel $0x88, $3  }
0x1: {  	(tag) =	ssettag $0x0;
	lr =	simm.s32 $0x1  }
0x2: {  	[smem:$0x3F94] =	sst lr;
	_ =	strace $0xD0000000  }
0x3: {  	_ = 	snop  }
0x4: {  	_ = 	snop  }
0x5: {  	_ = 	snop  }
0x6: {  	_ = 	snop  }
0x7: {  	_ = 	snop  }
__scs_overlays_trampoline_lowered:
0x8: {  	[smem:$0x3FA3] =	sst s0  }
0x9: {  	[smem:$0x3FA4] =	sst s1  }
0xa: {  	[smem:$0x3FA5] =	sst s2  }
0xb: {  	[smem:$0x3FA6] =	sst s3  }
0xc: {  	[smem:$0x3FA7] =	sst s4  }
0xd: {  	[smem:$0x3FA8] =	sst s5  }
0xe: {  	[smem:$0x3FA9] =	sst s6  }
0xf: {  	[smem:$0x3FAA] =	sst s7  }
0x10: {  	[smem:$0x3FAB] =	sst s8  }
0x11: {  	[smem:$0x3FAC] =	sst s9;
	s0 =	simm.s32 @!p0 $0x0  }
0x12: {  	s1 =	sld [smem:$0x3F92];
	s0 =	simm.s32 @p0 $0x1  }
0x13: {  	[smem:$0x3FAD] =	sst s0;
	s0 =	simm.s32 @!p1 $0x0  }
0x14: {  	s2 =	sld [smem:$0x3F91];
	s0 =	simm.s32 @p1 $0x1  }
0x15: {  	[smem:$0x3FAE] =	sst s0;
	s0 =	simm.s32 @!p2 $0x0  }
0x16: {  	s3 =	sld [smem:$0x3FDB];
	s0 =	simm.s32 @p2 $0x1  }
0x17: {  	s4 =	simm.s32 $0x1BF5;
	[smem:$0x3FB0] =	sst s0  }
0x18: {  	s0 =	sld [smem:$0x3F93];
	_ =	swait.ge [sflag:s4], $0x0  }
0x19: {  	s7 =	sld [smem:$0x3F94]  }
0x1a: {  	s8 =	sadd.s32 $0xFFFFE003, lr  }
0x1b: {  	s9 =	sadd.s32 $0xFFFFFEF7, lr;
	s5 =	simm.s32 $0xFFFFFFFF;
	p2 =	slt.u32 s8, $0xFFFFF086  }
0x1c: {  	p1 =	slt.u32 s9, $0xF7A;
	s5 =	simm.s32 @!p2 $0x0  }
0x1d: {  	s5 =	simm.s32 @p1 $0x1;
	p0 =	seq.s32 s7, s2  }
0x1e: {  	s7 =	smul.u32 @!p0 $0xF7A, s2;
	p2 =	seq.s32 @!p0 s5, $0x0  }
0x1f: {  	s9 =	smul.u32 $0xF7A, s1;
	s8 =	simm.s32 @!p0 $0x1BF5;
	p2 =	por !p2, p0  }
0x20: {  	[sflag:s8] =	ssyncset.s32 @!p0 $0xFFFFF086;
	s6 =	sadd.s32 @!p0 s3, s7;
	s7 =	simm.s32 @!p0 $0x108  }
0x21: {  	s3 =	sadd.s32 s3, s9;
	s6 =	sadd.s32 @!p0 $0x88, s6;
	s7 =	simm.s32 @p2 $0x1082  }
0x22: {  	[simem:s7], [sflag:s8] =	dma.local @!p0 [hbm:s6], $0xF7A  }
0x23: {  	s9 =	sor.u32 $0xD0000000, s2;
	s6 =	simm.s32 $0x108;
	_ =	swait.ge @!p0 [sflag:s8], $0x0  }
0x24: {  	s3 =	sadd.s32 $0x88, s3;
	s6 =	simm.s32 @!p1 $0x1082;
	[sflag:s4] =	ssyncset.s32 $0xFFFFF086  }
0x25: {  	[simem:s6], [sflag:s4] =	dma.local [hbm:s3], $0xF7A  }
0x26: {  	[smem:$0x3F94] =	sst s1;
	(tag) =	ssettag s2;
	_ =	strace s9  }
0x27: {  	s1 =	sld [smem:$0x3FA4]  }
0x28: {  	s2 =	sld [smem:$0x3FA5]  }
0x29: {  	s4 =	sld [smem:$0x3FA7]  }
0x2a: {  	p0 =	seq.s32 s5, $0x0;
	s5 =	sld [smem:$0x3FA8]  }
0x2b: {  	s6 =	sld [smem:$0x3FA9]  }
0x2c: {  	s7 =	sld [smem:$0x3FAA]  }
0x2d: {  	s3 =	simm.s32 $0x108;
	s8 =	sld [smem:$0x3FAB]  }
0x2e: {  	s3 =	simm.s32 @!p0 $0x1082;
	s9 =	sld [smem:$0x3FAC]  }
0x2f: {  	lr =	sadd.s32 s0, s3;
	s0 =	sld [smem:$0x3FA3]  }
0x30: {  	s3 =	sld [smem:$0x3FA6]  }
0x31: {  	[smem:$0x3FAF] =	sst s10  }
0x32: {  	s10 =	sld [smem:$0x3FAD];
	_ =	sdelay $0x3  }
0x33: {  	p0 =	seq.s32 s10, $0x1;
	s10 =	sld [smem:$0x3FAF];
	_ =	sdelay $0x3  }
0x34: {  	[smem:$0x3FAF] =	sst s10  }
0x35: {  	s10 =	sld [smem:$0x3FAE];
	_ =	sdelay $0x3  }
0x36: {  	p1 =	seq.s32 s10, $0x1;
	s10 =	sld [smem:$0x3FAF];
	_ =	sdelay $0x3  }
0x37: {  	[smem:$0x3FAF] =	sst s10  }
0x38: {  	s10 =	sld [smem:$0x3FB0]  }
0x39: {  	_ = 	snop;
	(pc) =	sbr.ind lr, $3  }
0x3a: {  	_ = 	snop  }
0x3b: {  	_ = 	snop  }
0x3c: {  	p2 =	seq.s32 s10, $0x1;
	s10 =	sld [smem:$0x3FAF]  }
0x3d: {  	_ =	shalt  }
0x3e: {  	_ =	shalt  }
0x3f: {  	_ =	shalt  }
0x40: {  	_ =	shalt  }
0x41: {  	_ =	shalt  }
0x42: {  	_ =	shalt  }
0x43: {  	_ =	shalt  }
0x44: {  	_ =	shalt  }
0x45: {  	_ =	shalt  }
0x46: {  	_ =	shalt  }
0x47: {  	_ =	shalt  }
0x48: {  	_ =	shalt  }
0x49: {  	_ =	shalt  }
0x4a: {  	_ =	shalt  }
0x4b: {  	_ =	shalt  }
0x4c: {  	_ =	shalt  }
0x4d: {  	_ =	shalt  }
0x4e: {  	_ =	shalt  }
0x4f: {  	_ =	shalt  }
0x50: {  	_ =	shalt  }
0x51: {  	_ =	shalt  }
0x52: {  	_ =	shalt  }
0x53: {  	_ =	shalt  }
0x54: {  	_ =	shalt  }
0x55: {  	_ =	shalt  }
0x56: {  	_ =	shalt  }
0x57: {  	_ =	shalt  }
0x58: {  	_ =	shalt  }
0x59: {  	_ =	shalt  }
0x5a: {  	_ =	shalt  }
0x5b: {  	_ =	shalt  }
0x5c: {  	_ =	shalt  }
0x5d: {  	_ =	shalt  }
0x5e: {  	_ =	shalt  }
0x5f: {  	_ =	shalt  }
0x60: {  	_ =	shalt  }
0x61: {  	_ =	shalt  }
0x62: {  	_ =	shalt  }
0x63: {  	_ =	shalt  }
0x64: {  	_ =	shalt  }
0x65: {  	_ =	shalt  }
0x66: {  	_ =	shalt  }
0x67: {  	_ =	shalt  }
0x68: {  	_ =	shalt  }
0x69: {  	_ =	shalt  }
0x6a: {  	_ =	shalt  }
0x6b: {  	_ =	shalt  }
0x6c: {  	_ =	shalt  }
0x6d: {  	_ =	shalt  }
0x6e: {  	_ =	shalt  }
0x6f: {  	_ =	shalt  }
0x70: {  	_ =	shalt  }
0x71: {  	_ =	shalt  }
0x72: {  	_ =	shalt  }
0x73: {  	_ =	shalt  }
0x74: {  	_ =	shalt  }
0x75: {  	_ =	shalt  }
0x76: {  	_ =	shalt  }
0x77: {  	_ =	shalt  }
0x78: {  	_ =	shalt  }
0x79: {  	_ =	shalt  }
0x7a: {  	_ =	shalt  }
0x7b: {  	_ =	shalt  }
0x7c: {  	_ =	shalt  }
0x7d: {  	_ =	shalt  }
0x7e: {  	_ =	shalt  }
0x7f: {  	_ =	shalt  }
0x80: {  	_ =	shalt  }
0x81: {  	_ =	shalt  }
0x82: {  	_ =	shalt  }
0x83: {  	_ =	shalt  }
0x84: {  	_ =	shalt  }
0x85: {  	_ =	shalt  }
0x86: {  	_ =	shalt  }
0x87: {  	_ =	shalt  }
.Lfunc_end0:
.L_simem_size_0:
called_computation.2_lowered:
.L_overlay_start_0:
0x88: {  	s2 =	sld [smem:$0x3FD9]  }
0x89: {  	s3 =	sld [smem:$0x3FFE];
	_ =	sdelay $0x1  }
0x8a: {  	s1 =	srdreg.scid  }
0x8b: {  	s0 =	sand.u32 $0x1, s1  }
0x8c: {  	s16 =	sshll.u32 s0, $0xA;
	s2 =	sadd.s32 s3, s2  }
0x8d: {  	s2 =	sadd.s32 s2, s16  }
0x8e: {  	[smem:$0x3FBB] =	sst s2  }
0x8f: {  	_ = 	snop  }
0x90: {  	(tm) =	ssettm $0x1  }
0x91: {  	s17 =	sld [smem:$0x3FFB];
	_ =	sdelay $0x3  }
0x92: {  	_ =	strace s17  }
0x93: {  	s2 =	sld [smem:$0x3FFC];
	_ =	sdelay $0x3  }
0x94: {  	_ =	strace s2  }
0x95: {  	s2 =	sld [smem:$0x3FFD];
	_ =	sdelay $0x3  }
0x96: {  	_ =	strace s2  }
0x97: {  	_ =	strace $0x8FFFFFFF  }
0x98: {  	s18 =	sld [smem:$0x3FDB];
	_ =	sdelay $0x1  }
0x99: {  	s19 =	simm.s32 $_scs_section_size  }
0x9a: {  	s4 =	simm.s32 $_size__tile_overlayer_lowered;
	s5 =	simm.s32 $_tile_overlayer_lowered  }
0x9b: {  	s22 =	simm.s32 $0x1BFF;
	s21 =	sshll.u32 s5, $0x1;
	s2 =	sadd.s32 s19, s18  }
0x9c: {  	s6 =	simm.s32 $0x0;
	s20 =	sshll.u32 s4, $0x1;
	s4 =	sadd.s32 s21, s2  }
0x9d: {  	[timem:s6], [sflag:s22] =	dma.local [hbm:s4], s20  }
0x9e: {  	_ =	swait.ge [sflag:s22], s20  }
0x9f: {  	s3 =	ssub.s32 $0x0, s20;
	[sflag:s22] =	ssyncset.done $0x0  }
0xa0: {  	[sflag:s22] =	ssyncadd.s32 s3;
	_ =	sdelay $0x1  }
0xa1: {  	s23 =	simm.s32 $0x1B8B  }
0xa2: {  	_ =	swait.ge [sflag:s23], $0x1  }
0xa3: {  	[sflag:s23] =	ssyncset.done $0x0  }
0xa4: {  	s25 =	simm.s32 $0x1B8E;
	s24 =	sld [smem:$0x3FFE];
	[sflag:s23] =	ssyncadd.s32 $0xFFFFFFFF  }
0xa5: {  	s26 =	simm.s32 $execute0_lowered;
	[smem:$0x3FD2] =	sst s25  }
0xa6: {  	s4 =	sshll.u32 s26, $0x1;
	_ =	strace $0x8000004C;
	[dreg:$0x1] =	wrdreg $0xFFFFFFFF  }
0xa7: {  	s28 =	simm.s32 $_size_execute0_lowered;
	s2 =	sadd.s32 s2, s4;
	[dreg:$0x0] =	wrdreg $0x0  }
0xa8: {  	s4 =	sshll.u32 s28, $0x1;
	[dreg:$0x2] =	wrdreg s2  }
0xa9: {  	[dreg:$0x3] =	wrdreg s4  }
0xaa: {  	[dreg:$0x4] =	wrdreg $0xC0  }
0xab: {  	_ =	task [dreg:s6], $0x5FFFF  }
0xac: {  	[dreg:$0x1] =	wrdreg $0xFFFFFFFF  }
0xad: {  	[dreg:$0x0] =	wrdreg $0x60  }
0xae: {  	[dreg:$0x2] =	wrdreg s24  }
0xaf: {  	[dreg:$0x3] =	wrdreg $0x9  }
0xb0: {  	_ =	task.clear_ibuf [dreg:s6], $0x4FFFF;
	_ =	strace $0x9000004C  }
0xb1: {  	s29 =	simm.s32 $0x9;
	_ =	strace $0x8000004E  }
0xb2: {  	_ =	swait.ge [sflag:s29], $0x1  }
0xb3: {  	[sflag:s29] =	ssyncadd.s32 $0xFFFFFFFF  }
0xb4: {  	_ =	strace $0x9000004E  }
0xb5: {  	_ =	sfence  }
0xb6: {  	s30 =	sld [smem:$0x0];
	_ =	sdelay $0x2  }
0xb7: {  	s31 =	sshll.u32 s1, $0xD;
	s1 =	sshrl.u32 s1, $0x2  }
0xb8: {  	s3 =	sand.u32 $0x4000, s31;
	s1 =	sadd.s32 s1, s30  }
0xb9: {  	s0 =	sor.u32 s3, s0;
	s1 =	sshll.u32 s1, $0x11  }
0xba: {  	s0 =	sor.u32 s1, s0  }
0xbb: {  	s0 =	sadd.s32 $0x8F2B, s0  }
0xbc: {  	[sflag:s0] =	ssyncadd.remote.s32 $0x1  }
0xbd: {  	_ =	sfence.sel $0xFFFF  }
0xbe: {  	[dreg:$0x0] =	wrdreg $0xFFFFFFFF;
	(pc) =	sbr.abs _section_cstart, $3  }
0xbf: {  	[dreg:$0x1] =	wrdreg $0xFFFFFFFF  }
0xc0: {  	_ =	task.clear_ibuf [dreg:s6], $0x2FFFF;
	_ =	strace $0x9FFFFFFF  }
0xc1: {  	(tm) =	ssettm $0x7FFFFFFF  }
tec
execute0_lowered:
.L_overlay_start_1:
0x0: {  	(tag) =	ssettag $0x1  }
0x1: {  	s0 =	srdreg.scid;
	s1 =	rddreg [dreg:$0x0]  }
0x2: {  	s15 =	stileid.u32;
	s2 =	simm.s32 $0x0;
	s16 =	simm.s32 $0x5  }
0x3: {  	s17 =	simm.s32 $0xD00;
	s18 =	simm.s32 $0x80;
	s19 =	simm.s32 $0x1A00  }
0x4: {  	s20 =	simm.s32 $0x3A00;
	s21 =	simm.s32 $0x5A00;
	s22 =	simm.s32 $0x7A00  }
0x5: {  	s23 =	simm.s32 $0x1;
	s24 =	simm.s32 $0x2;
	s25 =	simm.s32 $0x3  }
0x6: {  	s30 =	simm.s32 $0x0;
	s0 =	sand.u32 $0x1, s0;
	s14 =	smul.u32 $0x1A, s15  }
0x7: {  	[smem:$0x7FF] =	sst s2;
	s4 =	sadd.s32 $0x18000, s1;
	s13 =	smul.u32 $0x1A0, s0  }
0x8: {  	s3 =	sshll.u32 s0, $0x4;
	s8 =	ssub.s32 $0x2, s0;
	s0 =	smul.u32 $0x68000, s0  }
0x9: {  	_ =	strace $0x8000004D;
	s6 =	sor.u32 s15, s3;
	s15 =	smul.u32 $0x6800, s15  }
0xa: {  	s3 =	sadd.s32 $0x4600, s1;
	s9 =	sshrl.u32 s8, $0x1;
	s5 =	smul.u32 $0x1A0, s6  }
0xb: {  	s12 =	smul.u32 $0x6800, s6;
	s6 =	sadd.s32 $0x15C600, s1;
	s26 =	ssub.s32 s8, s9  }
0xc: {  	s29 =	sadd.s32 s14, s13;
	s9 =	smax.u32 s26, $0x1;
	s15 =	sadd.s32 s15, s0  }
0xd: {  	s26 =	simm.s32 $0x4;
	s7 =	sadd.s32 s5, s1;
	s5 =	sadd.s32 $0x8C600, s1  }
0xe: {  	s11 =	sadd.s32 $0x6000, s12;
	s31 =	sadd.s32 $0x6400, s12;
	s1 =	sshll.u32 s29, $0xA  }
0xf: {  	s28 =	sadd.s32 $0x89200, s7;
	s7 =	sadd.s32 $0x85E00, s7;
	s10 =	sadd.s32 s5, s11  }
0x10: {  	s11 =	sadd.s32 s6, s11;
	s12 =	sadd.s32 s5, s31;
	[dreg:$0x2] =	wrdreg s28  }
0x11: {  	s13 =	sadd.s32 s6, s31;
	s14 =	sor.u32 $0x400, s1;
	[dreg:$0x3] =	wrdreg s7  }
.LBB2_1:
0x12: {  	s0 =	rddreg [dreg:$0x2]  }
0x13: {  	[tilespmem:s2], [sflag:$0x5] =	stream.linear.gather [hbm4b:s0+s2], $0xD00, $0x38;
	[tilespmem:$0x9A00] =	vst v63  }
0x14: {  	_ =	swait.ge [sflag:s16], $0xD00  }
0x15: {  	[sflag:s16] =	ssyncset.done $0x0  }
0x16: {  	s29 =	rddreg [dreg:$0x3];
	[sflag:s16] =	ssyncadd.s32 $0xFFFFF300  }
0x17: {  	[tilespmem:s17], [sflag:$0x5] =	stream.linear.gather [hbm4b:s29+s2], $0xD00, $0x38;
	[tilespmem:$0x9A00] =	vst v63  }
0x18: {  	_ =	swait.ge [sflag:s16], $0xD00  }
0x19: {  	[sflag:s16] =	ssyncset.done $0x0  }
0x1a: {  	[sflag:s16] =	ssyncadd.s32 $0xFFFFF300  }
0x1b: {  	[tilespmem:s19], [sflag:$0x1] =	stream.indirect.gather [hbm4b:s3+s18], $0x40, s2, s18, $0xb8;
	[tilespmem:$0x9A00] =	vst v63  }
0x1c: {  	_ = 	snop  }
0x1d: {  	[tilespmem:s20], [sflag:$0x2] =	stream.indirect.gather [hbm4b:s4+s18], $0x40, s17, s18, $0xb8;
	[tilespmem:$0x9A00] =	vst v63  }
0x1e: {  	s1 =	simm.s32 $0x80  }
0x1f: {  	[tilespmem:s21], [sflag:$0x3] =	stream.indirect.gather [hbm4b:s3+s18], $0x40, s1, s18, $0xb8;
	[tilespmem:$0x9A00] =	vst v63  }
0x20: {  	s7 =	simm.s32 $0xD80  }
0x21: {  	[tilespmem:s22], [sflag:$0x4] =	stream.indirect.gather [hbm4b:s4+s18], $0x40, s7, s18, $0xb8;
	[tilespmem:$0x9A00] =	vst v63  }
0x22: {  	_ =	swait.ge [sflag:s23], $0x2000  }
0x23: {  	[sflag:s23] =	ssyncset.done $0x0  }
0x24: {  	[sflag:s23] =	ssyncadd.s32 $0xFFFFE000  }
0x25: {  	_ =	swait.ge [sflag:s24], $0x2000  }
0x26: {  	[sflag:s24] =	ssyncset.done $0x0  }
0x27: {  	s8 =	sadd.s32 s15, s5;
	[sflag:s24] =	ssyncadd.s32 $0xFFFFE000  }
0x28: {  	[hbm4b:s8+s2] =	stream.linear.scatter [tilespmem:s19], [sflag:$0x5], $0x2000, $0x38;
	[tilespmem:$0x9A00] =	vst v63  }
0x29: {  	_ =	swait.ge [sflag:s16], $0x2000  }
0x2a: {  	[sflag:s16] =	ssyncset.done $0x0  }
0x2b: {  	s29 =	sadd.s32 s15, s6;
	[sflag:s16] =	ssyncadd.s32 $0xFFFFE000  }
0x2c: {  	[hbm4b:s29+s2] =	stream.linear.scatter [tilespmem:s20], [sflag:$0x5], $0x2000, $0x38;
	[tilespmem:$0x9A00] =	vst v63  }
0x2d: {  	_ =	swait.ge [sflag:s16], $0x2000  }
0x2e: {  	[sflag:s16] =	ssyncset.done $0x0  }
0x2f: {  	s1 =	simm.s32 $0x100;
	[sflag:s16] =	ssyncadd.s32 $0xFFFFE000  }
0x30: {  	[tilespmem:s19], [sflag:$0x1] =	stream.indirect.gather [hbm4b:s3+s18], $0x40, s1, s18, $0xb8;
	[tilespmem:$0x9A00] =	vst v63  }
0x31: {  	s7 =	simm.s32 $0xE00  }
0x32: {  	[tilespmem:s20], [sflag:$0x2] =	stream.indirect.gather [hbm4b:s4+s18], $0x40, s7, s18, $0xb8;
	[tilespmem:$0x9A00] =	vst v63  }
0x33: {  	_ =	swait.ge [sflag:s25], $0x2000  }
0x34: {  	[sflag:s25] =	ssyncset.done $0x0  }
0x35: {  	[sflag:s25] =	ssyncadd.s32 $0xFFFFE000  }
0x36: {  	_ =	swait.ge [sflag:s26], $0x2000  }
0x37: {  	[sflag:s26] =	ssyncset.done $0x0  }
0x38: {  	s8 =	sadd.s32 s14, s5;
	[sflag:s26] =	ssyncadd.s32 $0xFFFFE000  }
0x39: {  	[hbm4b:s8+s2] =	stream.linear.scatter [tilespmem:s21], [sflag:$0x5], $0x2000, $0x38;
	[tilespmem:$0x9A00] =	vst v63  }
0x3a: {  	_ =	swait.ge [sflag:s16], $0x2000  }
0x3b: {  	[sflag:s16] =	ssyncset.done $0x0  }
0x3c: {  	s29 =	sadd.s32 s14, s6;
	[sflag:s16] =	ssyncadd.s32 $0xFFFFE000  }
0x3d: {  	[hbm4b:s29+s2] =	stream.linear.scatter [tilespmem:s22], [sflag:$0x5], $0x2000, $0x38;
	[tilespmem:$0x9A00] =	vst v63  }
0x3e: {  	s28 =	simm.s32 $0x800;
	s31 =	sadd.s32 $0x800, s14;
	_ =	swait.ge [sflag:s16], $0x2000  }
0x3f: {  	s0 =	sadd.s32 $0x800, s15;
	s1 =	simm.s32 $0x100;
	[sflag:s16] =	ssyncset.done $0x0  }
.LBB2_2:
0x40: {  	s8 =	sadd.s32 $0x80, s1  }
0x41: {  	[sflag:s16] =	ssyncadd.s32 $0xFFFFE000;
	s29 =	smov.u32 s28;
	s7 =	sadd.s32 $0x400, s28  }
0x42: {  	[tilespmem:s21], [sflag:$0x3] =	stream.indirect.gather [hbm4b:s3+s18], $0x40, s8, s18, $0xb8;
	[tilespmem:$0x9A00] =	vst v63  }
0x43: {  	p0 =	sne.s32 s28, $0x2C00;
	s8 =	sadd.s32 $0xD80, s1  }
0x44: {  	[tilespmem:s22], [sflag:$0x4] =	stream.indirect.gather [hbm4b:s4+s18], $0x40, s8, s18, $0xb8;
	[tilespmem:$0x9A00] =	vst v63  }
0x45: {  	_ =	swait.ge [sflag:s23], $0x2000  }
0x46: {  	[sflag:s23] =	ssyncset.done $0x0  }
0x47: {  	[sflag:s23] =	ssyncadd.s32 $0xFFFFE000  }
0x48: {  	_ =	swait.ge [sflag:s24], $0x2000  }
0x49: {  	[sflag:s24] =	ssyncset.done $0x0  }
0x4a: {  	s8 =	sadd.s32 s0, s5;
	[sflag:s24] =	ssyncadd.s32 $0xFFFFE000  }
0x4b: {  	[hbm4b:s8+s2] =	stream.linear.scatter [tilespmem:s19], [sflag:$0x5], $0x2000, $0x38;
	[tilespmem:$0x9A00] =	vst v63  }
0x4c: {  	_ =	swait.ge [sflag:s16], $0x2000  }
0x4d: {  	[sflag:s16] =	ssyncset.done $0x0  }
0x4e: {  	s8 =	sadd.s32 s0, s6;
	[sflag:s16] =	ssyncadd.s32 $0xFFFFE000  }
0x4f: {  	[hbm4b:s8+s2] =	stream.linear.scatter [tilespmem:s20], [sflag:$0x5], $0x2000, $0x38;
	[tilespmem:$0x9A00] =	vst v63  }
0x50: {  	_ =	swait.ge [sflag:s16], $0x2000  }
0x51: {  	[sflag:s16] =	ssyncset.done $0x0  }
0x52: {  	s8 =	sadd.s32 $0x100, s1;
	[sflag:s16] =	ssyncadd.s32 $0xFFFFE000  }
0x53: {  	[tilespmem:s19], [sflag:$0x1] =	stream.indirect.gather [hbm4b:s3+s18], $0x40, s8, s18, $0xb8;
	[tilespmem:$0x9A00] =	vst v63  }
0x54: {  	s1 =	sadd.s32 $0xE00, s1  }
0x55: {  	[tilespmem:s20], [sflag:$0x2] =	stream.indirect.gather [hbm4b:s4+s18], $0x40, s1, s18, $0xb8;
	[tilespmem:$0x9A00] =	vst v63  }
0x56: {  	_ =	swait.ge [sflag:s25], $0x2000  }
0x57: {  	[sflag:s25] =	ssyncset.done $0x0  }
0x58: {  	[sflag:s25] =	ssyncadd.s32 $0xFFFFE000  }
0x59: {  	_ =	swait.ge [sflag:s26], $0x2000  }
0x5a: {  	[sflag:s26] =	ssyncset.done $0x0  }
0x5b: {  	s1 =	sadd.s32 s31, s5;
	[sflag:s26] =	ssyncadd.s32 $0xFFFFE000  }
0x5c: {  	[hbm4b:s1+s2] =	stream.linear.scatter [tilespmem:s21], [sflag:$0x5], $0x2000, $0x38;
	[tilespmem:$0x9A00] =	vst v63  }
0x5d: {  	_ =	swait.ge [sflag:s16], $0x2000  }
.Ltmp0:
0x5e: {  	[sflag:s16] =	ssyncset.done $0x0;
	(pc) =	sbr.rel @p0 .LBB2_2-.Ltmp0, $4  }
0x5f: {  	s1 =	sadd.s32 s31, s6;
	[sflag:s16] =	ssyncadd.s32 $0xFFFFE000  }
0x60: {  	[hbm4b:s1+s2] =	stream.linear.scatter [tilespmem:s22], [sflag:$0x5], $0x2000, $0x38;
	[tilespmem:$0x9A00] =	vst v63  }
0x61: {  	s28 =	smov.u32 s7;
	s0 =	sadd.s32 $0x800, s0;
	_ =	swait.ge [sflag:s16], $0x2000  }
0x62: {  	s31 =	sadd.s32 $0x800, s31;
	s1 =	sshra.s32 s29, $0x2;
	[sflag:s16] =	ssyncset.done $0x0  }
0x63: {  	s7 =	sadd.s32 $0x80, s1;
	[sflag:s16] =	ssyncadd.s32 $0xFFFFE000  }
0x64: {  	[tilespmem:s21], [sflag:$0x3] =	stream.indirect.gather [hbm4b:s3+s18], $0x40, s7, s18, $0xb8;
	[tilespmem:$0x9A00] =	vst v63  }
0x65: {  	s29 =	sadd.s32 $0xD80, s1  }
0x66: {  	[tilespmem:s22], [sflag:$0x4] =	stream.indirect.gather [hbm4b:s4+s18], $0x40, s29, s18, $0xb8;
	[tilespmem:$0x9A00] =	vst v63  }
0x67: {  	_ =	swait.ge [sflag:s23], $0x2000  }
0x68: {  	[sflag:s23] =	ssyncset.done $0x0  }
0x69: {  	[sflag:s23] =	ssyncadd.s32 $0xFFFFE000  }
0x6a: {  	_ =	swait.ge [sflag:s24], $0x2000  }
0x6b: {  	[sflag:s24] =	ssyncset.done $0x0  }
0x6c: {  	s8 =	sadd.s32 s0, s5;
	[sflag:s24] =	ssyncadd.s32 $0xFFFFE000  }
0x6d: {  	[hbm4b:s8+s2] =	stream.linear.scatter [tilespmem:s19], [sflag:$0x5], $0x2000, $0x38;
	[tilespmem:$0x9A00] =	vst v63  }
0x6e: {  	_ =	swait.ge [sflag:s16], $0x2000  }
0x6f: {  	[sflag:s16] =	ssyncset.done $0x0  }
0x70: {  	s28 =	sadd.s32 s0, s6;
	[sflag:s16] =	ssyncadd.s32 $0xFFFFE000  }
0x71: {  	[hbm4b:s28+s2] =	stream.linear.scatter [tilespmem:s20], [sflag:$0x5], $0x2000, $0x38;
	[tilespmem:$0x9A00] =	vst v63  }
0x72: {  	_ =	swait.ge [sflag:s16], $0x2000  }
0x73: {  	[sflag:s16] =	ssyncset.done $0x0  }
0x74: {  	s29 =	sadd.s32 $0x100, s1;
	[sflag:s16] =	ssyncadd.s32 $0xFFFFE000  }
0x75: {  	[tilespmem:s19], [sflag:$0x1] =	stream.indirect.gather [hbm4b:s3+s18], $0x40, s29, s18, $0xb8;
	[tilespmem:$0x9A00] =	vst v63  }
0x76: {  	s7 =	sadd.s32 $0xE00, s1  }
0x77: {  	[tilespmem:s20], [sflag:$0x2] =	stream.indirect.gather [hbm4b:s4+s18], $0x40, s7, s18, $0xb8;
	[tilespmem:$0x9A00] =	vst v63  }
0x78: {  	_ =	swait.ge [sflag:s25], $0x2000  }
0x79: {  	[sflag:s25] =	ssyncset.done $0x0  }
0x7a: {  	[sflag:s25] =	ssyncadd.s32 $0xFFFFE000  }
0x7b: {  	_ =	swait.ge [sflag:s26], $0x2000  }
0x7c: {  	[sflag:s26] =	ssyncset.done $0x0  }
0x7d: {  	s8 =	sadd.s32 s31, s5;
	[sflag:s26] =	ssyncadd.s32 $0xFFFFE000  }
0x7e: {  	[hbm4b:s8+s2] =	stream.linear.scatter [tilespmem:s21], [sflag:$0x5], $0x2000, $0x38;
	[tilespmem:$0x9A00] =	vst v63  }
0x7f: {  	_ =	swait.ge [sflag:s16], $0x2000  }
0x80: {  	[sflag:s16] =	ssyncset.done $0x0  }
0x81: {  	s28 =	sadd.s32 s31, s6;
	[sflag:s16] =	ssyncadd.s32 $0xFFFFE000  }
0x82: {  	[hbm4b:s28+s2] =	stream.linear.scatter [tilespmem:s22], [sflag:$0x5], $0x2000, $0x38;
	[tilespmem:$0x9A00] =	vst v63  }
0x83: {  	_ =	swait.ge [sflag:s16], $0x2000  }
0x84: {  	[sflag:s16] =	ssyncset.done $0x0  }
0x85: {  	s29 =	simm.s32 $0xC80;
	[sflag:s16] =	ssyncadd.s32 $0xFFFFE000  }
0x86: {  	[tilespmem:s21], [sflag:$0x3] =	stream.indirect.gather [hbm4b:s3+s18], $0x40, s29, s18, $0xb8;
	[tilespmem:$0x9A00] =	vst v63  }
0x87: {  	s31 =	simm.s32 $0x1980  }
0x88: {  	[tilespmem:s22], [sflag:$0x4] =	stream.indirect.gather [hbm4b:s4+s18], $0x40, s31, s18, $0xb8;
	[tilespmem:$0x9A00] =	vst v63  }
0x89: {  	_ =	swait.ge [sflag:s23], $0x2000  }
0x8a: {  	[sflag:s23] =	ssyncset.done $0x0  }
0x8b: {  	[sflag:s23] =	ssyncadd.s32 $0xFFFFE000  }
0x8c: {  	_ =	swait.ge [sflag:s24], $0x2000  }
0x8d: {  	[sflag:s24] =	ssyncset.done $0x0  }
0x8e: {  	[sflag:s24] =	ssyncadd.s32 $0xFFFFE000  }
0x8f: {  	[hbm4b:s10+s2] =	stream.linear.scatter [tilespmem:s19], [sflag:$0x5], $0x2000, $0x38;
	[tilespmem:$0x9A00] =	vst v63  }
0x90: {  	_ =	swait.ge [sflag:s16], $0x2000  }
0x91: {  	[sflag:s16] =	ssyncset.done $0x0  }
0x92: {  	[sflag:s16] =	ssyncadd.s32 $0xFFFFE000  }
0x93: {  	[hbm4b:s11+s2] =	stream.linear.scatter [tilespmem:s20], [sflag:$0x5], $0x2000, $0x38;
	[tilespmem:$0x9A00] =	vst v63  }
0x94: {  	_ =	swait.ge [sflag:s16], $0x2000  }
0x95: {  	[sflag:s16] =	ssyncset.done $0x0  }
0x96: {  	[sflag:s16] =	ssyncadd.s32 $0xFFFFE000  }
0x97: {  	[tilespmem:s19], [sflag:$0x1] =	stream.indirect.gather [hbm4b:s3+s18], $0x40, s2, s18, $0xb8;
	[tilespmem:$0x9A00] =	vst v63  }
0x98: {  	_ = 	snop  }
0x99: {  	[tilespmem:s20], [sflag:$0x2] =	stream.indirect.gather [hbm4b:s4+s18], $0x40, s17, s18, $0xb8;
	[tilespmem:$0x9A00] =	vst v63  }
0x9a: {  	_ =	swait.ge [sflag:s25], $0x2000  }
0x9b: {  	[sflag:s25] =	ssyncset.done $0x0  }
0x9c: {  	[sflag:s25] =	ssyncadd.s32 $0xFFFFE000  }
0x9d: {  	_ =	swait.ge [sflag:s26], $0x2000  }
0x9e: {  	[sflag:s26] =	ssyncset.done $0x0  }
0x9f: {  	[sflag:s26] =	ssyncadd.s32 $0xFFFFE000  }
0xa0: {  	[hbm4b:s12+s2] =	stream.linear.scatter [tilespmem:s21], [sflag:$0x5], $0x2000, $0x38;
	[tilespmem:$0x9A00] =	vst v63  }
0xa1: {  	_ =	swait.ge [sflag:s16], $0x2000  }
0xa2: {  	[sflag:s16] =	ssyncset.done $0x0  }
0xa3: {  	[sflag:s16] =	ssyncadd.s32 $0xFFFFE000  }
0xa4: {  	[hbm4b:s13+s2] =	stream.linear.scatter [tilespmem:s22], [sflag:$0x5], $0x2000, $0x38;
	[tilespmem:$0x9A00] =	vst v63  }
0xa5: {  	_ =	swait.ge [sflag:s16], $0x2000  }
0xa6: {  	[sflag:s16] =	ssyncset.done $0x0  }
0xa7: {  	s30 =	sadd.s32 $0x1, s30;
	[sflag:s16] =	ssyncadd.s32 $0xFFFFE000  }
0xa8: {  	p0 =	sne.s32 s30, s9;
	_ =	swait.ge [sflag:s23], $0x2000  }
.Ltmp1:
0xa9: {  	[sflag:s23] =	ssyncset.done $0x0;
	(pc) =	sbr.rel @p0 .LBB2_1-.Ltmp1, $4  }
0xaa: {  	[sflag:s23] =	ssyncadd.s32 $0xFFFFE000  }
0xab: {  	_ =	swait.ge [sflag:s24], $0x2000  }
0xac: {  	[sflag:s24] =	ssyncset.done $0x0  }
0xad: {  	[sflag:s24] =	ssyncadd.s32 $0xFFFFE000  }
0xae: {  	_ =	sfence.sel $0x180000  }
0xaf: {  	[bflag:$0x0] =	sbarrier.arrive $0xFFFF  }
0xb0: {  	_ =	strace $0x9000004D  }
0xb1: {  	s0 =	stileid.u32;
	[bflag:$0x2] =	sbarrier.arrive $0xFFFF  }
0xb2: {  	p0 =	sne.s32 s0, $0x0;
	s0 =	rddreg [dreg:$0x1]  }
0xb3: {  	s0 =	sadd.s32 @!p0 $0x100000, s0  }
0xb4: {  	[sflag:s0] =	ssyncadd.tile.s32 @!p0 $0x1;
	_ =	shalt  }
.Lfunc_end2:
_tile_overlayer_lowered:
.L_overlay_start_2:
0xb5: {  	(tag) =	ssettag $0x2  }
0xb6: {  	s0 =	rddreg [dreg:$0x0];
	s2 =	stileid.u32  }
0xb7: {  	s1 =	rddreg [dreg:$0x1];
	p0 =	sne.s32 s2, $0x0  }
0xb8: {  	s3 =	rddreg [dreg:$0x2];
	[bflag:$0x3] =	sbarrier.arrive $0xFFFF;
	s2 =	simm.s32 @!p0 $0x1C05  }
0xb9: {  	[timem:s3], [sflag:s2] =	dma.local @!p0 [hbm:s0], s1  }
0xba: {  	s0 =	simm.s32 @!p0 $0x5  }
0xbb: {  	_ =	swait.ge @!p0 [sflag:s0], s1  }
0xbc: {  	s1 =	ssub.s32 @!p0 $0x0, s1;
	[sflag:s0] =	ssyncset.done @!p0 $0x0  }
0xbd: {  	[sflag:s0] =	ssyncadd.s32 @!p0 s1  }
0xbe: {  	[bflag:$0x3] =	sbarrier.arrive $0xFFFF  }
0xbf: {  	_ =	shalt  }

// kernel: kernel.9.cloned.1.call-start
scs
__scs_entry_jumppad:
0x0: {  	(pc) =	sbr.rel $0x88, $3  }
0x1: {  	(tag) =	ssettag $0x0;
	lr =	simm.s32 $0x1  }
0x2: {  	[smem:$0x3F94] =	sst lr;
	_ =	strace $0xD0000000  }
0x3: {  	_ = 	snop  }
0x4: {  	_ = 	snop  }
0x5: {  	_ = 	snop  }
0x6: {  	_ = 	snop  }
0x7: {  	_ = 	snop  }
__scs_overlays_trampoline_lowered:
0x8: {  	[smem:$0x3FA3] =	sst s0  }
0x9: {  	[smem:$0x3FA4] =	sst s1  }
0xa: {  	[smem:$0x3FA5] =	sst s2  }
0xb: {  	[smem:$0x3FA6] =	sst s3  }
0xc: {  	[smem:$0x3FA7] =	sst s4  }
0xd: {  	[smem:$0x3FA8] =	sst s5  }
0xe: {  	[smem:$0x3FA9] =	sst s6  }
0xf: {  	[smem:$0x3FAA] =	sst s7  }
0x10: {  	[smem:$0x3FAB] =	sst s8  }
0x11: {  	[smem:$0x3FAC] =	sst s9;
	s0 =	simm.s32 @!p0 $0x0  }
0x12: {  	s1 =	sld [smem:$0x3F92];
	s0 =	simm.s32 @p0 $0x1  }
0x13: {  	[smem:$0x3FAD] =	sst s0;
	s0 =	simm.s32 @!p1 $0x0  }
0x14: {  	s2 =	sld [smem:$0x3F91];
	s0 =	simm.s32 @p1 $0x1  }
0x15: {  	[smem:$0x3FAE] =	sst s0;
	s0 =	simm.s32 @!p2 $0x0  }
0x16: {  	s3 =	sld [smem:$0x3FDB];
	s0 =	simm.s32 @p2 $0x1  }
0x17: {  	s4 =	simm.s32 $0x1BF5;
	[smem:$0x3FB0] =	sst s0  }
0x18: {  	s0 =	sld [smem:$0x3F93];
	_ =	swait.ge [sflag:s4], $0x0  }
0x19: {  	s7 =	sld [smem:$0x3F94]  }
0x1a: {  	s8 =	sadd.s32 $0xFFFFE003, lr  }
0x1b: {  	s9 =	sadd.s32 $0xFFFFFEF7, lr;
	s5 =	simm.s32 $0xFFFFFFFF;
	p2 =	slt.u32 s8, $0xFFFFF086  }
0x1c: {  	p1 =	slt.u32 s9, $0xF7A;
	s5 =	simm.s32 @!p2 $0x0  }
0x1d: {  	s5 =	simm.s32 @p1 $0x1;
	p0 =	seq.s32 s7, s2  }
0x1e: {  	s7 =	smul.u32 @!p0 $0xF7A, s2;
	p2 =	seq.s32 @!p0 s5, $0x0  }
0x1f: {  	s9 =	smul.u32 $0xF7A, s1;
	s8 =	simm.s32 @!p0 $0x1BF5;
	p2 =	por !p2, p0  }
0x20: {  	[sflag:s8] =	ssyncset.s32 @!p0 $0xFFFFF086;
	s6 =	sadd.s32 @!p0 s3, s7;
	s7 =	simm.s32 @!p0 $0x108  }
0x21: {  	s3 =	sadd.s32 s3, s9;
	s6 =	sadd.s32 @!p0 $0x88, s6;
	s7 =	simm.s32 @p2 $0x1082  }
0x22: {  	[simem:s7], [sflag:s8] =	dma.local @!p0 [hbm:s6], $0xF7A  }
0x23: {  	s9 =	sor.u32 $0xD0000000, s2;
	s6 =	simm.s32 $0x108;
	_ =	swait.ge @!p0 [sflag:s8], $0x0  }
0x24: {  	s3 =	sadd.s32 $0x88, s3;
	s6 =	simm.s32 @!p1 $0x1082;
	[sflag:s4] =	ssyncset.s32 $0xFFFFF086  }
0x25: {  	[simem:s6], [sflag:s4] =	dma.local [hbm:s3], $0xF7A  }
0x26: {  	[smem:$0x3F94] =	sst s1;
	(tag) =	ssettag s2;
	_ =	strace s9  }
0x27: {  	s1 =	sld [smem:$0x3FA4]  }
0x28: {  	s2 =	sld [smem:$0x3FA5]  }
0x29: {  	s4 =	sld [smem:$0x3FA7]  }
0x2a: {  	p0 =	seq.s32 s5, $0x0;
	s5 =	sld [smem:$0x3FA8]  }
0x2b: {  	s6 =	sld [smem:$0x3FA9]  }
0x2c: {  	s7 =	sld [smem:$0x3FAA]  }
0x2d: {  	s3 =	simm.s32 $0x108;
	s8 =	sld [smem:$0x3FAB]  }
0x2e: {  	s3 =	simm.s32 @!p0 $0x1082;
	s9 =	sld [smem:$0x3FAC]  }
0x2f: {  	lr =	sadd.s32 s0, s3;
	s0 =	sld [smem:$0x3FA3]  }
0x30: {  	s3 =	sld [smem:$0x3FA6]  }
0x31: {  	[smem:$0x3FAF] =	sst s10  }
0x32: {  	s10 =	sld [smem:$0x3FAD];
	_ =	sdelay $0x3  }
0x33: {  	p0 =	seq.s32 s10, $0x1;
	s10 =	sld [smem:$0x3FAF];
	_ =	sdelay $0x3  }
0x34: {  	[smem:$0x3FAF] =	sst s10  }
0x35: {  	s10 =	sld [smem:$0x3FAE];
	_ =	sdelay $0x3  }
0x36: {  	p1 =	seq.s32 s10, $0x1;
	s10 =	sld [smem:$0x3FAF];
	_ =	sdelay $0x3  }
0x37: {  	[smem:$0x3FAF] =	sst s10  }
0x38: {  	s10 =	sld [smem:$0x3FB0]  }
0x39: {  	_ = 	snop;
	(pc) =	sbr.ind lr, $3  }
0x3a: {  	_ = 	snop  }
0x3b: {  	_ = 	snop  }
0x3c: {  	p2 =	seq.s32 s10, $0x1;
	s10 =	sld [smem:$0x3FAF]  }
0x3d: {  	_ =	shalt  }
0x3e: {  	_ =	shalt  }
0x3f: {  	_ =	shalt  }
0x40: {  	_ =	shalt  }
0x41: {  	_ =	shalt  }
0x42: {  	_ =	shalt  }
0x43: {  	_ =	shalt  }
0x44: {  	_ =	shalt  }
0x45: {  	_ =	shalt  }
0x46: {  	_ =	shalt  }
0x47: {  	_ =	shalt  }
0x48: {  	_ =	shalt  }
0x49: {  	_ =	shalt  }
0x4a: {  	_ =	shalt  }
0x4b: {  	_ =	shalt  }
0x4c: {  	_ =	shalt  }
0x4d: {  	_ =	shalt  }
0x4e: {  	_ =	shalt  }
0x4f: {  	_ =	shalt  }
0x50: {  	_ =	shalt  }
0x51: {  	_ =	shalt  }
0x52: {  	_ =	shalt  }
0x53: {  	_ =	shalt  }
0x54: {  	_ =	shalt  }
0x55: {  	_ =	shalt  }
0x56: {  	_ =	shalt  }
0x57: {  	_ =	shalt  }
0x58: {  	_ =	shalt  }
0x59: {  	_ =	shalt  }
0x5a: {  	_ =	shalt  }
0x5b: {  	_ =	shalt  }
0x5c: {  	_ =	shalt  }
0x5d: {  	_ =	shalt  }
0x5e: {  	_ =	shalt  }
0x5f: {  	_ =	shalt  }
0x60: {  	_ =	shalt  }
0x61: {  	_ =	shalt  }
0x62: {  	_ =	shalt  }
0x63: {  	_ =	shalt  }
0x64: {  	_ =	shalt  }
0x65: {  	_ =	shalt  }
0x66: {  	_ =	shalt  }
0x67: {  	_ =	shalt  }
0x68: {  	_ =	shalt  }
0x69: {  	_ =	shalt  }
0x6a: {  	_ =	shalt  }
0x6b: {  	_ =	shalt  }
0x6c: {  	_ =	shalt  }
0x6d: {  	_ =	shalt  }
0x6e: {  	_ =	shalt  }
0x6f: {  	_ =	shalt  }
0x70: {  	_ =	shalt  }
0x71: {  	_ =	shalt  }
0x72: {  	_ =	shalt  }
0x73: {  	_ =	shalt  }
0x74: {  	_ =	shalt  }
0x75: {  	_ =	shalt  }
0x76: {  	_ =	shalt  }
0x77: {  	_ =	shalt  }
0x78: {  	_ =	shalt  }
0x79: {  	_ =	shalt  }
0x7a: {  	_ =	shalt  }
0x7b: {  	_ =	shalt  }
0x7c: {  	_ =	shalt  }
0x7d: {  	_ =	shalt  }
0x7e: {  	_ =	shalt  }
0x7f: {  	_ =	shalt  }
0x80: {  	_ =	shalt  }
0x81: {  	_ =	shalt  }
0x82: {  	_ =	shalt  }
0x83: {  	_ =	shalt  }
0x84: {  	_ =	shalt  }
0x85: {  	_ =	shalt  }
0x86: {  	_ =	shalt  }
0x87: {  	_ =	shalt  }
.Lfunc_end0:
.L_simem_size_0:
called_computation_lowered:
.L_overlay_start_0:
0x88: {  	s2 =	sld [smem:$0x3FD9]  }
0x89: {  	s3 =	sld [smem:$0x3FFE];
	_ =	sdelay $0x1  }
0x8a: {  	s1 =	srdreg.scid  }
0x8b: {  	s0 =	sand.u32 $0x1, s1  }
0x8c: {  	s17 =	sshll.u32 s0, $0xA;
	s2 =	sadd.s32 s3, s2  }
0x8d: {  	s2 =	sadd.s32 s2, s17  }
0x8e: {  	[smem:$0x3FBB] =	sst s2  }
0x8f: {  	_ = 	snop  }
0x90: {  	s2 =	sld [smem:$0x3FD0];
	(tm) =	ssettm $0x1  }
0x91: {  	s18 =	sld [smem:$0x3FFB];
	_ =	sdelay $0x3  }
0x92: {  	_ =	strace s18  }
0x93: {  	s3 =	sld [smem:$0x3FFC];
	_ =	sdelay $0x3  }
0x94: {  	_ =	strace s3  }
0x95: {  	s3 =	sld [smem:$0x3FFD];
	_ =	sdelay $0x3  }
0x96: {  	_ =	strace s3  }
0x97: {  	_ =	strace $0x8FFFFFFF  }
0x98: {  	s19 =	sld [smem:$0x3FDB];
	_ =	sdelay $0x1  }
0x99: {  	s4 =	simm.s32 $_scs_section_size  }
0x9a: {  	s5 =	simm.s32 $_size__tile_overlayer_lowered;
	s6 =	simm.s32 $_tile_overlayer_lowered  }
0x9b: {  	s22 =	simm.s32 $0x1BFF;
	s21 =	sshll.u32 s6, $0x1;
	s3 =	sadd.s32 s4, s19  }
0x9c: {  	s7 =	simm.s32 $0x0;
	s20 =	sshll.u32 s5, $0x1;
	s5 =	sadd.s32 s21, s3  }
0x9d: {  	[timem:s7], [sflag:s22] =	dma.local [hbm:s5], s20  }
0x9e: {  	_ =	swait.ge [sflag:s22], s20  }
0x9f: {  	s4 =	ssub.s32 $0x0, s20;
	[sflag:s22] =	ssyncset.done $0x0  }
0xa0: {  	[sflag:s22] =	ssyncadd.s32 s4;
	_ =	sdelay $0x1  }
0xa1: {  	s23 =	simm.s32 $0x1B8B  }
0xa2: {  	_ =	swait.ge [sflag:s23], $0x1  }
0xa3: {  	[sflag:s23] =	ssyncset.done $0x0  }
0xa4: {  	s25 =	simm.s32 $0x1B8E;
	s24 =	sld [smem:$0x3FFE];
	[sflag:s23] =	ssyncadd.s32 $0xFFFFFFFF  }
0xa5: {  	s26 =	simm.s32 $execute0_lowered;
	[smem:$0x3FD2] =	sst s25  }
0xa6: {  	s5 =	sshll.u32 s26, $0x1;
	_ =	strace $0x80000046;
	[dreg:$0x1] =	wrdreg $0xFFFFFFFF  }
0xa7: {  	s28 =	simm.s32 $_size_execute0_lowered;
	s3 =	sadd.s32 s3, s5;
	[dreg:$0x0] =	wrdreg $0x0  }
0xa8: {  	s5 =	sshll.u32 s28, $0x1;
	[dreg:$0x2] =	wrdreg s3  }
0xa9: {  	[dreg:$0x3] =	wrdreg s5  }
0xaa: {  	[dreg:$0x4] =	wrdreg $0xC0  }
0xab: {  	_ =	task [dreg:s7], $0x5FFFF  }
0xac: {  	[dreg:$0x1] =	wrdreg $0xFFFFFFFF  }
0xad: {  	[dreg:$0x0] =	wrdreg $0x60  }
0xae: {  	[dreg:$0x2] =	wrdreg s24  }
0xaf: {  	[dreg:$0x3] =	wrdreg s2  }
0xb0: {  	[dreg:$0x4] =	wrdreg $0xC2000  }
0xb1: {  	[dreg:$0x5] =	wrdreg $0x162000  }
0xb2: {  	[dreg:$0x6] =	wrdreg $0x9  }
0xb3: {  	_ =	task.clear_ibuf [dreg:s7], $0x7FFFF;
	_ =	strace $0x90000046  }
0xb4: {  	s29 =	simm.s32 $0x9;
	_ =	strace $0x80000048  }
0xb5: {  	_ =	swait.ge [sflag:s29], $0x1  }
0xb6: {  	[sflag:s29] =	ssyncadd.s32 $0xFFFFFFFF  }
0xb7: {  	_ =	strace $0x90000048  }
0xb8: {  	_ =	sfence  }
0xb9: {  	s30 =	sld [smem:$0x0];
	_ =	sdelay $0x2  }
0xba: {  	s31 =	sshll.u32 s1, $0xD;
	s1 =	sshrl.u32 s1, $0x2  }
0xbb: {  	s3 =	sand.u32 $0x4000, s31;
	s1 =	sadd.s32 s1, s30  }
0xbc: {  	s0 =	sor.u32 s3, s0;
	s1 =	sshll.u32 s1, $0x11  }
0xbd: {  	s0 =	sor.u32 s1, s0  }
0xbe: {  	s0 =	sadd.s32 $0x8F2B, s0  }
0xbf: {  	[sflag:s0] =	ssyncadd.remote.s32 $0x1  }
0xc0: {  	_ =	sfence.sel $0xFFFF  }
0xc1: {  	[dreg:$0x0] =	wrdreg $0xFFFFFFFF;
	(pc) =	sbr.abs _section_cstart, $3  }
0xc2: {  	[dreg:$0x1] =	wrdreg $0xFFFFFFFF  }
0xc3: {  	_ =	task.clear_ibuf [dreg:s7], $0x2FFFF;
	_ =	strace $0x9FFFFFFF  }
0xc4: {  	(tm) =	ssettm $0x7FFFFFFF  }
0xc5: {  	_ =	shalt  }
tec
execute0_lowered:
.L_overlay_start_1:
0x0: {  	(tag) =	ssettag $0x1  }
0x1: {  	s22 =	stileid.u32  }
0x2: {  	s0 =	srdreg.scid;
	s2 =	simm.s32 $0x0;
	s7 =	smul.u32 $0x280, s22  }
0x3: {  	s1 =	sand.u32 $0x1, s0;
	s0 =	rddreg [dreg:$0x0];
	s9 =	smul.u32 $0xA000, s22  }
0x4: {  	[smem:$0x7FF] =	sst s2;
	s23 =	smul.u32 $0xA0000, s1  }
0x5: {  	s3 =	sshll.u32 s1, $0x4;
	s4 =	ssub.s32 $0x2, s1;
	s12 =	smul.u32 $0x28000, s1  }
0x6: {  	s5 =	sadd.s32 $0x2CC00, s0;
	s8 =	sadd.s32 $0x54C00, s0;
	s1 =	smul.u32 $0x2800, s22  }
0x7: {  	s3 =	sor.u32 s22, s3;
	s6 =	sshrl.u32 s4, $0x1;
	s10 =	sadd.s32 $0x80, s7  }
0x8: {  	s11 =	sadd.s32 $0x100, s7;
	s13 =	sadd.s32 $0x180, s7;
	s7 =	sadd.s32 $0x200, s7  }
0x9: {  	s3 =	smul.u32 $0x520, s3;
	s4 =	ssub.s32 s4, s6;
	s14 =	sshll.u32 s10, $0x6  }
0xa: {  	s15 =	sshll.u32 s11, $0x6;
	s16 =	sadd.s32 s23, s9;
	s17 =	sshll.u32 s13, $0x6  }
0xb: {  	s18 =	sshll.u32 s7, $0x6;
	s24 =	sadd.s32 s12, s1;
	s10 =	sshll.u32 s10, $0x4  }
0xc: {  	s16 =	sshrl.u32 s16, $0x3;
	s19 =	sadd.s32 s23, s14;
	s20 =	sadd.s32 s12, s10  }
0xd: {  	s21 =	sadd.s32 s23, s15;
	s29 =	sadd.s32 s23, s17;
	s6 =	sadd.s32 s23, s18  }
0xe: {  	s16 =	sadd.s32 s5, s16;
	s19 =	sshrl.u32 s19, $0x3;
	s25 =	sshrl.u32 s20, $0x3  }
0xf: {  	s26 =	sshrl.u32 s21, $0x3;
	s21 =	sshll.u32 s11, $0x4;
	s31 =	sshrl.u32 s29, $0x3  }
0x10: {  	s6 =	sshrl.u32 s6, $0x3;
	[dreg:$0x5] =	wrdreg s16;
	s19 =	sadd.s32 s5, s19  }
0x11: {  	s3 =	sadd.s32 s3, s0;
	s20 =	sadd.s32 s5, s26;
	[dreg:$0x6] =	wrdreg s19  }
0x12: {  	s16 =	sshrl.u32 s24, $0x3;
	s11 =	sadd.s32 s5, s31;
	[dreg:$0x7] =	wrdreg s20  }
0x13: {  	s5 =	sadd.s32 s5, s6;
	s24 =	sadd.s32 s8, s25;
	[dreg:$0x8] =	wrdreg s11  }
0x14: {  	s6 =	sshll.u32 s7, $0x4;
	s31 =	sadd.s32 $0x2C800, s0;
	[dreg:$0x9] =	wrdreg s5  }
0x15: {  	s20 =	sadd.s32 s12, s21;
	s23 =	sadd.s32 s8, s16;
	[dreg:$0xb] =	wrdreg s24  }
0x16: {  	s26 =	sadd.s32 s12, s6;
	s16 =	sadd.s32 $0x18E00, s0;
	s0 =	sadd.s32 $0x2CA00, s0  }
0x17: {  	s19 =	smax.u32 s4, $0x1;
	s24 =	sshrl.u32 s14, $0x2;
	s5 =	sshrl.u32 s20, $0x3  }
0x18: {  	[dreg:$0xa] =	wrdreg s23;
	s11 =	sshrl.u32 s26, $0x3;
	s5 =	sadd.s32 s8, s5  }
0x19: {  	s26 =	sshrl.u32 s15, $0x2;
	s29 =	sadd.s32 s8, s11;
	[dreg:$0xc] =	wrdreg s5  }
0x1a: {  	s11 =	sadd.s32 $0xEA00, s3;
	s5 =	sshll.u32 s13, $0x4;
	s13 =	rddreg [dreg:$0x3]  }
0x1b: {  	s3 =	sadd.s32 $0x4600, s3;
	[dreg:$0xe] =	wrdreg s29;
	s29 =	sshrl.u32 s17, $0x2  }
0x1c: {  	s25 =	sadd.s32 s12, s5;
	s12 =	rddreg [dreg:$0x2];
	s1 =	sadd.s32 s1, s13  }
0x1d: {  	s4 =	sadd.s32 s21, s13;
	s5 =	sadd.s32 s5, s13;
	s7 =	sshrl.u32 s25, $0x3  }
0x1e: {  	s6 =	sadd.s32 s6, s13;
	s21 =	simm.s32 $0x2;
	s7 =	sadd.s32 s8, s7  }
0x1f: {  	s20 =	sadd.s32 s9, s12;
	s25 =	sadd.s32 s14, s12;
	[dreg:$0xd] =	wrdreg s7  }
0x20: {  	s28 =	sadd.s32 s15, s12;
	_ =	strace $0x80000047;
	[dreg:$0xf] =	wrdreg s31  }
0x21: {  	s30 =	sadd.s32 s17, s12;
	s14 =	simm.s32 $0x2900;
	[dreg:$0x10] =	wrdreg s0  }
0x22: {  	s15 =	simm.s32 $0x80;
	s17 =	simm.s32 $0x5200;
	[dreg:$0x11] =	wrdreg s11  }
0x23: {  	s8 =	smul.u32 $0x28000, s22;
	s22 =	sshrl.u32 s9, $0x2;
	[dreg:$0x12] =	wrdreg s3  }
0x24: {  	s9 =	simm.s32 $0xBA00;
	s23 =	sadd.s32 s22, s13;
	[dreg:$0x13] =	wrdreg s19  }
0x25: {  	s7 =	simm.s32 $0x9200;
	s22 =	simm.s32 $0x4;
	[dreg:$0x14] =	wrdreg s20  }
0x26: {  	s0 =	sshrl.u32 s8, $0x2;
	[dreg:$0x16] =	wrdreg s23;
	s31 =	sshrl.u32 s18, $0x2  }
0x27: {  	s11 =	sadd.s32 s18, s12;
	s3 =	sadd.s32 s10, s13;
	s0 =	sadd.s32 s0, s12  }
0x28: {  	s8 =	simm.s32 $0x5;
	[dreg:$0x15] =	wrdreg s0;
	s0 =	sadd.s32 s24, s13  }
0x29: {  	s10 =	simm.s32 $0xB200;
	[dreg:$0x17] =	wrdreg s0;
	s0 =	sadd.s32 s26, s13  }
0x2a: {  	s18 =	simm.s32 $0x7200;
	[dreg:$0x18] =	wrdreg s0;
	s0 =	sadd.s32 s29, s13  }
0x2b: {  	s19 =	simm.s32 $0x1;
	[dreg:$0x19] =	wrdreg s0;
	s0 =	sadd.s32 s31, s13  }
0x2c: {  	s20 =	simm.s32 $0x3;
	s23 =	simm.s32 $0x0;
	[dreg:$0x1a] =	wrdreg s0  }
.LBB2_1:
0x2d: {  	s0 =	rddreg [dreg:$0x1]  }
0x2e: {  	[tilespmem:s7], [sflag:$0x5] =	stream.linear.gather [hbm4b:s0+s2], $0x2000, $0x38;
	[tilespmem:$0x18A00] =	vst v63  }
0x2f: {  	_ =	swait.ge [sflag:s8], $0x2000  }
0x30: {  	[sflag:s8] =	ssyncset.done $0x0  }
0x31: {  	s24 =	rddreg [dreg:$0xf];
	[sflag:s8] =	ssyncadd.s32 $0xFFFFE000  }
0x32: {  	[tilespmem:s9], [sflag:$0x5] =	stream.linear.gather [hbm4b:s24+s2], $0x800, $0x38;
	[tilespmem:$0x18A00] =	vst v63  }
0x33: {  	_ =	swait.ge [sflag:s8], $0x800  }
0x34: {  	[sflag:s8] =	ssyncset.done $0x0  }
0x35: {  	s26 =	rddreg [dreg:$0x10];
	[sflag:s8] =	ssyncadd.s32 $0xFFFFF800  }
0x36: {  	[tilespmem:s10], [sflag:$0x5] =	stream.linear.gather [hbm4b:s26+s2], $0x800, $0x38;
	[tilespmem:$0x18A00] =	vst v63  }
0x37: {  	_ =	swait.ge [sflag:s8], $0x800  }
0x38: {  	[sflag:s8] =	ssyncset.done $0x0  }
0x39: {  	s31 =	rddreg [dreg:$0x15];
	[sflag:s8] =	ssyncadd.s32 $0xFFFFF800  }
0x3a: {  	[spmem:s31] =	stream.linear.scatter [tilespmem:s7], [sflag:$0x5], $0x2000, $0x38;
	[tilespmem:$0x18A00] =	vst v63  }
0x3b: {  	_ =	swait.ge [sflag:s8], $0x2000  }
0x3c: {  	[sflag:s8] =	ssyncset.done $0x0  }
0x3d: {  	s24 =	rddreg [dreg:$0x16];
	[sflag:s8] =	ssyncadd.s32 $0xFFFFE000  }
0x3e: {  	[spmem:s24] =	stream.linear.scatter [tilespmem:s9], [sflag:$0x5], $0x800, $0x38;
	[tilespmem:$0x18A00] =	vst v63  }
0x3f: {  	_ =	swait.ge [sflag:s8], $0x800  }
0x40: {  	[sflag:s8] =	ssyncset.done $0x0  }
0x41: {  	[sflag:s8] =	ssyncadd.s32 $0xFFFFF800  }
0x42: {  	[spmem:s25] =	stream.linear.scatter [tilespmem:s7], [sflag:$0x5], $0x2000, $0x38;
	[tilespmem:$0x18A00] =	vst v63  }
0x43: {  	_ =	swait.ge [sflag:s8], $0x2000  }
0x44: {  	[sflag:s8] =	ssyncset.done $0x0  }
0x45: {  	s26 =	rddreg [dreg:$0x17];
	[sflag:s8] =	ssyncadd.s32 $0xFFFFE000  }
0x46: {  	[spmem:s26] =	stream.linear.scatter [tilespmem:s9], [sflag:$0x5], $0x800, $0x38;
	[tilespmem:$0x18A00] =	vst v63  }
0x47: {  	_ =	swait.ge [sflag:s8], $0x800  }
0x48: {  	[sflag:s8] =	ssyncset.done $0x0  }
0x49: {  	[sflag:s8] =	ssyncadd.s32 $0xFFFFF800  }
0x4a: {  	[spmem:s28] =	stream.linear.scatter [tilespmem:s7], [sflag:$0x5], $0x2000, $0x38;
	[tilespmem:$0x18A00] =	vst v63  }
0x4b: {  	_ =	swait.ge [sflag:s8], $0x2000  }
0x4c: {  	[sflag:s8] =	ssyncset.done $0x0  }
0x4d: {  	s31 =	rddreg [dreg:$0x18];
	[sflag:s8] =	ssyncadd.s32 $0xFFFFE000  }
0x4e: {  	[spmem:s31] =	stream.linear.scatter [tilespmem:s9], [sflag:$0x5], $0x800, $0x38;
	[tilespmem:$0x18A00] =	vst v63  }
0x4f: {  	_ =	swait.ge [sflag:s8], $0x800  }
0x50: {  	[sflag:s8] =	ssyncset.done $0x0  }
0x51: {  	[sflag:s8] =	ssyncadd.s32 $0xFFFFF800  }
0x52: {  	[spmem:s30] =	stream.linear.scatter [tilespmem:s7], [sflag:$0x5], $0x2000, $0x38;
	[tilespmem:$0x18A00] =	vst v63  }
0x53: {  	_ =	swait.ge [sflag:s8], $0x2000  }
0x54: {  	[sflag:s8] =	ssyncset.done $0x0  }
0x55: {  	s24 =	rddreg [dreg:$0x19];
	[sflag:s8] =	ssyncadd.s32 $0xFFFFE000  }
0x56: {  	[spmem:s24] =	stream.linear.scatter [tilespmem:s9], [sflag:$0x5], $0x800, $0x38;
	[tilespmem:$0x18A00] =	vst v63  }
0x57: {  	_ =	swait.ge [sflag:s8], $0x800  }
0x58: {  	[sflag:s8] =	ssyncset.done $0x0  }
0x59: {  	[sflag:s8] =	ssyncadd.s32 $0xFFFFF800  }
0x5a: {  	[spmem:s11] =	stream.linear.scatter [tilespmem:s7], [sflag:$0x5], $0x2000, $0x38;
	[tilespmem:$0x18A00] =	vst v63  }
0x5b: {  	_ =	swait.ge [sflag:s8], $0x2000  }
0x5c: {  	[sflag:s8] =	ssyncset.done $0x0  }
0x5d: {  	s26 =	rddreg [dreg:$0x1a];
	[sflag:s8] =	ssyncadd.s32 $0xFFFFE000  }
0x5e: {  	[spmem:s26] =	stream.linear.scatter [tilespmem:s9], [sflag:$0x5], $0x800, $0x38;
	[tilespmem:$0x18A00] =	vst v63  }
0x5f: {  	_ =	swait.ge [sflag:s8], $0x800  }
0x60: {  	[sflag:s8] =	ssyncset.done $0x0  }
0x61: {  	s31 =	rddreg [dreg:$0x11];
	[sflag:s8] =	ssyncadd.s32 $0xFFFFF800  }
0x62: {  	[tilespmem:s2], [sflag:$0x5] =	stream.linear.gather [hbm4b:s31+s2], $0x2900, $0x38;
	[tilespmem:$0x18A00] =	vst v63  }
0x63: {  	_ =	swait.ge [sflag:s8], $0x2900  }
0x64: {  	[sflag:s8] =	ssyncset.done $0x0  }
0x65: {  	s24 =	rddreg [dreg:$0x12];
	[sflag:s8] =	ssyncadd.s32 $0xFFFFD700  }
0x66: {  	[tilespmem:s14], [sflag:$0x5] =	stream.linear.gather [hbm4b:s24+s2], $0x2900, $0x38;
	[tilespmem:$0x18A00] =	vst v63  }
0x67: {  	_ =	swait.ge [sflag:s8], $0x2900  }
0x68: {  	[sflag:s8] =	ssyncset.done $0x0  }
0x69: {  	[sflag:s8] =	ssyncadd.s32 $0xFFFFD700  }
0x6a: {  	[bflag:$0x0] =	sbarrier.arrive $0xFFFF  }
0x6b: {  	[tilespmem:s17], [sflag:$0x1] =	stream.indirect.gather [hbm4b:s16+s15], $0x40, s2, s15, $0xb8;
	[tilespmem:$0x18A00] =	vst v63  }
0x6c: {  	_ = 	snop  }
0x6d: {  	[spmem:s13] =	stream.indirect.scatter.add.f32 [tilespmem:s10], [sflag:$0x3], $0x10, s14, s15, $0xb8;
	[tilespmem:$0x18A00] =	vst v63  }
0x6e: {  	s26 =	simm.s32 $0x2980  }
0x6f: {  	[spmem:s13] =	stream.indirect.scatter.add.f32 [tilespmem:s10], [sflag:$0x4], $0x10, s26, s15, $0xb8;
	[tilespmem:$0x18A00] =	vst v63  }
0x70: {  	s24 =	simm.s32 $0x80  }
0x71: {  	[tilespmem:s18], [sflag:$0x2] =	stream.indirect.gather [hbm4b:s16+s15], $0x40, s24, s15, $0xb8;
	[tilespmem:$0x18A00] =	vst v63  }
0x72: {  	_ =	swait.ge [sflag:s19], $0x2000  }
0x73: {  	[sflag:s19] =	ssyncset.done $0x0  }
0x74: {  	s31 =	simm.s32 $0x2900;
	[sflag:s19] =	ssyncadd.s32 $0xFFFFE000  }
0x75: {  	[spmem:s12] =	stream.indirect.scatter.add.f32 [tilespmem:s17], [sflag:$0x5], $0x40, s31, s15, $0xb8;
	[tilespmem:$0x18A00] =	vst v63  }
0x76: {  	_ =	swait.ge [sflag:s8], $0x2000  }
0x77: {  	[sflag:s8] =	ssyncset.done $0x0  }
0x78: {  	[sflag:s8] =	ssyncadd.s32 $0xFFFFE000  }
0x79: {  	_ =	swait.ge [sflag:s20], $0x800  }
0x7a: {  	[sflag:s20] =	ssyncset.done $0x0  }
0x7b: {  	s0 =	simm.s32 $0x2A00;
	[sflag:s20] =	ssyncadd.s32 $0xFFFFF800  }
0x7c: {  	[spmem:s13] =	stream.indirect.scatter.add.f32 [tilespmem:s10], [sflag:$0x3], $0x10, s0, s15, $0xb8;
	[tilespmem:$0x18A00] =	vst v63  }
0x7d: {  	s26 =	simm.s32 $0x100  }
0x7e: {  	[tilespmem:s17], [sflag:$0x1] =	stream.indirect.gather [hbm4b:s16+s15], $0x40, s26, s15, $0xb8;
	[tilespmem:$0x18A00] =	vst v63  }
0x7f: {  	_ =	swait.ge [sflag:s21], $0x2000  }
0x80: {  	[sflag:s21] =	ssyncset.done $0x0  }
0x81: {  	s31 =	simm.s32 $0x2980;
	[sflag:s21] =	ssyncadd.s32 $0xFFFFE000  }
0x82: {  	[spmem:s12] =	stream.indirect.scatter.add.f32 [tilespmem:s18], [sflag:$0x5], $0x40, s31, s15, $0xb8;
	[tilespmem:$0x18A00] =	vst v63  }
0x83: {  	_ =	swait.ge [sflag:s8], $0x2000  }
0x84: {  	[sflag:s8] =	ssyncset.done $0x0  }
0x85: {  	[sflag:s8] =	ssyncadd.s32 $0xFFFFE000  }
0x86: {  	_ =	swait.ge [sflag:s22], $0x800  }
0x87: {  	s29 =	simm.s32 $0x2A80;
	[sflag:s22] =	ssyncset.done $0x0  }
0x88: {  	s24 =	simm.s32 $0x100;
	s26 =	simm.s32 $0x800;
	[sflag:s22] =	ssyncadd.s32 $0xFFFFF800  }
.LBB2_2:
0x89: {  	[spmem:s13] =	stream.indirect.scatter.add.f32 [tilespmem:s10], [sflag:$0x4], $0x10, s29, s15, $0xb8;
	[tilespmem:$0x18A00] =	vst v63  }
0x8a: {  	s29 =	smov.u32 s26  }
0x8b: {  	s0 =	sadd.s32 $0x400, s26;
	s31 =	sshra.s32 s29, $0x2;
	s29 =	sadd.s32 $0x80, s24  }
0x8c: {  	[tilespmem:s18], [sflag:$0x2] =	stream.indirect.gather [hbm4b:s16+s15], $0x40, s29, s15, $0xb8;
	[tilespmem:$0x18A00] =	vst v63  }
0x8d: {  	p0 =	sne.s32 s26, $0x9C00;
	_ =	swait.ge [sflag:s19], $0x2000  }
0x8e: {  	[sflag:s19] =	ssyncset.done $0x0  }
0x8f: {  	s26 =	sadd.s32 $0x2900, s24;
	[sflag:s19] =	ssyncadd.s32 $0xFFFFE000  }
0x90: {  	[spmem:s12] =	stream.indirect.scatter.add.f32 [tilespmem:s17], [sflag:$0x5], $0x40, s26, s15, $0xb8;
	[tilespmem:$0x18A00] =	vst v63  }
0x91: {  	_ =	swait.ge [sflag:s8], $0x2000  }
0x92: {  	[sflag:s8] =	ssyncset.done $0x0  }
0x93: {  	[sflag:s8] =	ssyncadd.s32 $0xFFFFE000  }
0x94: {  	_ =	swait.ge [sflag:s20], $0x800  }
0x95: {  	[sflag:s20] =	ssyncset.done $0x0  }
0x96: {  	s26 =	sadd.s32 $0x2A00, s24;
	[sflag:s20] =	ssyncadd.s32 $0xFFFFF800  }
0x97: {  	[spmem:s13] =	stream.indirect.scatter.add.f32 [tilespmem:s10], [sflag:$0x3], $0x10, s26, s15, $0xb8;
	[tilespmem:$0x18A00] =	vst v63  }
0x98: {  	s26 =	sadd.s32 $0x100, s24  }
0x99: {  	[tilespmem:s17], [sflag:$0x1] =	stream.indirect.gather [hbm4b:s16+s15], $0x40, s26, s15, $0xb8;
	[tilespmem:$0x18A00] =	vst v63  }
0x9a: {  	_ =	swait.ge [sflag:s21], $0x2000  }
0x9b: {  	[sflag:s21] =	ssyncset.done $0x0  }
0x9c: {  	s26 =	sadd.s32 $0x2980, s24;
	[sflag:s21] =	ssyncadd.s32 $0xFFFFE000  }
0x9d: {  	[spmem:s12] =	stream.indirect.scatter.add.f32 [tilespmem:s18], [sflag:$0x5], $0x40, s26, s15, $0xb8;
	[tilespmem:$0x18A00] =	vst v63  }
0x9e: {  	_ =	swait.ge [sflag:s8], $0x2000  }
.Ltmp0:
0x9f: {  	[sflag:s8] =	ssyncset.done $0x0;
	(pc) =	sbr.rel @p0 .LBB2_2-.Ltmp0, $4  }
0xa0: {  	[sflag:s8] =	ssyncadd.s32 $0xFFFFE000  }
0xa1: {  	_ =	swait.ge [sflag:s22], $0x800  }
0xa2: {  	s29 =	sadd.s32 $0x2A80, s24;
	[sflag:s22] =	ssyncset.done $0x0  }
0xa3: {  	s24 =	smov.u32 s31;
	s26 =	smov.u32 s0;
	[sflag:s22] =	ssyncadd.s32 $0xFFFFF800  }
0xa4: {  	[spmem:s13] =	stream.indirect.scatter.add.f32 [tilespmem:s10], [sflag:$0x4], $0x10, s29, s15, $0xb8;
	[tilespmem:$0x18A00] =	vst v63  }
0xa5: {  	s0 =	sadd.s32 $0x80, s24  }
0xa6: {  	[tilespmem:s18], [sflag:$0x2] =	stream.indirect.gather [hbm4b:s16+s15], $0x40, s0, s15, $0xb8;
	[tilespmem:$0x18A00] =	vst v63  }
0xa7: {  	_ =	swait.ge [sflag:s19], $0x2000  }
0xa8: {  	[sflag:s19] =	ssyncset.done $0x0  }
0xa9: {  	s29 =	sadd.s32 $0x2900, s24;
	[sflag:s19] =	ssyncadd.s32 $0xFFFFE000  }
0xaa: {  	[spmem:s12] =	stream.indirect.scatter.add.f32 [tilespmem:s17], [sflag:$0x5], $0x40, s29, s15, $0xb8;
	[tilespmem:$0x18A00] =	vst v63  }
0xab: {  	_ =	swait.ge [sflag:s8], $0x2000  }
0xac: {  	[sflag:s8] =	ssyncset.done $0x0  }
0xad: {  	[sflag:s8] =	ssyncadd.s32 $0xFFFFE000  }
0xae: {  	_ =	swait.ge [sflag:s20], $0x800  }
0xaf: {  	[sflag:s20] =	ssyncset.done $0x0  }
0xb0: {  	s31 =	sadd.s32 $0x2A00, s24;
	[sflag:s20] =	ssyncadd.s32 $0xFFFFF800  }
0xb1: {  	[spmem:s13] =	stream.indirect.scatter.add.f32 [tilespmem:s10], [sflag:$0x3], $0x10, s31, s15, $0xb8;
	[tilespmem:$0x18A00] =	vst v63  }
0xb2: {  	s26 =	sadd.s32 $0x100, s24  }
0xb3: {  	[tilespmem:s17], [sflag:$0x1] =	stream.indirect.gather [hbm4b:s16+s15], $0x40, s26, s15, $0xb8;
	[tilespmem:$0x18A00] =	vst v63  }
0xb4: {  	_ =	swait.ge [sflag:s21], $0x2000  }
0xb5: {  	[sflag:s21] =	ssyncset.done $0x0  }
0xb6: {  	s29 =	sadd.s32 $0x2980, s24;
	[sflag:s21] =	ssyncadd.s32 $0xFFFFE000  }
0xb7: {  	[spmem:s12] =	stream.indirect.scatter.add.f32 [tilespmem:s18], [sflag:$0x5], $0x40, s29, s15, $0xb8;
	[tilespmem:$0x18A00] =	vst v63  }
0xb8: {  	_ =	swait.ge [sflag:s8], $0x2000  }
0xb9: {  	[sflag:s8] =	ssyncset.done $0x0  }
0xba: {  	[sflag:s8] =	ssyncadd.s32 $0xFFFFE000  }
0xbb: {  	_ =	swait.ge [sflag:s22], $0x800  }
0xbc: {  	[sflag:s22] =	ssyncset.done $0x0  }
0xbd: {  	s31 =	sadd.s32 $0x2A80, s24;
	[sflag:s22] =	ssyncadd.s32 $0xFFFFF800  }
0xbe: {  	[spmem:s13] =	stream.indirect.scatter.add.f32 [tilespmem:s10], [sflag:$0x4], $0x10, s31, s15, $0xb8;
	[tilespmem:$0x18A00] =	vst v63  }
0xbf: {  	_ =	swait.ge [sflag:s19], $0x2000  }
0xc0: {  	[sflag:s19] =	ssyncset.done $0x0  }
0xc1: {  	[sflag:s19] =	ssyncadd.s32 $0xFFFFE000  }
0xc2: {  	_ =	swait.ge [sflag:s20], $0x800  }
0xc3: {  	[sflag:s20] =	ssyncset.done $0x0  }
0xc4: {  	[sflag:s20] =	ssyncadd.s32 $0xFFFFF800  }
0xc5: {  	_ =	swait.ge [sflag:s22], $0x800  }
0xc6: {  	[sflag:s22] =	ssyncset.done $0x0  }
0xc7: {  	[sflag:s22] =	ssyncadd.s32 $0xFFFFF800  }
0xc8: {  	[bflag:$0x0] =	sbarrier.arrive $0xFFFF  }
0xc9: {  	s24 =	rddreg [dreg:$0x14]  }
0xca: {  	[tilespmem:s17], [sflag:$0x5] =	stream.linear.gather [spmem:s24], $0x2000, $0x38;
	[tilespmem:$0x18A00] =	vst v63  }
0xcb: {  	_ =	swait.ge [sflag:s8], $0x2000  }
0xcc: {  	[sflag:s8] =	ssyncset.done $0x0  }
0xcd: {  	s26 =	rddreg [dreg:$0x5];
	[sflag:s8] =	ssyncadd.s32 $0xFFFFE000  }
0xce: {  	[hbm4b:s26+s2] =	stream.linear.scatter [tilespmem:s17], [sflag:$0x5], $0x2000, $0x38;
	[tilespmem:$0x18A00] =	vst v63  }
0xcf: {  	_ =	swait.ge [sflag:s8], $0x2000  }
0xd0: {  	[sflag:s8] =	ssyncset.done $0x0  }
0xd1: {  	[sflag:s8] =	ssyncadd.s32 $0xFFFFE000  }
0xd2: {  	[tilespmem:s9], [sflag:$0x5] =	stream.linear.gather [spmem:s1], $0x800, $0x38;
	[tilespmem:$0x18A00] =	vst v63  }
0xd3: {  	_ =	swait.ge [sflag:s8], $0x800  }
0xd4: {  	[sflag:s8] =	ssyncset.done $0x0  }
0xd5: {  	s29 =	rddreg [dreg:$0xa];
	[sflag:s8] =	ssyncadd.s32 $0xFFFFF800  }
0xd6: {  	[hbm4b:s29+s2] =	stream.linear.scatter [tilespmem:s9], [sflag:$0x5], $0x800, $0x38;
	[tilespmem:$0x18A00] =	vst v63  }
0xd7: {  	_ =	swait.ge [sflag:s8], $0x800  }
0xd8: {  	[sflag:s8] =	ssyncset.done $0x0  }
0xd9: {  	[sflag:s8] =	ssyncadd.s32 $0xFFFFF800  }
0xda: {  	[tilespmem:s17], [sflag:$0x5] =	stream.linear.gather [spmem:s25], $0x2000, $0x38;
	[tilespmem:$0x18A00] =	vst v63  }
0xdb: {  	_ =	swait.ge [sflag:s8], $0x2000  }
0xdc: {  	[sflag:s8] =	ssyncset.done $0x0  }
0xdd: {  	s31 =	rddreg [dreg:$0x6];
	[sflag:s8] =	ssyncadd.s32 $0xFFFFE000  }
0xde: {  	[hbm4b:s31+s2] =	stream.linear.scatter [tilespmem:s17], [sflag:$0x5], $0x2000, $0x38;
	[tilespmem:$0x18A00] =	vst v63  }
0xdf: {  	_ =	swait.ge [sflag:s8], $0x2000  }
0xe0: {  	[sflag:s8] =	ssyncset.done $0x0  }
0xe1: {  	[sflag:s8] =	ssyncadd.s32 $0xFFFFE000  }
0xe2: {  	[tilespmem:s9], [sflag:$0x5] =	stream.linear.gather [spmem:s3], $0x800, $0x38;
	[tilespmem:$0x18A00] =	vst v63  }
0xe3: {  	_ =	swait.ge [sflag:s8], $0x800  }
0xe4: {  	[sflag:s8] =	ssyncset.done $0x0  }
0xe5: {  	s24 =	rddreg [dreg:$0xb];
	[sflag:s8] =	ssyncadd.s32 $0xFFFFF800  }
0xe6: {  	[hbm4b:s24+s2] =	stream.linear.scatter [tilespmem:s9], [sflag:$0x5], $0x800, $0x38;
	[tilespmem:$0x18A00] =	vst v63  }
0xe7: {  	_ =	swait.ge [sflag:s8], $0x800  }
0xe8: {  	[sflag:s8] =	ssyncset.done $0x0  }
0xe9: {  	[sflag:s8] =	ssyncadd.s32 $0xFFFFF800  }
0xea: {  	[tilespmem:s17], [sflag:$0x5] =	stream.linear.gather [spmem:s28], $0x2000, $0x38;
	[tilespmem:$0x18A00] =	vst v63  }
0xeb: {  	_ =	swait.ge [sflag:s8], $0x2000  }
0xec: {  	[sflag:s8] =	ssyncset.done $0x0  }
0xed: {  	s26 =	rddreg [dreg:$0x7];
	[sflag:s8] =	ssyncadd.s32 $0xFFFFE000  }
0xee: {  	[hbm4b:s26+s2] =	stream.linear.scatter [tilespmem:s17], [sflag:$0x5], $0x2000, $0x38;
	[tilespmem:$0x18A00] =	vst v63  }
0xef: {  	_ =	swait.ge [sflag:s8], $0x2000  }
0xf0: {  	[sflag:s8] =	ssyncset.done $0x0  }
0xf1: {  	[sflag:s8] =	ssyncadd.s32 $0xFFFFE000  }
0xf2: {  	[tilespmem:s9], [sflag:$0x5] =	stream.linear.gather [spmem:s4], $0x800, $0x38;
	[tilespmem:$0x18A00] =	vst v63  }
0xf3: {  	_ =	swait.ge [sflag:s8], $0x800  }
0xf4: {  	[sflag:s8] =	ssyncset.done $0x0  }
0xf5: {  	s29 =	rddreg [dreg:$0xc];
	[sflag:s8] =	ssyncadd.s32 $0xFFFFF800  }
0xf6: {  	[hbm4b:s29+s2] =	stream.linear.scatter [tilespmem:s9], [sflag:$0x5], $0x800, $0x38;
	[tilespmem:$0x18A00] =	vst v63  }
0xf7: {  	_ =	swait.ge [sflag:s8], $0x800  }
0xf8: {  	[sflag:s8] =	ssyncset.done $0x0  }
0xf9: {  	[sflag:s8] =	ssyncadd.s32 $0xFFFFF800  }
0xfa: {  	[tilespmem:s17], [sflag:$0x5] =	stream.linear.gather [spmem:s30], $0x2000, $0x38;
	[tilespmem:$0x18A00] =	vst v63  }
0xfb: {  	_ =	swait.ge [sflag:s8], $0x2000  }
0xfc: {  	[sflag:s8] =	ssyncset.done $0x0  }
0xfd: {  	s31 =	rddreg [dreg:$0x8];
	[sflag:s8] =	ssyncadd.s32 $0xFFFFE000  }
0xfe: {  	[hbm4b:s31+s2] =	stream.linear.scatter [tilespmem:s17], [sflag:$0x5], $0x2000, $0x38;
	[tilespmem:$0x18A00] =	vst v63  }
0xff: {  	_ =	swait.ge [sflag:s8], $0x2000  }
0x100: {  	[sflag:s8] =	ssyncset.done $0x0  }
0x101: {  	[sflag:s8] =	ssyncadd.s32 $0xFFFFE000  }
0x102: {  	[tilespmem:s9], [sflag:$0x5] =	stream.linear.gather [spmem:s5], $0x800, $0x38;
	[tilespmem:$0x18A00] =	vst v63  }
0x103: {  	_ =	swait.ge [sflag:s8], $0x800  }
0x104: {  	[sflag:s8] =	ssyncset.done $0x0  }
0x105: {  	s24 =	rddreg [dreg:$0xd];
	[sflag:s8] =	ssyncadd.s32 $0xFFFFF800  }
0x106: {  	[hbm4b:s24+s2] =	stream.linear.scatter [tilespmem:s9], [sflag:$0x5], $0x800, $0x38;
	[tilespmem:$0x18A00] =	vst v63  }
0x107: {  	_ =	swait.ge [sflag:s8], $0x800  }
0x108: {  	[sflag:s8] =	ssyncset.done $0x0  }
0x109: {  	[sflag:s8] =	ssyncadd.s32 $0xFFFFF800  }
0x10a: {  	[tilespmem:s17], [sflag:$0x5] =	stream.linear.gather [spmem:s11], $0x2000, $0x38;
	[tilespmem:$0x18A00] =	vst v63  }
0x10b: {  	_ =	swait.ge [sflag:s8], $0x2000  }
0x10c: {  	[sflag:s8] =	ssyncset.done $0x0  }
0x10d: {  	s26 =	rddreg [dreg:$0x9];
	[sflag:s8] =	ssyncadd.s32 $0xFFFFE000  }
0x10e: {  	[hbm4b:s26+s2] =	stream.linear.scatter [tilespmem:s17], [sflag:$0x5], $0x2000, $0x38;
	[tilespmem:$0x18A00] =	vst v63  }
0x10f: {  	_ =	swait.ge [sflag:s8], $0x2000  }
0x110: {  	[sflag:s8] =	ssyncset.done $0x0  }
0x111: {  	[sflag:s8] =	ssyncadd.s32 $0xFFFFE000  }
0x112: {  	[tilespmem:s9], [sflag:$0x5] =	stream.linear.gather [spmem:s6], $0x800, $0x38;
	[tilespmem:$0x18A00] =	vst v63  }
0x113: {  	_ =	swait.ge [sflag:s8], $0x800  }
0x114: {  	[sflag:s8] =	ssyncset.done $0x0  }
0x115: {  	s29 =	rddreg [dreg:$0xe];
	[sflag:s8] =	ssyncadd.s32 $0xFFFFF800  }
0x116: {  	[hbm4b:s29+s2] =	stream.linear.scatter [tilespmem:s9], [sflag:$0x5], $0x800, $0x38;
	[tilespmem:$0x18A00] =	vst v63  }
0x117: {  	_ =	swait.ge [sflag:s8], $0x800  }
0x118: {  	s23 =	sadd.s32 $0x1, s23;
	s31 =	rddreg [dreg:$0x13]  }
0x119: {  	p0 =	sne.s32 s23, s31  }
.Ltmp1:
0x11a: {  	_ = 	snop;
	(pc) =	sbr.rel @p0 .LBB2_1-.Ltmp1, $3  }
0x11b: {  	_ =	sdelay $0x1  }
0x11c: {  	[sflag:s8] =	ssyncset.done $0x0  }
0x11d: {  	[sflag:s8] =	ssyncadd.s32 $0xFFFFF800  }
0x11e: {  	_ =	sfence.sel $0x180000  }
0x11f: {  	[bflag:$0x0] =	sbarrier.arrive $0xFFFF  }
0x120: {  	_ =	strace $0x90000047  }
0x121: {  	s0 =	stileid.u32;
	[bflag:$0x2] =	sbarrier.arrive $0xFFFF  }
0x122: {  	p0 =	sne.s32 s0, $0x0;
	s0 =	rddreg [dreg:$0x4]  }
0x123: {  	s0 =	sadd.s32 @!p0 $0x100000, s0  }
0x124: {  	[sflag:s0] =	ssyncadd.tile.s32 @!p0 $0x1;
	_ =	shalt  }
.Lfunc_end2:
_tile_overlayer_lowered:
.L_overlay_start_2:
0x125: {  	(tag) =	ssettag $0x2  }
0x126: {  	s0 =	rddreg [dreg:$0x0];
	s2 =	stileid.u32  }
0x127: {  	s1 =	rddreg [dreg:$0x1];
	p0 =	sne.s32 s2, $0x0  }
0x128: {  	s3 =	rddreg [dreg:$0x2];
	[bflag:$0x3] =	sbarrier.arrive $0xFFFF;
	s2 =	simm.s32 @!p0 $0x1C05  }
0x129: {  	[timem:s3], [sflag:s2] =	dma.local @!p0 [hbm:s0], s1  }
0x12a: {  	s0 =	simm.s32 @!p0 $0x5  }
0x12b: {  	_ =	swait.ge @!p0 [sflag:s0], s1  }
0x12c: {  	s1 =	ssub.s32 @!p0 $0x0, s1;
	[sflag:s0] =	ssyncset.done @!p0 $0x0  }
0x12d: {  	[sflag:s0] =	ssyncadd.s32 @!p0 s1  }
0x12e: {  	[bflag:$0x3] =	sbarrier.arrive $0xFFFF  }
0x12f: {  	_ =	shalt  }

</sc_bundles>
